<compile_context>
chip_gen: v7x
topology: tpu7x:2x2x1
jax: 0.10.2.dev20260603
libtpu: 0.0.44.dev20260713+nightly
codegen_flags: <defaults>
</compile_context>

<pallas_src>
import functools

import jax
import jax.numpy as jnp
from jax import lax
from jax.experimental import pallas as pl
from jax.experimental.pallas import tpu as pltpu
from jax.experimental.pallas import tpu_sc as plsc

L = 16
NC = 2
NS = 16
NW = NC * NS
K = 16
G = 4
BIG = 3.0e38


CHUNK = 2048


def _knn_body(cex_hbm, cbf_hbm, qs_hbm, qe_hbm, idx_hbm, deg_hbm,
              cbf_v, xsq_v, cex_v, qs_v, qe_v, out_v, deg_v, npad, rows):
    wid = lax.axis_index("s") * NC + lax.axis_index("c")
    base = wid * rows

    pltpu.sync_copy(cbf_hbm, cbf_v)
    pltpu.sync_copy(qs_hbm.at[pl.ds(base, rows)], qs_v)
    pltpu.sync_copy(qe_hbm.at[pl.ds(base, rows)], qe_v)

    iota = lax.iota(jnp.int32, L)
    n_groups = rows // L

    for ch in range(npad // CHUNK):
        pltpu.sync_copy(cex_hbm.at[:, pl.ds(ch * CHUNK, CHUNK)], cex_v)

        def xsq_body(i, c, ch=ch):
            x0 = cex_v[0, pl.ds(i * L, L)]
            x1 = cex_v[1, pl.ds(i * L, L)]
            x2 = cex_v[2, pl.ds(i * L, L)]
            xsq_v[pl.ds(ch * CHUNK + i * L, L)] = (x0 * x0 + x1 * x1) + x2 * x2
            return c

        lax.fori_loop(0, CHUNK // L, xsq_body, 0)

    def group_body(g, deg_carry):
        del deg_carry
        deg_acc = jnp.zeros((L,), jnp.int32)
        gbase = g * L
        qs16 = qs_v[pl.ds(gbase, L)]
        qe16 = qe_v[pl.ds(gbase, L)]
        qx16 = cbf_v[0, pl.ds(base + gbase, L)]
        qy16 = cbf_v[1, pl.ds(base + gbase, L)]
        qz16 = cbf_v[2, pl.ds(base + gbase, L)]
        qn16 = xsq_v[pl.ds(base + gbase, L)]
        for s in range(L // G):
            jj = g * L + s * G
            qs_s = [qs16[s * G + j] for j in range(G)]
            qe_s = [qe16[s * G + j] for j in range(G)]
            lo = qs_s[0]
            hi = qe_s[0]
            for j in range(1, G):
                lo = jnp.minimum(lo, qs_s[j])
                hi = jnp.maximum(hi, qe_s[j])
            c0 = (lo // L) * L
            n_it = (hi - c0 + (L - 1)) // L

            qsp = []
            for j in range(G):
                lane = s * G + j
                qx = jnp.full((L,), 2.0 * qx16[lane])
                qy = jnp.full((L,), 2.0 * qy16[lane])
                qz = jnp.full((L,), 2.0 * qz16[lane])
                qn = jnp.full((L,), qn16[lane])
                qi = jnp.full((L,), base + jj + j, jnp.int32)
                s0 = jnp.full((L,), qs_s[j], jnp.int32)
                e0 = jnp.full((L,), qe_s[j], jnp.int32)
                qsp.append((qx, qy, qz, qn, qi, s0, e0))

            init = []
            for j in range(G):
                init.append(jnp.full((L,), BIG, jnp.float32))
                init.append(jnp.zeros((L,), jnp.int32))

            @plsc.parallel_loop(0, n_it, 1, carry=tuple(init))
            def res(i, carry):
                cb = c0 + i * L
                xs = cbf_v[0, pl.ds(cb, L)]
                ys = cbf_v[1, pl.ds(cb, L)]
                zs = cbf_v[2, pl.ds(cb, L)]
                ns = xsq_v[pl.ds(cb, L)]
                cidx = jnp.full((L,), cb, jnp.int32) + iota
                new = []
                for j in range(G):
                    qx, qy, qz, qn, qi, s0, e0 = qsp[j]
                    bd = carry[2 * j]
                    bi = carry[2 * j + 1]
                    dot2 = qx * xs + qy * ys + qz * zs
                    d = (qn + ns) - dot2
                    bad = (cidx < s0) | (cidx >= e0)
                    d = jnp.where(bad, jnp.float32(BIG), d)
                    ds, is_ = plsc.sort_key_val(d, cidx, descending=True)
                    m = bd <= ds
                    lo_d = jnp.where(m, bd, ds)
                    lo_i = jnp.where(m, bi, is_)
                    nbd, nbi = plsc.sort_key_val(lo_d, lo_i)
                    new.append(nbd)
                    new.append(nbi)
                return tuple(new)
            for j in range(G):
                bi = res[2 * j + 1]
                qi = qsp[j][4]
                keep = bi != qi
                plsc.store_compressed(out_v.at[jj + j], bi, mask=keep)
                p = plsc.all_reduce_population_count(keep)
                deg_acc = jnp.where(iota == (s * G + j), p, deg_acc)
        deg_v[pl.ds(g * L, L)] = deg_acc
        return 0

    lax.fori_loop(0, n_groups, group_body, 0)

    pltpu.sync_copy(out_v, idx_hbm.at[pl.ds(base, rows)])
    pltpu.sync_copy(deg_v, deg_hbm.at[pl.ds(base, rows)])


def _build_knn(npad, rows):
    mesh = plsc.VectorSubcoreMesh(
        core_axis_name="c", subcore_axis_name="s",
        num_cores=NC, num_subcores=NS)
    body = functools.partial(_knn_body, npad=npad, rows=rows)
    return pl.kernel(
        body,
        out_type=[
            jax.ShapeDtypeStruct((npad, K), jnp.int32),
            jax.ShapeDtypeStruct((npad,), jnp.int32),
        ],
        mesh=mesh,
        scratch_types=[
            pltpu.VMEM((3, npad), jnp.float32),
            pltpu.VMEM((npad,), jnp.float32),
            pltpu.VMEM((3, CHUNK), jnp.float32),
            pltpu.VMEM((rows,), jnp.int32),
            pltpu.VMEM((rows,), jnp.int32),
            pltpu.VMEM((rows, K), jnp.int32),
            pltpu.VMEM((rows,), jnp.int32),
        ],
        compiler_params=pltpu.CompilerParams(needs_layout_passes=False),
    )


def kernel(node_coord_src, batch_src):
    n = node_coord_src.shape[0]
    n_batch = 4
    npad = ((n + NW * L - 1) // (NW * L)) * (NW * L)
    rows = npad // NW

    bounds = jnp.searchsorted(batch_src, jnp.arange(n_batch + 1, dtype=jnp.int32))
    bounds = bounds.astype(jnp.int32)
    qstart = bounds[batch_src]
    qend = bounds[batch_src + 1]
    qstart = jnp.concatenate([qstart, jnp.zeros((npad - n,), jnp.int32)])
    qend = jnp.concatenate([qend, jnp.zeros((npad - n,), jnp.int32)])

    coords_t = jnp.zeros((3, npad), jnp.float32)
    coords_t = coords_t.at[:, :n].set(node_coord_src.T)
    bits = lax.bitcast_convert_type(coords_t, jnp.uint32)
    bits = (bits + jnp.uint32(0x7FFF) + ((bits >> 16) & jnp.uint32(1)))
    bits = bits & jnp.uint32(0xFFFF0000)
    coords_bf = lax.bitcast_convert_type(bits, jnp.float32)

    idx16, deg = _build_knn(npad, rows)(coords_t, coords_bf, qstart, qend)

    edge_src = idx16[:n, :K - 1].reshape(-1)
    edge_dst = jnp.broadcast_to(
        jnp.arange(n, dtype=jnp.int32)[:, None], (n, K - 1)).reshape(-1)
    degree = deg[:n]
    node_dst_idx = jnp.arange(n, dtype=jnp.int32)
    return (node_coord_src, edge_src, edge_dst, degree, batch_src, node_dst_idx)

# --- scband reference (transcript-rebuilt; emitter-appended) ---
"""Pipeline reference for scband-urand-knn-pool-33036888441077 (READ-ONLY COPY).

The authoritative reference and input builder live on the scoring server;
editing this copy changes nothing except your own understanding.
"""

import jax, jax.numpy as jnp
import numpy as np

RATIO = 1.0
MAX_NUM_NEIGHBORS = 16
N_NODES = 10000
N_BATCH = 4


def setup_inputs(seed: int = 0) -> dict:
    key = jax.random.key(seed)
    k1, k2 = jax.random.split(key)
    node_coord_src = jax.random.normal(k1, (N_NODES, 3), dtype=jnp.float32)
    batch_src = jnp.sort(jax.random.randint(k2, (N_NODES,), 0, N_BATCH, dtype=jnp.int32))
    return {"node_coord_src": node_coord_src, "batch_src": batch_src}


def _knn(x, y, k, batch_x, batch_y):
    # For each row of y, find k nearest rows of x (squared L2), restricted to same batch.
    # Returns (edge_dst, edge_src): edge_dst indexes y, edge_src indexes x.
    N_y = y.shape[0]
    x_sq = jnp.sum(x * x, axis=1)
    chunk = 1000
    idx_list = []
    for start in range(0, N_y, chunk):
        yc = y[start:start + chunk]
        byc = batch_y[start:start + chunk]
        d = jnp.sum(yc * yc, axis=1)[:, None] + x_sq[None, :] - 2.0 * (yc @ x.T)
        d = jnp.where(byc[:, None] != batch_x[None, :], jnp.inf, d)
        _, idx = jax.lax.top_k(-d, k)
        idx_list.append(idx)
    idx = jnp.concatenate(idx_list, axis=0)
    edge_dst = jnp.repeat(jnp.arange(N_y, dtype=jnp.int32), k)
    edge_src = idx.reshape(-1).astype(jnp.int32)
    return edge_dst, edge_src


def reference(node_coord_src, batch_src):
    N = node_coord_src.shape[0]
    # ratio == 1.0 branch: node_dst_idx = arange(N) (deterministic)
    node_dst_idx = jnp.arange(N, dtype=jnp.int32)
    node_coord_dst = jnp.take(node_coord_src, node_dst_idx, axis=0)
    batch_dst = jnp.take(batch_src, node_dst_idx, axis=0)
    N_nodes = node_dst_idx.shape[0]
    edge_dst, edge_src = _knn(node_coord_src, node_coord_dst, MAX_NUM_NEIGHBORS, batch_src, batch_dst)
    # remove self-edges
    mask = node_dst_idx[edge_dst] != edge_src
    n_keep = N_nodes * (MAX_NUM_NEIGHBORS - 1)
    sel = jnp.argsort((~mask).astype(jnp.int32), stable=True)[:n_keep]
    edge_src = edge_src[sel]
    edge_dst = edge_dst[sel]
    degree = jax.ops.segment_sum(jnp.ones_like(edge_dst), edge_dst, num_segments=N_nodes)
    return (node_coord_dst, edge_src, edge_dst, degree, batch_dst, node_dst_idx)

if __name__ == "__main__":
    import jax
    _d = setup_inputs()
    print(jax.jit(kernel)(*tuple(_d.values())))

</pallas_src>

<mosaic_0001>
#map = affine_map<(d0, d1) -> (0, 0)>
#map1 = affine_map<(d0, d1) -> (0)>
module attributes {stable_mosaic.version = 14 : i64} {
  func.func @_knn_body(%arg0: i32, %arg1: i32, %arg2: memref<3x10240xf32, #tpu.memory_space<hbm>>, %arg3: memref<3x10240xf32, #tpu.memory_space<hbm>>, %arg4: memref<10240xi32, #tpu.memory_space<hbm>>, %arg5: memref<10240xi32, #tpu.memory_space<hbm>>, %arg6: memref<10240x16xi32, #tpu.memory_space<hbm>>, %arg7: memref<10240xi32, #tpu.memory_space<hbm>>, %arg8: memref<3x10240xf32, #tpu.memory_space<vmem>>, %arg9: memref<10240xf32, #tpu.memory_space<vmem>>, %arg10: memref<3x2048xf32, #tpu.memory_space<vmem>>, %arg11: memref<320xi32, #tpu.memory_space<vmem>>, %arg12: memref<320xi32, #tpu.memory_space<vmem>>, %arg13: memref<320x16xi32, #tpu.memory_space<vmem>>, %arg14: memref<320xi32, #tpu.memory_space<vmem>>) attributes {dimension_semantics = [#tpu.dimension_semantics<core_parallel>, #tpu.dimension_semantics<subcore_parallel>], iteration_bounds = array<i64: 2, 16>, scalar_prefetch = 0 : i64, scratch_operands = 7 : i64, tpu.core_type = #tpu.core_type<sc_vector_subcore>, window_params = [{transform_indices = #map}, {transform_indices = #map}, {transform_indices = #map1}, {transform_indices = #map1}, {transform_indices = #map}, {transform_indices = #map1}]} {
    %mul3A = arith.constant 2 : i32
    %mul3A_0 = arith.muli %arg1, %mul3A : i32
    %add3A = arith.addi %mul3A_0, %arg0 : i32
    %mul3A_1 = arith.constant 320 : i32
    %mul3A_2 = arith.muli %add3A, %mul3A_1 : i32
    "tpu.region"() ({
      %run_scoped3A = tpu.sem_alloc : memref<!tpu.dma_semaphore, #tpu.memory_space<semaphore_mem>>
      tpu.enqueue_dma source(%arg3 : memref<3x10240xf32, #tpu.memory_space<hbm>>) target(%arg8 : memref<3x10240xf32, #tpu.memory_space<vmem>>) target_semaphore(%run_scoped3A : memref<!tpu.dma_semaphore, #tpu.memory_space<semaphore_mem>>)
      tpu.wait_dma2 semaphore(%run_scoped3A : memref<!tpu.dma_semaphore, #tpu.memory_space<semaphore_mem>>) src(%arg3 : memref<3x10240xf32, #tpu.memory_space<hbm>>) dst(%arg8 : memref<3x10240xf32, #tpu.memory_space<vmem>>)
      tpu.yield
    }) : () -> ()
    "tpu.region"() ({
      %run_scoped3A = tpu.sem_alloc : memref<!tpu.dma_semaphore, #tpu.memory_space<semaphore_mem>>
      %dma_start3A = tpu.memref_slice %arg4[%mul3A_2] : memref<10240xi32, #tpu.memory_space<hbm>> -> memref<320xi32, #tpu.memory_space<hbm>>
      %dma_start3A_39 = tpu.memref_slice %arg4[%mul3A_2] : memref<10240xi32, #tpu.memory_space<hbm>> -> memref<320xi32, #tpu.memory_space<hbm>>
      tpu.enqueue_dma source(%dma_start3A_39 : memref<320xi32, #tpu.memory_space<hbm>>) target(%arg11 : memref<320xi32, #tpu.memory_space<vmem>>) target_semaphore(%run_scoped3A : memref<!tpu.dma_semaphore, #tpu.memory_space<semaphore_mem>>)
      %dma_wait3A = tpu.memref_slice %arg4[%mul3A_2] : memref<10240xi32, #tpu.memory_space<hbm>> -> memref<320xi32, #tpu.memory_space<hbm>>
      %dma_wait3A_40 = tpu.memref_slice %arg4[%mul3A_2] : memref<10240xi32, #tpu.memory_space<hbm>> -> memref<320xi32, #tpu.memory_space<hbm>>
      tpu.wait_dma2 semaphore(%run_scoped3A : memref<!tpu.dma_semaphore, #tpu.memory_space<semaphore_mem>>) src(%dma_wait3A_40 : memref<320xi32, #tpu.memory_space<hbm>>) dst(%arg11 : memref<320xi32, #tpu.memory_space<vmem>>)
      tpu.yield
    }) : () -> ()
    "tpu.region"() ({
      %run_scoped3A = tpu.sem_alloc : memref<!tpu.dma_semaphore, #tpu.memory_space<semaphore_mem>>
      %dma_start3A = tpu.memref_slice %arg5[%mul3A_2] : memref<10240xi32, #tpu.memory_space<hbm>> -> memref<320xi32, #tpu.memory_space<hbm>>
      %dma_start3A_39 = tpu.memref_slice %arg5[%mul3A_2] : memref<10240xi32, #tpu.memory_space<hbm>> -> memref<320xi32, #tpu.memory_space<hbm>>
      tpu.enqueue_dma source(%dma_start3A_39 : memref<320xi32, #tpu.memory_space<hbm>>) target(%arg12 : memref<320xi32, #tpu.memory_space<vmem>>) target_semaphore(%run_scoped3A : memref<!tpu.dma_semaphore, #tpu.memory_space<semaphore_mem>>)
      %dma_wait3A = tpu.memref_slice %arg5[%mul3A_2] : memref<10240xi32, #tpu.memory_space<hbm>> -> memref<320xi32, #tpu.memory_space<hbm>>
      %dma_wait3A_40 = tpu.memref_slice %arg5[%mul3A_2] : memref<10240xi32, #tpu.memory_space<hbm>> -> memref<320xi32, #tpu.memory_space<hbm>>
      tpu.wait_dma2 semaphore(%run_scoped3A : memref<!tpu.dma_semaphore, #tpu.memory_space<semaphore_mem>>) src(%dma_wait3A_40 : memref<320xi32, #tpu.memory_space<hbm>>) dst(%arg12 : memref<320xi32, #tpu.memory_space<vmem>>)
      tpu.yield
    }) : () -> ()
    %iota3A = tpu.iota {dimensions = array<i32: 0>} : vector<16xi32>
    "tpu.region"() ({
      %run_scoped3A = tpu.sem_alloc : memref<!tpu.dma_semaphore, #tpu.memory_space<semaphore_mem>>
      %dma_start3A = arith.constant 0 : i32
      %dma_start3A_39 = arith.constant 0 : i32
      %dma_start3A_40 = tpu.memref_slice %arg2[%dma_start3A, %dma_start3A_39] : memref<3x10240xf32, #tpu.memory_space<hbm>> -> memref<3x2048xf32, #tpu.memory_space<hbm>>
      %dma_start3A_41 = arith.constant 0 : i32
      %dma_start3A_42 = arith.constant 0 : i32
      %dma_start3A_43 = tpu.memref_slice %arg2[%dma_start3A_41, %dma_start3A_42] : memref<3x10240xf32, #tpu.memory_space<hbm>> -> memref<3x2048xf32, #tpu.memory_space<hbm>>
      tpu.enqueue_dma source(%dma_start3A_43 : memref<3x2048xf32, #tpu.memory_space<hbm>>) target(%arg10 : memref<3x2048xf32, #tpu.memory_space<vmem>>) target_semaphore(%run_scoped3A : memref<!tpu.dma_semaphore, #tpu.memory_space<semaphore_mem>>)
      %dma_wait3A = arith.constant 0 : i32
      %dma_wait3A_44 = arith.constant 0 : i32
      %dma_wait3A_45 = tpu.memref_slice %arg2[%dma_wait3A, %dma_wait3A_44] : memref<3x10240xf32, #tpu.memory_space<hbm>> -> memref<3x2048xf32, #tpu.memory_space<hbm>>
      %dma_wait3A_46 = arith.constant 0 : i32
      %dma_wait3A_47 = arith.constant 0 : i32
      %dma_wait3A_48 = tpu.memref_slice %arg2[%dma_wait3A_46, %dma_wait3A_47] : memref<3x10240xf32, #tpu.memory_space<hbm>> -> memref<3x2048xf32, #tpu.memory_space<hbm>>
      tpu.wait_dma2 semaphore(%run_scoped3A : memref<!tpu.dma_semaphore, #tpu.memory_space<semaphore_mem>>) src(%dma_wait3A_48 : memref<3x2048xf32, #tpu.memory_space<hbm>>) dst(%arg10 : memref<3x2048xf32, #tpu.memory_space<vmem>>)
      tpu.yield
    }) : () -> ()
    %scan3A = arith.constant 0 : i32
    %scan3A_3 = arith.constant 0 : i32
    %scan3A_4 = arith.constant 128 : i32
    %scan3A_5 = arith.addi %scan3A_3, %scan3A_4 : i32
    %scan3A_6 = arith.constant 1 : i32
    scf.for %scan3A_39 = %scan3A_3 to %scan3A_5 step %scan3A_6  : i32 {
      %mul3A_40 = arith.constant 16 : i32
      %mul3A_41 = arith.muli %scan3A_39, %mul3A_40 : i32
      %get3A = arith.constant 0 : i32
      %get3A_42 = arith.index_cast %get3A : i32 to index
      %get3A_43 = arith.index_cast %mul3A_41 : i32 to index
      %get3A_44 = tpu.vector_load %arg10[%get3A_42, %get3A_43] {strides = array<i32>} : memref<3x2048xf32, #tpu.memory_space<vmem>>, vector<16xf32>,
      %mul3A_45 = arith.constant 16 : i32
      %mul3A_46 = arith.muli %scan3A_39, %mul3A_45 : i32
      %get3A_47 = arith.constant 1 : i32
      %get3A_48 = arith.index_cast %get3A_47 : i32 to index
      %get3A_49 = arith.index_cast %mul3A_46 : i32 to index
      %get3A_50 = tpu.vector_load %arg10[%get3A_48, %get3A_49] {strides = array<i32>} : memref<3x2048xf32, #tpu.memory_space<vmem>>, vector<16xf32>,
      %mul3A_51 = arith.constant 16 : i32
      %mul3A_52 = arith.muli %scan3A_39, %mul3A_51 : i32
      %get3A_53 = arith.constant 2 : i32
      %get3A_54 = arith.index_cast %get3A_53 : i32 to index
      %get3A_55 = arith.index_cast %mul3A_52 : i32 to index
      %get3A_56 = tpu.vector_load %arg10[%get3A_54, %get3A_55] {strides = array<i32>} : memref<3x2048xf32, #tpu.memory_space<vmem>>, vector<16xf32>,
      %mul3A_57 = arith.mulf %get3A_44, %get3A_44 : vector<16xf32>
      %mul3A_58 = arith.mulf %get3A_50, %get3A_50 : vector<16xf32>
      %add3A_59 = arith.addf %mul3A_57, %mul3A_58 : vector<16xf32>
      %mul3A_60 = arith.mulf %get3A_56, %get3A_56 : vector<16xf32>
      %add3A_61 = arith.addf %add3A_59, %mul3A_60 : vector<16xf32>
      %mul3A_62 = arith.constant 16 : i32
      %mul3A_63 = arith.muli %scan3A_39, %mul3A_62 : i32
      %add3A_64 = arith.constant 0 : i32
      %add3A_65 = arith.addi %add3A_64, %mul3A_63 : i32
      %swap3A = arith.index_cast %add3A_65 : i32 to index
      %swap3A_66 = tpu.vector_load %arg9[%swap3A] {strides = array<i32>} : memref<10240xf32, #tpu.memory_space<vmem>>, vector<16xf32>,
      tpu.vector_store %arg9[%swap3A], %add3A_61 {strides = array<i32>} : memref<10240xf32, #tpu.memory_space<vmem>>, vector<16xf32>,
    }
    %scan3A_7 = arith.constant 128 : i32
    "tpu.region"() ({
      %run_scoped3A = tpu.sem_alloc : memref<!tpu.dma_semaphore, #tpu.memory_space<semaphore_mem>>
      %dma_start3A = arith.constant 0 : i32
      %dma_start3A_39 = arith.constant 2048 : i32
      %dma_start3A_40 = tpu.memref_slice %arg2[%dma_start3A, %dma_start3A_39] : memref<3x10240xf32, #tpu.memory_space<hbm>> -> memref<3x2048xf32, #tpu.memory_space<hbm>>
      %dma_start3A_41 = arith.constant 0 : i32
      %dma_start3A_42 = arith.constant 2048 : i32
      %dma_start3A_43 = tpu.memref_slice %arg2[%dma_start3A_41, %dma_start3A_42] : memref<3x10240xf32, #tpu.memory_space<hbm>> -> memref<3x2048xf32, #tpu.memory_space<hbm>>
      tpu.enqueue_dma source(%dma_start3A_43 : memref<3x2048xf32, #tpu.memory_space<hbm>>) target(%arg10 : memref<3x2048xf32, #tpu.memory_space<vmem>>) target_semaphore(%run_scoped3A : memref<!tpu.dma_semaphore, #tpu.memory_space<semaphore_mem>>)
      %dma_wait3A = arith.constant 0 : i32
      %dma_wait3A_44 = arith.constant 2048 : i32
      %dma_wait3A_45 = tpu.memref_slice %arg2[%dma_wait3A, %dma_wait3A_44] : memref<3x10240xf32, #tpu.memory_space<hbm>> -> memref<3x2048xf32, #tpu.memory_space<hbm>>
      %dma_wait3A_46 = arith.constant 0 : i32
      %dma_wait3A_47 = arith.constant 2048 : i32
      %dma_wait3A_48 = tpu.memref_slice %arg2[%dma_wait3A_46, %dma_wait3A_47] : memref<3x10240xf32, #tpu.memory_space<hbm>> -> memref<3x2048xf32, #tpu.memory_space<hbm>>
      tpu.wait_dma2 semaphore(%run_scoped3A : memref<!tpu.dma_semaphore, #tpu.memory_space<semaphore_mem>>) src(%dma_wait3A_48 : memref<3x2048xf32, #tpu.memory_space<hbm>>) dst(%arg10 : memref<3x2048xf32, #tpu.memory_space<vmem>>)
      tpu.yield
    }) : () -> ()
    %scan3A_8 = arith.constant 0 : i32
    %scan3A_9 = arith.constant 0 : i32
    %scan3A_10 = arith.constant 128 : i32
    %scan3A_11 = arith.addi %scan3A_9, %scan3A_10 : i32
    %scan3A_12 = arith.constant 1 : i32
    scf.for %scan3A_39 = %scan3A_9 to %scan3A_11 step %scan3A_12  : i32 {
      %mul3A_40 = arith.constant 16 : i32
      %mul3A_41 = arith.muli %scan3A_39, %mul3A_40 : i32
      %get3A = arith.constant 0 : i32
      %get3A_42 = arith.index_cast %get3A : i32 to index
      %get3A_43 = arith.index_cast %mul3A_41 : i32 to index
      %get3A_44 = tpu.vector_load %arg10[%get3A_42, %get3A_43] {strides = array<i32>} : memref<3x2048xf32, #tpu.memory_space<vmem>>, vector<16xf32>,
      %mul3A_45 = arith.constant 16 : i32
      %mul3A_46 = arith.muli %scan3A_39, %mul3A_45 : i32
      %get3A_47 = arith.constant 1 : i32
      %get3A_48 = arith.index_cast %get3A_47 : i32 to index
      %get3A_49 = arith.index_cast %mul3A_46 : i32 to index
      %get3A_50 = tpu.vector_load %arg10[%get3A_48, %get3A_49] {strides = array<i32>} : memref<3x2048xf32, #tpu.memory_space<vmem>>, vector<16xf32>,
      %mul3A_51 = arith.constant 16 : i32
      %mul3A_52 = arith.muli %scan3A_39, %mul3A_51 : i32
      %get3A_53 = arith.constant 2 : i32
      %get3A_54 = arith.index_cast %get3A_53 : i32 to index
      %get3A_55 = arith.index_cast %mul3A_52 : i32 to index
      %get3A_56 = tpu.vector_load %arg10[%get3A_54, %get3A_55] {strides = array<i32>} : memref<3x2048xf32, #tpu.memory_space<vmem>>, vector<16xf32>,
      %mul3A_57 = arith.mulf %get3A_44, %get3A_44 : vector<16xf32>
      %mul3A_58 = arith.mulf %get3A_50, %get3A_50 : vector<16xf32>
      %add3A_59 = arith.addf %mul3A_57, %mul3A_58 : vector<16xf32>
      %mul3A_60 = arith.mulf %get3A_56, %get3A_56 : vector<16xf32>
      %add3A_61 = arith.addf %add3A_59, %mul3A_60 : vector<16xf32>
      %mul3A_62 = arith.constant 16 : i32
      %mul3A_63 = arith.muli %scan3A_39, %mul3A_62 : i32
      %add3A_64 = arith.constant 2048 : i32
      %add3A_65 = arith.addi %add3A_64, %mul3A_63 : i32
      %swap3A = arith.index_cast %add3A_65 : i32 to index
      %swap3A_66 = tpu.vector_load %arg9[%swap3A] {strides = array<i32>} : memref<10240xf32, #tpu.memory_space<vmem>>, vector<16xf32>,
      tpu.vector_store %arg9[%swap3A], %add3A_61 {strides = array<i32>} : memref<10240xf32, #tpu.memory_space<vmem>>, vector<16xf32>,
    }
    %scan3A_13 = arith.constant 128 : i32
    "tpu.region"() ({
      %run_scoped3A = tpu.sem_alloc : memref<!tpu.dma_semaphore, #tpu.memory_space<semaphore_mem>>
      %dma_start3A = arith.constant 0 : i32
      %dma_start3A_39 = arith.constant 4096 : i32
      %dma_start3A_40 = tpu.memref_slice %arg2[%dma_start3A, %dma_start3A_39] : memref<3x10240xf32, #tpu.memory_space<hbm>> -> memref<3x2048xf32, #tpu.memory_space<hbm>>
      %dma_start3A_41 = arith.constant 0 : i32
      %dma_start3A_42 = arith.constant 4096 : i32
      %dma_start3A_43 = tpu.memref_slice %arg2[%dma_start3A_41, %dma_start3A_42] : memref<3x10240xf32, #tpu.memory_space<hbm>> -> memref<3x2048xf32, #tpu.memory_space<hbm>>
      tpu.enqueue_dma source(%dma_start3A_43 : memref<3x2048xf32, #tpu.memory_space<hbm>>) target(%arg10 : memref<3x2048xf32, #tpu.memory_space<vmem>>) target_semaphore(%run_scoped3A : memref<!tpu.dma_semaphore, #tpu.memory_space<semaphore_mem>>)
      %dma_wait3A = arith.constant 0 : i32
      %dma_wait3A_44 = arith.constant 4096 : i32
      %dma_wait3A_45 = tpu.memref_slice %arg2[%dma_wait3A, %dma_wait3A_44] : memref<3x10240xf32, #tpu.memory_space<hbm>> -> memref<3x2048xf32, #tpu.memory_space<hbm>>
      %dma_wait3A_46 = arith.constant 0 : i32
      %dma_wait3A_47 = arith.constant 4096 : i32
      %dma_wait3A_48 = tpu.memref_slice %arg2[%dma_wait3A_46, %dma_wait3A_47] : memref<3x10240xf32, #tpu.memory_space<hbm>> -> memref<3x2048xf32, #tpu.memory_space<hbm>>
      tpu.wait_dma2 semaphore(%run_scoped3A : memref<!tpu.dma_semaphore, #tpu.memory_space<semaphore_mem>>) src(%dma_wait3A_48 : memref<3x2048xf32, #tpu.memory_space<hbm>>) dst(%arg10 : memref<3x2048xf32, #tpu.memory_space<vmem>>)
      tpu.yield
    }) : () -> ()
    %scan3A_14 = arith.constant 0 : i32
    %scan3A_15 = arith.constant 0 : i32
    %scan3A_16 = arith.constant 128 : i32
    %scan3A_17 = arith.addi %scan3A_15, %scan3A_16 : i32
    %scan3A_18 = arith.constant 1 : i32
    scf.for %scan3A_39 = %scan3A_15 to %scan3A_17 step %scan3A_18  : i32 {
      %mul3A_40 = arith.constant 16 : i32
      %mul3A_41 = arith.muli %scan3A_39, %mul3A_40 : i32
      %get3A = arith.constant 0 : i32
      %get3A_42 = arith.index_cast %get3A : i32 to index
      %get3A_43 = arith.index_cast %mul3A_41 : i32 to index
      %get3A_44 = tpu.vector_load %arg10[%get3A_42, %get3A_43] {strides = array<i32>} : memref<3x2048xf32, #tpu.memory_space<vmem>>, vector<16xf32>,
      %mul3A_45 = arith.constant 16 : i32
      %mul3A_46 = arith.muli %scan3A_39, %mul3A_45 : i32
      %get3A_47 = arith.constant 1 : i32
      %get3A_48 = arith.index_cast %get3A_47 : i32 to index
      %get3A_49 = arith.index_cast %mul3A_46 : i32 to index
      %get3A_50 = tpu.vector_load %arg10[%get3A_48, %get3A_49] {strides = array<i32>} : memref<3x2048xf32, #tpu.memory_space<vmem>>, vector<16xf32>,
      %mul3A_51 = arith.constant 16 : i32
      %mul3A_52 = arith.muli %scan3A_39, %mul3A_51 : i32
      %get3A_53 = arith.constant 2 : i32
      %get3A_54 = arith.index_cast %get3A_53 : i32 to index
      %get3A_55 = arith.index_cast %mul3A_52 : i32 to index
      %get3A_56 = tpu.vector_load %arg10[%get3A_54, %get3A_55] {strides = array<i32>} : memref<3x2048xf32, #tpu.memory_space<vmem>>, vector<16xf32>,
      %mul3A_57 = arith.mulf %get3A_44, %get3A_44 : vector<16xf32>
      %mul3A_58 = arith.mulf %get3A_50, %get3A_50 : vector<16xf32>
      %add3A_59 = arith.addf %mul3A_57, %mul3A_58 : vector<16xf32>
      %mul3A_60 = arith.mulf %get3A_56, %get3A_56 : vector<16xf32>
      %add3A_61 = arith.addf %add3A_59, %mul3A_60 : vector<16xf32>
      %mul3A_62 = arith.constant 16 : i32
      %mul3A_63 = arith.muli %scan3A_39, %mul3A_62 : i32
      %add3A_64 = arith.constant 4096 : i32
      %add3A_65 = arith.addi %add3A_64, %mul3A_63 : i32
      %swap3A = arith.index_cast %add3A_65 : i32 to index
      %swap3A_66 = tpu.vector_load %arg9[%swap3A] {strides = array<i32>} : memref<10240xf32, #tpu.memory_space<vmem>>, vector<16xf32>,
      tpu.vector_store %arg9[%swap3A], %add3A_61 {strides = array<i32>} : memref<10240xf32, #tpu.memory_space<vmem>>, vector<16xf32>,
    }
    %scan3A_19 = arith.constant 128 : i32
    "tpu.region"() ({
      %run_scoped3A = tpu.sem_alloc : memref<!tpu.dma_semaphore, #tpu.memory_space<semaphore_mem>>
      %dma_start3A = arith.constant 0 : i32
      %dma_start3A_39 = arith.constant 6144 : i32
      %dma_start3A_40 = tpu.memref_slice %arg2[%dma_start3A, %dma_start3A_39] : memref<3x10240xf32, #tpu.memory_space<hbm>> -> memref<3x2048xf32, #tpu.memory_space<hbm>>
      %dma_start3A_41 = arith.constant 0 : i32
      %dma_start3A_42 = arith.constant 6144 : i32
      %dma_start3A_43 = tpu.memref_slice %arg2[%dma_start3A_41, %dma_start3A_42] : memref<3x10240xf32, #tpu.memory_space<hbm>> -> memref<3x2048xf32, #tpu.memory_space<hbm>>
      tpu.enqueue_dma source(%dma_start3A_43 : memref<3x2048xf32, #tpu.memory_space<hbm>>) target(%arg10 : memref<3x2048xf32, #tpu.memory_space<vmem>>) target_semaphore(%run_scoped3A : memref<!tpu.dma_semaphore, #tpu.memory_space<semaphore_mem>>)
      %dma_wait3A = arith.constant 0 : i32
      %dma_wait3A_44 = arith.constant 6144 : i32
      %dma_wait3A_45 = tpu.memref_slice %arg2[%dma_wait3A, %dma_wait3A_44] : memref<3x10240xf32, #tpu.memory_space<hbm>> -> memref<3x2048xf32, #tpu.memory_space<hbm>>
      %dma_wait3A_46 = arith.constant 0 : i32
      %dma_wait3A_47 = arith.constant 6144 : i32
      %dma_wait3A_48 = tpu.memref_slice %arg2[%dma_wait3A_46, %dma_wait3A_47] : memref<3x10240xf32, #tpu.memory_space<hbm>> -> memref<3x2048xf32, #tpu.memory_space<hbm>>
      tpu.wait_dma2 semaphore(%run_scoped3A : memref<!tpu.dma_semaphore, #tpu.memory_space<semaphore_mem>>) src(%dma_wait3A_48 : memref<3x2048xf32, #tpu.memory_space<hbm>>) dst(%arg10 : memref<3x2048xf32, #tpu.memory_space<vmem>>)
      tpu.yield
    }) : () -> ()
    %scan3A_20 = arith.constant 0 : i32
    %scan3A_21 = arith.constant 0 : i32
    %scan3A_22 = arith.constant 128 : i32
    %scan3A_23 = arith.addi %scan3A_21, %scan3A_22 : i32
    %scan3A_24 = arith.constant 1 : i32
    scf.for %scan3A_39 = %scan3A_21 to %scan3A_23 step %scan3A_24  : i32 {
      %mul3A_40 = arith.constant 16 : i32
      %mul3A_41 = arith.muli %scan3A_39, %mul3A_40 : i32
      %get3A = arith.constant 0 : i32
      %get3A_42 = arith.index_cast %get3A : i32 to index
      %get3A_43 = arith.index_cast %mul3A_41 : i32 to index
      %get3A_44 = tpu.vector_load %arg10[%get3A_42, %get3A_43] {strides = array<i32>} : memref<3x2048xf32, #tpu.memory_space<vmem>>, vector<16xf32>,
      %mul3A_45 = arith.constant 16 : i32
      %mul3A_46 = arith.muli %scan3A_39, %mul3A_45 : i32
      %get3A_47 = arith.constant 1 : i32
      %get3A_48 = arith.index_cast %get3A_47 : i32 to index
      %get3A_49 = arith.index_cast %mul3A_46 : i32 to index
      %get3A_50 = tpu.vector_load %arg10[%get3A_48, %get3A_49] {strides = array<i32>} : memref<3x2048xf32, #tpu.memory_space<vmem>>, vector<16xf32>,
      %mul3A_51 = arith.constant 16 : i32
      %mul3A_52 = arith.muli %scan3A_39, %mul3A_51 : i32
      %get3A_53 = arith.constant 2 : i32
      %get3A_54 = arith.index_cast %get3A_53 : i32 to index
      %get3A_55 = arith.index_cast %mul3A_52 : i32 to index
      %get3A_56 = tpu.vector_load %arg10[%get3A_54, %get3A_55] {strides = array<i32>} : memref<3x2048xf32, #tpu.memory_space<vmem>>, vector<16xf32>,
      %mul3A_57 = arith.mulf %get3A_44, %get3A_44 : vector<16xf32>
      %mul3A_58 = arith.mulf %get3A_50, %get3A_50 : vector<16xf32>
      %add3A_59 = arith.addf %mul3A_57, %mul3A_58 : vector<16xf32>
      %mul3A_60 = arith.mulf %get3A_56, %get3A_56 : vector<16xf32>
      %add3A_61 = arith.addf %add3A_59, %mul3A_60 : vector<16xf32>
      %mul3A_62 = arith.constant 16 : i32
      %mul3A_63 = arith.muli %scan3A_39, %mul3A_62 : i32
      %add3A_64 = arith.constant 6144 : i32
      %add3A_65 = arith.addi %add3A_64, %mul3A_63 : i32
      %swap3A = arith.index_cast %add3A_65 : i32 to index
      %swap3A_66 = tpu.vector_load %arg9[%swap3A] {strides = array<i32>} : memref<10240xf32, #tpu.memory_space<vmem>>, vector<16xf32>,
      tpu.vector_store %arg9[%swap3A], %add3A_61 {strides = array<i32>} : memref<10240xf32, #tpu.memory_space<vmem>>, vector<16xf32>,
    }
    %scan3A_25 = arith.constant 128 : i32
    "tpu.region"() ({
      %run_scoped3A = tpu.sem_alloc : memref<!tpu.dma_semaphore, #tpu.memory_space<semaphore_mem>>
      %dma_start3A = arith.constant 0 : i32
      %dma_start3A_39 = arith.constant 8192 : i32
      %dma_start3A_40 = tpu.memref_slice %arg2[%dma_start3A, %dma_start3A_39] : memref<3x10240xf32, #tpu.memory_space<hbm>> -> memref<3x2048xf32, #tpu.memory_space<hbm>>
      %dma_start3A_41 = arith.constant 0 : i32
      %dma_start3A_42 = arith.constant 8192 : i32
      %dma_start3A_43 = tpu.memref_slice %arg2[%dma_start3A_41, %dma_start3A_42] : memref<3x10240xf32, #tpu.memory_space<hbm>> -> memref<3x2048xf32, #tpu.memory_space<hbm>>
      tpu.enqueue_dma source(%dma_start3A_43 : memref<3x2048xf32, #tpu.memory_space<hbm>>) target(%arg10 : memref<3x2048xf32, #tpu.memory_space<vmem>>) target_semaphore(%run_scoped3A : memref<!tpu.dma_semaphore, #tpu.memory_space<semaphore_mem>>)
      %dma_wait3A = arith.constant 0 : i32
      %dma_wait3A_44 = arith.constant 8192 : i32
      %dma_wait3A_45 = tpu.memref_slice %arg2[%dma_wait3A, %dma_wait3A_44] : memref<3x10240xf32, #tpu.memory_space<hbm>> -> memref<3x2048xf32, #tpu.memory_space<hbm>>
      %dma_wait3A_46 = arith.constant 0 : i32
      %dma_wait3A_47 = arith.constant 8192 : i32
      %dma_wait3A_48 = tpu.memref_slice %arg2[%dma_wait3A_46, %dma_wait3A_47] : memref<3x10240xf32, #tpu.memory_space<hbm>> -> memref<3x2048xf32, #tpu.memory_space<hbm>>
      tpu.wait_dma2 semaphore(%run_scoped3A : memref<!tpu.dma_semaphore, #tpu.memory_space<semaphore_mem>>) src(%dma_wait3A_48 : memref<3x2048xf32, #tpu.memory_space<hbm>>) dst(%arg10 : memref<3x2048xf32, #tpu.memory_space<vmem>>)
      tpu.yield
    }) : () -> ()
    %scan3A_26 = arith.constant 0 : i32
    %scan3A_27 = arith.constant 0 : i32
    %scan3A_28 = arith.constant 128 : i32
    %scan3A_29 = arith.addi %scan3A_27, %scan3A_28 : i32
    %scan3A_30 = arith.constant 1 : i32
    scf.for %scan3A_39 = %scan3A_27 to %scan3A_29 step %scan3A_30  : i32 {
      %mul3A_40 = arith.constant 16 : i32
      %mul3A_41 = arith.muli %scan3A_39, %mul3A_40 : i32
      %get3A = arith.constant 0 : i32
      %get3A_42 = arith.index_cast %get3A : i32 to index
      %get3A_43 = arith.index_cast %mul3A_41 : i32 to index
      %get3A_44 = tpu.vector_load %arg10[%get3A_42, %get3A_43] {strides = array<i32>} : memref<3x2048xf32, #tpu.memory_space<vmem>>, vector<16xf32>,
      %mul3A_45 = arith.constant 16 : i32
      %mul3A_46 = arith.muli %scan3A_39, %mul3A_45 : i32
      %get3A_47 = arith.constant 1 : i32
      %get3A_48 = arith.index_cast %get3A_47 : i32 to index
      %get3A_49 = arith.index_cast %mul3A_46 : i32 to index
      %get3A_50 = tpu.vector_load %arg10[%get3A_48, %get3A_49] {strides = array<i32>} : memref<3x2048xf32, #tpu.memory_space<vmem>>, vector<16xf32>,
      %mul3A_51 = arith.constant 16 : i32
      %mul3A_52 = arith.muli %scan3A_39, %mul3A_51 : i32
      %get3A_53 = arith.constant 2 : i32
      %get3A_54 = arith.index_cast %get3A_53 : i32 to index
      %get3A_55 = arith.index_cast %mul3A_52 : i32 to index
      %get3A_56 = tpu.vector_load %arg10[%get3A_54, %get3A_55] {strides = array<i32>} : memref<3x2048xf32, #tpu.memory_space<vmem>>, vector<16xf32>,
      %mul3A_57 = arith.mulf %get3A_44, %get3A_44 : vector<16xf32>
      %mul3A_58 = arith.mulf %get3A_50, %get3A_50 : vector<16xf32>
      %add3A_59 = arith.addf %mul3A_57, %mul3A_58 : vector<16xf32>
      %mul3A_60 = arith.mulf %get3A_56, %get3A_56 : vector<16xf32>
      %add3A_61 = arith.addf %add3A_59, %mul3A_60 : vector<16xf32>
      %mul3A_62 = arith.constant 16 : i32
      %mul3A_63 = arith.muli %scan3A_39, %mul3A_62 : i32
      %add3A_64 = arith.constant 8192 : i32
      %add3A_65 = arith.addi %add3A_64, %mul3A_63 : i32
      %swap3A = arith.index_cast %add3A_65 : i32 to index
      %swap3A_66 = tpu.vector_load %arg9[%swap3A] {strides = array<i32>} : memref<10240xf32, #tpu.memory_space<vmem>>, vector<16xf32>,
      tpu.vector_store %arg9[%swap3A], %add3A_61 {strides = array<i32>} : memref<10240xf32, #tpu.memory_space<vmem>>, vector<16xf32>,
    }
    %scan3A_31 = arith.constant 128 : i32
    %scan3A_32 = arith.constant 0 : i32
    %scan3A_33 = arith.constant 0 : i32
    %scan3A_34 = arith.constant 20 : i32
    %scan3A_35 = arith.addi %scan3A_33, %scan3A_34 : i32
    %scan3A_36 = arith.constant 1 : i32
    %scan3A_37 = scf.for %scan3A_39 = %scan3A_33 to %scan3A_35 step %scan3A_36 iter_args(%scan3A_40 = %scan3A_32) -> (i32)  : i32 {
      %broadcast_in_dim3A = arith.constant 0 : i32
      %broadcast_in_dim3A_41 = vector.broadcast %broadcast_in_dim3A : i32 to vector<16xi32>
      %mul3A_42 = arith.constant 16 : i32
      %mul3A_43 = arith.muli %scan3A_39, %mul3A_42 : i32
      %get3A = arith.index_cast %mul3A_43 : i32 to index
      %get3A_44 = tpu.vector_load %arg11[%get3A] {strides = array<i32>} : memref<320xi32, #tpu.memory_space<vmem>>, vector<16xi32>,
      %get3A_45 = arith.index_cast %mul3A_43 : i32 to index
      %get3A_46 = tpu.vector_load %arg12[%get3A_45] {strides = array<i32>} : memref<320xi32, #tpu.memory_space<vmem>>, vector<16xi32>,
      %add3A_47 = arith.addi %mul3A_2, %mul3A_43 : i32
      %get3A_48 = arith.constant 0 : i32
      %get3A_49 = arith.index_cast %get3A_48 : i32 to index
      %get3A_50 = arith.index_cast %add3A_47 : i32 to index
      %get3A_51 = tpu.vector_load %arg8[%get3A_49, %get3A_50] {strides = array<i32>} : memref<3x10240xf32, #tpu.memory_space<vmem>>, vector<16xf32>,
      %add3A_52 = arith.addi %mul3A_2, %mul3A_43 : i32
      %get3A_53 = arith.constant 1 : i32
      %get3A_54 = arith.index_cast %get3A_53 : i32 to index
      %get3A_55 = arith.index_cast %add3A_52 : i32 to index
      %get3A_56 = tpu.vector_load %arg8[%get3A_54, %get3A_55] {strides = array<i32>} : memref<3x10240xf32, #tpu.memory_space<vmem>>, vector<16xf32>,
      %add3A_57 = arith.addi %mul3A_2, %mul3A_43 : i32
      %get3A_58 = arith.constant 2 : i32
      %get3A_59 = arith.index_cast %get3A_58 : i32 to index
      %get3A_60 = arith.index_cast %add3A_57 : i32 to index
      %get3A_61 = tpu.vector_load %arg8[%get3A_59, %get3A_60] {strides = array<i32>} : memref<3x10240xf32, #tpu.memory_space<vmem>>, vector<16xf32>,
      %add3A_62 = arith.addi %mul3A_2, %mul3A_43 : i32
      %get3A_63 = arith.index_cast %add3A_62 : i32 to index
      %get3A_64 = tpu.vector_load %arg9[%get3A_63] {strides = array<i32>} : memref<10240xf32, #tpu.memory_space<vmem>>, vector<16xf32>,
      %mul3A_65 = arith.constant 16 : i32
      %mul3A_66 = arith.muli %scan3A_39, %mul3A_65 : i32
      %add3A_67 = arith.constant 0 : i32
      %add3A_68 = arith.addi %mul3A_66, %add3A_67 : i32
      %slice3A = vector.extract_strided_slice %get3A_44 {offsets = [0], sizes = [1], strides = [1]} : vector<16xi32> to vector<1xi32>
      %squeeze3A = vector.extract %slice3A[0] : i32 from vector<1xi32>
      %slice3A_69 = vector.extract_strided_slice %get3A_44 {offsets = [1], sizes = [1], strides = [1]} : vector<16xi32> to vector<1xi32>
      %squeeze3A_70 = vector.extract %slice3A_69[0] : i32 from vector<1xi32>
      %slice3A_71 = vector.extract_strided_slice %get3A_44 {offsets = [2], sizes = [1], strides = [1]} : vector<16xi32> to vector<1xi32>
      %squeeze3A_72 = vector.extract %slice3A_71[0] : i32 from vector<1xi32>
      %slice3A_73 = vector.extract_strided_slice %get3A_44 {offsets = [3], sizes = [1], strides = [1]} : vector<16xi32> to vector<1xi32>
      %squeeze3A_74 = vector.extract %slice3A_73[0] : i32 from vector<1xi32>
      %slice3A_75 = vector.extract_strided_slice %get3A_46 {offsets = [0], sizes = [1], strides = [1]} : vector<16xi32> to vector<1xi32>
      %squeeze3A_76 = vector.extract %slice3A_75[0] : i32 from vector<1xi32>
      %slice3A_77 = vector.extract_strided_slice %get3A_46 {offsets = [1], sizes = [1], strides = [1]} : vector<16xi32> to vector<1xi32>
      %squeeze3A_78 = vector.extract %slice3A_77[0] : i32 from vector<1xi32>
      %slice3A_79 = vector.extract_strided_slice %get3A_46 {offsets = [2], sizes = [1], strides = [1]} : vector<16xi32> to vector<1xi32>
      %squeeze3A_80 = vector.extract %slice3A_79[0] : i32 from vector<1xi32>
      %slice3A_81 = vector.extract_strided_slice %get3A_46 {offsets = [3], sizes = [1], strides = [1]} : vector<16xi32> to vector<1xi32>
      %squeeze3A_82 = vector.extract %slice3A_81[0] : i32 from vector<1xi32>
      %min3A = arith.minsi %squeeze3A, %squeeze3A_70 : i32
      %max3A = arith.maxsi %squeeze3A_76, %squeeze3A_78 : i32
      %min3A_83 = arith.minsi %min3A, %squeeze3A_72 : i32
      %max3A_84 = arith.maxsi %max3A, %squeeze3A_80 : i32
      %min3A_85 = arith.minsi %min3A_83, %squeeze3A_74 : i32
      %max3A_86 = arith.maxsi %max3A_84, %squeeze3A_82 : i32
      %jit3A = arith.constant 16 : i32
      %div3A = arith.divsi %min3A_85, %jit3A : i32
      %sign3A = arith.constant 0 : i32
      %sign3A_87 = arith.cmpi sgt, %min3A_85, %sign3A : i32
      %sign3A_88 = arith.extui %sign3A_87 : i1 to i32
      %sign3A_89 = arith.constant 0 : i32
      %sign3A_90 = arith.cmpi slt, %min3A_85, %sign3A_89 : i32
      %sign3A_91 = arith.extui %sign3A_90 : i1 to i32
      %sign3A_92 = arith.subi %sign3A_88, %sign3A_91 : i32
      %sign3A_93 = arith.constant 0 : i32
      %sign3A_94 = arith.cmpi sgt, %jit3A, %sign3A_93 : i32
      %sign3A_95 = arith.extui %sign3A_94 : i1 to i32
      %sign3A_96 = arith.constant 0 : i32
      %sign3A_97 = arith.cmpi slt, %jit3A, %sign3A_96 : i32
      %sign3A_98 = arith.extui %sign3A_97 : i1 to i32
      %sign3A_99 = arith.subi %sign3A_95, %sign3A_98 : i32
      %ne3A = arith.cmpi ne, %sign3A_92, %sign3A_99 : i32
      %rem3A = arith.remsi %min3A_85, %jit3A : i32
      %ne3A_100 = arith.constant 0 : i32
      %ne3A_101 = arith.cmpi ne, %rem3A, %ne3A_100 : i32
      %and3A = arith.andi %ne3A, %ne3A_101 : i1
      %sub3A = arith.constant 1 : i32
      %sub3A_102 = arith.subi %div3A, %sub3A : i32
      %select_n3A = arith.select %and3A, %sub3A_102, %div3A : i32
      %mul3A_103 = arith.constant 16 : i32
      %mul3A_104 = arith.muli %select_n3A, %mul3A_103 : i32
      %sub3A_105 = arith.subi %max3A_86, %mul3A_104 : i32
      %add3A_106 = arith.constant 15 : i32
      %add3A_107 = arith.addi %sub3A_105, %add3A_106 : i32
      %jit3A_108 = arith.constant 16 : i32
      %div3A_109 = arith.divsi %add3A_107, %jit3A_108 : i32
      %sign3A_110 = arith.constant 0 : i32
      %sign3A_111 = arith.cmpi sgt, %add3A_107, %sign3A_110 : i32
      %sign3A_112 = arith.extui %sign3A_111 : i1 to i32
      %sign3A_113 = arith.constant 0 : i32
      %sign3A_114 = arith.cmpi slt, %add3A_107, %sign3A_113 : i32
      %sign3A_115 = arith.extui %sign3A_114 : i1 to i32
      %sign3A_116 = arith.subi %sign3A_112, %sign3A_115 : i32
      %sign3A_117 = arith.constant 0 : i32
      %sign3A_118 = arith.cmpi sgt, %jit3A_108, %sign3A_117 : i32
      %sign3A_119 = arith.extui %sign3A_118 : i1 to i32
      %sign3A_120 = arith.constant 0 : i32
      %sign3A_121 = arith.cmpi slt, %jit3A_108, %sign3A_120 : i32
      %sign3A_122 = arith.extui %sign3A_121 : i1 to i32
      %sign3A_123 = arith.subi %sign3A_119, %sign3A_122 : i32
      %ne3A_124 = arith.cmpi ne, %sign3A_116, %sign3A_123 : i32
      %rem3A_125 = arith.remsi %add3A_107, %jit3A_108 : i32
      %ne3A_126 = arith.constant 0 : i32
      %ne3A_127 = arith.cmpi ne, %rem3A_125, %ne3A_126 : i32
      %and3A_128 = arith.andi %ne3A_124, %ne3A_127 : i1
      %sub3A_129 = arith.constant 1 : i32
      %sub3A_130 = arith.subi %div3A_109, %sub3A_129 : i32
      %select_n3A_131 = arith.select %and3A_128, %sub3A_130, %div3A_109 : i32
      %slice3A_132 = vector.extract_strided_slice %get3A_51 {offsets = [0], sizes = [1], strides = [1]} : vector<16xf32> to vector<1xf32>
      %squeeze3A_133 = vector.extract %slice3A_132[0] : f32 from vector<1xf32>
      %mul3A_134 = arith.constant 2.000000e+00 : f32
      %mul3A_135 = arith.mulf %mul3A_134, %squeeze3A_133 : f32
      %broadcast_in_dim3A_136 = vector.broadcast %mul3A_135 : f32 to vector<16xf32>
      %slice3A_137 = vector.extract_strided_slice %get3A_56 {offsets = [0], sizes = [1], strides = [1]} : vector<16xf32> to vector<1xf32>
      %squeeze3A_138 = vector.extract %slice3A_137[0] : f32 from vector<1xf32>
      %mul3A_139 = arith.constant 2.000000e+00 : f32
      %mul3A_140 = arith.mulf %mul3A_139, %squeeze3A_138 : f32
      %broadcast_in_dim3A_141 = vector.broadcast %mul3A_140 : f32 to vector<16xf32>
      %slice3A_142 = vector.extract_strided_slice %get3A_61 {offsets = [0], sizes = [1], strides = [1]} : vector<16xf32> to vector<1xf32>
      %squeeze3A_143 = vector.extract %slice3A_142[0] : f32 from vector<1xf32>
      %mul3A_144 = arith.constant 2.000000e+00 : f32
      %mul3A_145 = arith.mulf %mul3A_144, %squeeze3A_143 : f32
      %broadcast_in_dim3A_146 = vector.broadcast %mul3A_145 : f32 to vector<16xf32>
      %slice3A_147 = vector.extract_strided_slice %get3A_64 {offsets = [0], sizes = [1], strides = [1]} : vector<16xf32> to vector<1xf32>
      %squeeze3A_148 = vector.extract %slice3A_147[0] : f32 from vector<1xf32>
      %broadcast_in_dim3A_149 = vector.broadcast %squeeze3A_148 : f32 to vector<16xf32>
      %add3A_150 = arith.addi %mul3A_2, %add3A_68 : i32
      %add3A_151 = arith.constant 0 : i32
      %add3A_152 = arith.addi %add3A_150, %add3A_151 : i32
      %broadcast_in_dim3A_153 = vector.broadcast %add3A_152 : i32 to vector<16xi32>
      %broadcast_in_dim3A_154 = vector.broadcast %squeeze3A : i32 to vector<16xi32>
      %broadcast_in_dim3A_155 = vector.broadcast %squeeze3A_76 : i32 to vector<16xi32>
      %slice3A_156 = vector.extract_strided_slice %get3A_51 {offsets = [1], sizes = [1], strides = [1]} : vector<16xf32> to vector<1xf32>
      %squeeze3A_157 = vector.extract %slice3A_156[0] : f32 from vector<1xf32>
      %mul3A_158 = arith.constant 2.000000e+00 : f32
      %mul3A_159 = arith.mulf %mul3A_158, %squeeze3A_157 : f32
      %broadcast_in_dim3A_160 = vector.broadcast %mul3A_159 : f32 to vector<16xf32>
      %slice3A_161 = vector.extract_strided_slice %get3A_56 {offsets = [1], sizes = [1], strides = [1]} : vector<16xf32> to vector<1xf32>
      %squeeze3A_162 = vector.extract %slice3A_161[0] : f32 from vector<1xf32>
      %mul3A_163 = arith.constant 2.000000e+00 : f32
      %mul3A_164 = arith.mulf %mul3A_163, %squeeze3A_162 : f32
      %broadcast_in_dim3A_165 = vector.broadcast %mul3A_164 : f32 to vector<16xf32>
      %slice3A_166 = vector.extract_strided_slice %get3A_61 {offsets = [1], sizes = [1], strides = [1]} : vector<16xf32> to vector<1xf32>
      %squeeze3A_167 = vector.extract %slice3A_166[0] : f32 from vector<1xf32>
      %mul3A_168 = arith.constant 2.000000e+00 : f32
      %mul3A_169 = arith.mulf %mul3A_168, %squeeze3A_167 : f32
      %broadcast_in_dim3A_170 = vector.broadcast %mul3A_169 : f32 to vector<16xf32>
      %slice3A_171 = vector.extract_strided_slice %get3A_64 {offsets = [1], sizes = [1], strides = [1]} : vector<16xf32> to vector<1xf32>
      %squeeze3A_172 = vector.extract %slice3A_171[0] : f32 from vector<1xf32>
      %broadcast_in_dim3A_173 = vector.broadcast %squeeze3A_172 : f32 to vector<16xf32>
      %add3A_174 = arith.addi %mul3A_2, %add3A_68 : i32
      %add3A_175 = arith.constant 1 : i32
      %add3A_176 = arith.addi %add3A_174, %add3A_175 : i32
      %broadcast_in_dim3A_177 = vector.broadcast %add3A_176 : i32 to vector<16xi32>
      %broadcast_in_dim3A_178 = vector.broadcast %squeeze3A_70 : i32 to vector<16xi32>
      %broadcast_in_dim3A_179 = vector.broadcast %squeeze3A_78 : i32 to vector<16xi32>
      %slice3A_180 = vector.extract_strided_slice %get3A_51 {offsets = [2], sizes = [1], strides = [1]} : vector<16xf32> to vector<1xf32>
      %squeeze3A_181 = vector.extract %slice3A_180[0] : f32 from vector<1xf32>
      %mul3A_182 = arith.constant 2.000000e+00 : f32
      %mul3A_183 = arith.mulf %mul3A_182, %squeeze3A_181 : f32
      %broadcast_in_dim3A_184 = vector.broadcast %mul3A_183 : f32 to vector<16xf32>
      %slice3A_185 = vector.extract_strided_slice %get3A_56 {offsets = [2], sizes = [1], strides = [1]} : vector<16xf32> to vector<1xf32>
      %squeeze3A_186 = vector.extract %slice3A_185[0] : f32 from vector<1xf32>
      %mul3A_187 = arith.constant 2.000000e+00 : f32
      %mul3A_188 = arith.mulf %mul3A_187, %squeeze3A_186 : f32
      %broadcast_in_dim3A_189 = vector.broadcast %mul3A_188 : f32 to vector<16xf32>
      %slice3A_190 = vector.extract_strided_slice %get3A_61 {offsets = [2], sizes = [1], strides = [1]} : vector<16xf32> to vector<1xf32>
      %squeeze3A_191 = vector.extract %slice3A_190[0] : f32 from vector<1xf32>
      %mul3A_192 = arith.constant 2.000000e+00 : f32
      %mul3A_193 = arith.mulf %mul3A_192, %squeeze3A_191 : f32
      %broadcast_in_dim3A_194 = vector.broadcast %mul3A_193 : f32 to vector<16xf32>
      %slice3A_195 = vector.extract_strided_slice %get3A_64 {offsets = [2], sizes = [1], strides = [1]} : vector<16xf32> to vector<1xf32>
      %squeeze3A_196 = vector.extract %slice3A_195[0] : f32 from vector<1xf32>
      %broadcast_in_dim3A_197 = vector.broadcast %squeeze3A_196 : f32 to vector<16xf32>
      %add3A_198 = arith.addi %mul3A_2, %add3A_68 : i32
      %add3A_199 = arith.constant 2 : i32
      %add3A_200 = arith.addi %add3A_198, %add3A_199 : i32
      %broadcast_in_dim3A_201 = vector.broadcast %add3A_200 : i32 to vector<16xi32>
      %broadcast_in_dim3A_202 = vector.broadcast %squeeze3A_72 : i32 to vector<16xi32>
      %broadcast_in_dim3A_203 = vector.broadcast %squeeze3A_80 : i32 to vector<16xi32>
      %slice3A_204 = vector.extract_strided_slice %get3A_51 {offsets = [3], sizes = [1], strides = [1]} : vector<16xf32> to vector<1xf32>
      %squeeze3A_205 = vector.extract %slice3A_204[0] : f32 from vector<1xf32>
      %mul3A_206 = arith.constant 2.000000e+00 : f32
      %mul3A_207 = arith.mulf %mul3A_206, %squeeze3A_205 : f32
      %broadcast_in_dim3A_208 = vector.broadcast %mul3A_207 : f32 to vector<16xf32>
      %slice3A_209 = vector.extract_strided_slice %get3A_56 {offsets = [3], sizes = [1], strides = [1]} : vector<16xf32> to vector<1xf32>
      %squeeze3A_210 = vector.extract %slice3A_209[0] : f32 from vector<1xf32>
      %mul3A_211 = arith.constant 2.000000e+00 : f32
      %mul3A_212 = arith.mulf %mul3A_211, %squeeze3A_210 : f32
      %broadcast_in_dim3A_213 = vector.broadcast %mul3A_212 : f32 to vector<16xf32>
      %slice3A_214 = vector.extract_strided_slice %get3A_61 {offsets = [3], sizes = [1], strides = [1]} : vector<16xf32> to vector<1xf32>
      %squeeze3A_215 = vector.extract %slice3A_214[0] : f32 from vector<1xf32>
      %mul3A_216 = arith.constant 2.000000e+00 : f32
      %mul3A_217 = arith.mulf %mul3A_216, %squeeze3A_215 : f32
      %broadcast_in_dim3A_218 = vector.broadcast %mul3A_217 : f32 to vector<16xf32>
      %slice3A_219 = vector.extract_strided_slice %get3A_64 {offsets = [3], sizes = [1], strides = [1]} : vector<16xf32> to vector<1xf32>
      %squeeze3A_220 = vector.extract %slice3A_219[0] : f32 from vector<1xf32>
      %broadcast_in_dim3A_221 = vector.broadcast %squeeze3A_220 : f32 to vector<16xf32>
      %add3A_222 = arith.addi %mul3A_2, %add3A_68 : i32
      %add3A_223 = arith.constant 3 : i32
      %add3A_224 = arith.addi %add3A_222, %add3A_223 : i32
      %broadcast_in_dim3A_225 = vector.broadcast %add3A_224 : i32 to vector<16xi32>
      %broadcast_in_dim3A_226 = vector.broadcast %squeeze3A_74 : i32 to vector<16xi32>
      %broadcast_in_dim3A_227 = vector.broadcast %squeeze3A_82 : i32 to vector<16xi32>
      %broadcast_in_dim3A_228 = arith.constant 3.000000e+38 : f32
      %broadcast_in_dim3A_229 = vector.broadcast %broadcast_in_dim3A_228 : f32 to vector<16xf32>
      %broadcast_in_dim3A_230 = arith.constant 0 : i32
      %broadcast_in_dim3A_231 = vector.broadcast %broadcast_in_dim3A_230 : i32 to vector<16xi32>
      %broadcast_in_dim3A_232 = arith.constant 3.000000e+38 : f32
      %broadcast_in_dim3A_233 = vector.broadcast %broadcast_in_dim3A_232 : f32 to vector<16xf32>
      %broadcast_in_dim3A_234 = arith.constant 0 : i32
      %broadcast_in_dim3A_235 = vector.broadcast %broadcast_in_dim3A_234 : i32 to vector<16xi32>
      %broadcast_in_dim3A_236 = arith.constant 3.000000e+38 : f32
      %broadcast_in_dim3A_237 = vector.broadcast %broadcast_in_dim3A_236 : f32 to vector<16xf32>
      %broadcast_in_dim3A_238 = arith.constant 0 : i32
      %broadcast_in_dim3A_239 = vector.broadcast %broadcast_in_dim3A_238 : i32 to vector<16xi32>
      %broadcast_in_dim3A_240 = arith.constant 3.000000e+38 : f32
      %broadcast_in_dim3A_241 = vector.broadcast %broadcast_in_dim3A_240 : f32 to vector<16xf32>
      %broadcast_in_dim3A_242 = arith.constant 0 : i32
      %broadcast_in_dim3A_243 = vector.broadcast %broadcast_in_dim3A_242 : i32 to vector<16xi32>
      %parallel_loop3A = arith.constant 0 : i32
      %parallel_loop3A_244 = arith.constant 1 : i32
      %parallel_loop3A_245:8 = scf.for %parallel_loop3A_1006 = %parallel_loop3A to %select_n3A_131 step %parallel_loop3A_244 iter_args(%parallel_loop3A_1007 = %broadcast_in_dim3A_229, %parallel_loop3A_1008 = %broadcast_in_dim3A_231, %parallel_loop3A_1009 = %broadcast_in_dim3A_233, %parallel_loop3A_1010 = %broadcast_in_dim3A_235, %parallel_loop3A_1011 = %broadcast_in_dim3A_237, %parallel_loop3A_1012 = %broadcast_in_dim3A_239, %parallel_loop3A_1013 = %broadcast_in_dim3A_241, %parallel_loop3A_1014 = %broadcast_in_dim3A_243) -> (vector<16xf32>, vector<16xi32>, vector<16xf32>, vector<16xi32>, vector<16xf32>, vector<16xi32>, vector<16xf32>, vector<16xi32>)  : i32 {
        %parallel_loop3A_1015 = arith.constant 16 : i32
        %parallel_loop3A_1016 = arith.muli %parallel_loop3A_1006, %parallel_loop3A_1015 : i32
        %parallel_loop3A_1017 = arith.addi %mul3A_104, %parallel_loop3A_1016 : i32
        %parallel_loop3A_1018 = arith.constant 0 : i32
        %parallel_loop3A_1019 = arith.index_cast %parallel_loop3A_1018 : i32 to index
        %parallel_loop3A_1020 = arith.index_cast %parallel_loop3A_1017 : i32 to index
        %parallel_loop3A_1021 = tpu.vector_load %arg8[%parallel_loop3A_1019, %parallel_loop3A_1020] {strides = array<i32>} : memref<3x10240xf32, #tpu.memory_space<vmem>>, vector<16xf32>,
        %parallel_loop3A_1022 = arith.constant 1 : i32
        %parallel_loop3A_1023 = arith.index_cast %parallel_loop3A_1022 : i32 to index
        %parallel_loop3A_1024 = arith.index_cast %parallel_loop3A_1017 : i32 to index
        %parallel_loop3A_1025 = tpu.vector_load %arg8[%parallel_loop3A_1023, %parallel_loop3A_1024] {strides = array<i32>} : memref<3x10240xf32, #tpu.memory_space<vmem>>, vector<16xf32>,
        %parallel_loop3A_1026 = arith.constant 2 : i32
        %parallel_loop3A_1027 = arith.index_cast %parallel_loop3A_1026 : i32 to index
        %parallel_loop3A_1028 = arith.index_cast %parallel_loop3A_1017 : i32 to index
        %parallel_loop3A_1029 = tpu.vector_load %arg8[%parallel_loop3A_1027, %parallel_loop3A_1028] {strides = array<i32>} : memref<3x10240xf32, #tpu.memory_space<vmem>>, vector<16xf32>,
        %parallel_loop3A_1030 = arith.index_cast %parallel_loop3A_1017 : i32 to index
        %parallel_loop3A_1031 = tpu.vector_load %arg9[%parallel_loop3A_1030] {strides = array<i32>} : memref<10240xf32, #tpu.memory_space<vmem>>, vector<16xf32>,
        %parallel_loop3A_1032 = vector.broadcast %parallel_loop3A_1017 : i32 to vector<16xi32>
        %parallel_loop3A_1033 = arith.addi %parallel_loop3A_1032, %iota3A : vector<16xi32>
        %parallel_loop3A_1034 = arith.mulf %broadcast_in_dim3A_136, %parallel_loop3A_1021 : vector<16xf32>
        %parallel_loop3A_1035 = arith.mulf %broadcast_in_dim3A_141, %parallel_loop3A_1025 : vector<16xf32>
        %parallel_loop3A_1036 = arith.addf %parallel_loop3A_1034, %parallel_loop3A_1035 : vector<16xf32>
        %parallel_loop3A_1037 = arith.mulf %broadcast_in_dim3A_146, %parallel_loop3A_1029 : vector<16xf32>
        %parallel_loop3A_1038 = arith.addf %parallel_loop3A_1036, %parallel_loop3A_1037 : vector<16xf32>
        %parallel_loop3A_1039 = arith.addf %broadcast_in_dim3A_149, %parallel_loop3A_1031 : vector<16xf32>
        %parallel_loop3A_1040 = arith.subf %parallel_loop3A_1039, %parallel_loop3A_1038 : vector<16xf32>
        %parallel_loop3A_1041 = arith.cmpi slt, %parallel_loop3A_1033, %broadcast_in_dim3A_154 : vector<16xi32>
        %parallel_loop3A_1042 = arith.cmpi sge, %parallel_loop3A_1033, %broadcast_in_dim3A_155 : vector<16xi32>
        %parallel_loop3A_1043 = arith.ori %parallel_loop3A_1041, %parallel_loop3A_1042 : vector<16xi1>
        %parallel_loop3A_1044 = arith.constant 3.000000e+38 : f32
        %parallel_loop3A_1045 = vector.broadcast %parallel_loop3A_1044 : f32 to vector<16xf32>
        %parallel_loop3A_1046 = arith.select %parallel_loop3A_1043, %parallel_loop3A_1045, %parallel_loop3A_1040 : vector<16xi1>, vector<16xf32>
        %parallel_loop3A_1047 = arith.constant dense<true> : vector<16xi1>
        %parallel_loop3A_1048, %parallel_loop3A_1049, %parallel_loop3A_1050 = tpu.sort %parallel_loop3A_1046, %parallel_loop3A_1033 masked %parallel_loop3A_1047 {descending = true} : (vector<16xf32>, vector<16xi32>, vector<16xi1>) -> (vector<16xi1>, vector<16xf32>, vector<16xi32>)
        %parallel_loop3A_1051 = arith.cmpf ole, %parallel_loop3A_1007, %parallel_loop3A_1049 : vector<16xf32>
        %parallel_loop3A_1052 = arith.select %parallel_loop3A_1051, %parallel_loop3A_1007, %parallel_loop3A_1049 : vector<16xi1>, vector<16xf32>
        %parallel_loop3A_1053 = arith.select %parallel_loop3A_1051, %parallel_loop3A_1008, %parallel_loop3A_1050 : vector<16xi1>, vector<16xi32>
        %parallel_loop3A_1054 = arith.constant dense<true> : vector<16xi1>
        %parallel_loop3A_1055, %parallel_loop3A_1056, %parallel_loop3A_1057 = tpu.sort %parallel_loop3A_1052, %parallel_loop3A_1053 masked %parallel_loop3A_1054 : (vector<16xf32>, vector<16xi32>, vector<16xi1>) -> (vector<16xi1>, vector<16xf32>, vector<16xi32>)
        %parallel_loop3A_1058 = arith.mulf %broadcast_in_dim3A_160, %parallel_loop3A_1021 : vector<16xf32>
        %parallel_loop3A_1059 = arith.mulf %broadcast_in_dim3A_165, %parallel_loop3A_1025 : vector<16xf32>
        %parallel_loop3A_1060 = arith.addf %parallel_loop3A_1058, %parallel_loop3A_1059 : vector<16xf32>
        %parallel_loop3A_1061 = arith.mulf %broadcast_in_dim3A_170, %parallel_loop3A_1029 : vector<16xf32>
        %parallel_loop3A_1062 = arith.addf %parallel_loop3A_1060, %parallel_loop3A_1061 : vector<16xf32>
        %parallel_loop3A_1063 = arith.addf %broadcast_in_dim3A_173, %parallel_loop3A_1031 : vector<16xf32>
        %parallel_loop3A_1064 = arith.subf %parallel_loop3A_1063, %parallel_loop3A_1062 : vector<16xf32>
        %parallel_loop3A_1065 = arith.cmpi slt, %parallel_loop3A_1033, %broadcast_in_dim3A_178 : vector<16xi32>
        %parallel_loop3A_1066 = arith.cmpi sge, %parallel_loop3A_1033, %broadcast_in_dim3A_179 : vector<16xi32>
        %parallel_loop3A_1067 = arith.ori %parallel_loop3A_1065, %parallel_loop3A_1066 : vector<16xi1>
        %parallel_loop3A_1068 = arith.constant 3.000000e+38 : f32
        %parallel_loop3A_1069 = vector.broadcast %parallel_loop3A_1068 : f32 to vector<16xf32>
        %parallel_loop3A_1070 = arith.select %parallel_loop3A_1067, %parallel_loop3A_1069, %parallel_loop3A_1064 : vector<16xi1>, vector<16xf32>
        %parallel_loop3A_1071 = arith.constant dense<true> : vector<16xi1>
        %parallel_loop3A_1072, %parallel_loop3A_1073, %parallel_loop3A_1074 = tpu.sort %parallel_loop3A_1070, %parallel_loop3A_1033 masked %parallel_loop3A_1071 {descending = true} : (vector<16xf32>, vector<16xi32>, vector<16xi1>) -> (vector<16xi1>, vector<16xf32>, vector<16xi32>)
        %parallel_loop3A_1075 = arith.cmpf ole, %parallel_loop3A_1009, %parallel_loop3A_1073 : vector<16xf32>
        %parallel_loop3A_1076 = arith.select %parallel_loop3A_1075, %parallel_loop3A_1009, %parallel_loop3A_1073 : vector<16xi1>, vector<16xf32>
        %parallel_loop3A_1077 = arith.select %parallel_loop3A_1075, %parallel_loop3A_1010, %parallel_loop3A_1074 : vector<16xi1>, vector<16xi32>
        %parallel_loop3A_1078 = arith.constant dense<true> : vector<16xi1>
        %parallel_loop3A_1079, %parallel_loop3A_1080, %parallel_loop3A_1081 = tpu.sort %parallel_loop3A_1076, %parallel_loop3A_1077 masked %parallel_loop3A_1078 : (vector<16xf32>, vector<16xi32>, vector<16xi1>) -> (vector<16xi1>, vector<16xf32>, vector<16xi32>)
        %parallel_loop3A_1082 = arith.mulf %broadcast_in_dim3A_184, %parallel_loop3A_1021 : vector<16xf32>
        %parallel_loop3A_1083 = arith.mulf %broadcast_in_dim3A_189, %parallel_loop3A_1025 : vector<16xf32>
        %parallel_loop3A_1084 = arith.addf %parallel_loop3A_1082, %parallel_loop3A_1083 : vector<16xf32>
        %parallel_loop3A_1085 = arith.mulf %broadcast_in_dim3A_194, %parallel_loop3A_1029 : vector<16xf32>
        %parallel_loop3A_1086 = arith.addf %parallel_loop3A_1084, %parallel_loop3A_1085 : vector<16xf32>
        %parallel_loop3A_1087 = arith.addf %broadcast_in_dim3A_197, %parallel_loop3A_1031 : vector<16xf32>
        %parallel_loop3A_1088 = arith.subf %parallel_loop3A_1087, %parallel_loop3A_1086 : vector<16xf32>
        %parallel_loop3A_1089 = arith.cmpi slt, %parallel_loop3A_1033, %broadcast_in_dim3A_202 : vector<16xi32>
        %parallel_loop3A_1090 = arith.cmpi sge, %parallel_loop3A_1033, %broadcast_in_dim3A_203 : vector<16xi32>
        %parallel_loop3A_1091 = arith.ori %parallel_loop3A_1089, %parallel_loop3A_1090 : vector<16xi1>
        %parallel_loop3A_1092 = arith.constant 3.000000e+38 : f32
        %parallel_loop3A_1093 = vector.broadcast %parallel_loop3A_1092 : f32 to vector<16xf32>
        %parallel_loop3A_1094 = arith.select %parallel_loop3A_1091, %parallel_loop3A_1093, %parallel_loop3A_1088 : vector<16xi1>, vector<16xf32>
        %parallel_loop3A_1095 = arith.constant dense<true> : vector<16xi1>
        %parallel_loop3A_1096, %parallel_loop3A_1097, %parallel_loop3A_1098 = tpu.sort %parallel_loop3A_1094, %parallel_loop3A_1033 masked %parallel_loop3A_1095 {descending = true} : (vector<16xf32>, vector<16xi32>, vector<16xi1>) -> (vector<16xi1>, vector<16xf32>, vector<16xi32>)
        %parallel_loop3A_1099 = arith.cmpf ole, %parallel_loop3A_1011, %parallel_loop3A_1097 : vector<16xf32>
        %parallel_loop3A_1100 = arith.select %parallel_loop3A_1099, %parallel_loop3A_1011, %parallel_loop3A_1097 : vector<16xi1>, vector<16xf32>
        %parallel_loop3A_1101 = arith.select %parallel_loop3A_1099, %parallel_loop3A_1012, %parallel_loop3A_1098 : vector<16xi1>, vector<16xi32>
        %parallel_loop3A_1102 = arith.constant dense<true> : vector<16xi1>
        %parallel_loop3A_1103, %parallel_loop3A_1104, %parallel_loop3A_1105 = tpu.sort %parallel_loop3A_1100, %parallel_loop3A_1101 masked %parallel_loop3A_1102 : (vector<16xf32>, vector<16xi32>, vector<16xi1>) -> (vector<16xi1>, vector<16xf32>, vector<16xi32>)
        %parallel_loop3A_1106 = arith.mulf %broadcast_in_dim3A_208, %parallel_loop3A_1021 : vector<16xf32>
        %parallel_loop3A_1107 = arith.mulf %broadcast_in_dim3A_213, %parallel_loop3A_1025 : vector<16xf32>
        %parallel_loop3A_1108 = arith.addf %parallel_loop3A_1106, %parallel_loop3A_1107 : vector<16xf32>
        %parallel_loop3A_1109 = arith.mulf %broadcast_in_dim3A_218, %parallel_loop3A_1029 : vector<16xf32>
        %parallel_loop3A_1110 = arith.addf %parallel_loop3A_1108, %parallel_loop3A_1109 : vector<16xf32>
        %parallel_loop3A_1111 = arith.addf %broadcast_in_dim3A_221, %parallel_loop3A_1031 : vector<16xf32>
        %parallel_loop3A_1112 = arith.subf %parallel_loop3A_1111, %parallel_loop3A_1110 : vector<16xf32>
        %parallel_loop3A_1113 = arith.cmpi slt, %parallel_loop3A_1033, %broadcast_in_dim3A_226 : vector<16xi32>
        %parallel_loop3A_1114 = arith.cmpi sge, %parallel_loop3A_1033, %broadcast_in_dim3A_227 : vector<16xi32>
        %parallel_loop3A_1115 = arith.ori %parallel_loop3A_1113, %parallel_loop3A_1114 : vector<16xi1>
        %parallel_loop3A_1116 = arith.constant 3.000000e+38 : f32
        %parallel_loop3A_1117 = vector.broadcast %parallel_loop3A_1116 : f32 to vector<16xf32>
        %parallel_loop3A_1118 = arith.select %parallel_loop3A_1115, %parallel_loop3A_1117, %parallel_loop3A_1112 : vector<16xi1>, vector<16xf32>
        %parallel_loop3A_1119 = arith.constant dense<true> : vector<16xi1>
        %parallel_loop3A_1120, %parallel_loop3A_1121, %parallel_loop3A_1122 = tpu.sort %parallel_loop3A_1118, %parallel_loop3A_1033 masked %parallel_loop3A_1119 {descending = true} : (vector<16xf32>, vector<16xi32>, vector<16xi1>) -> (vector<16xi1>, vector<16xf32>, vector<16xi32>)
        %parallel_loop3A_1123 = arith.cmpf ole, %parallel_loop3A_1013, %parallel_loop3A_1121 : vector<16xf32>
        %parallel_loop3A_1124 = arith.select %parallel_loop3A_1123, %parallel_loop3A_1013, %parallel_loop3A_1121 : vector<16xi1>, vector<16xf32>
        %parallel_loop3A_1125 = arith.select %parallel_loop3A_1123, %parallel_loop3A_1014, %parallel_loop3A_1122 : vector<16xi1>, vector<16xi32>
        %parallel_loop3A_1126 = arith.constant dense<true> : vector<16xi1>
        %parallel_loop3A_1127, %parallel_loop3A_1128, %parallel_loop3A_1129 = tpu.sort %parallel_loop3A_1124, %parallel_loop3A_1125 masked %parallel_loop3A_1126 : (vector<16xf32>, vector<16xi32>, vector<16xi1>) -> (vector<16xi1>, vector<16xf32>, vector<16xi32>)
        scf.yield %parallel_loop3A_1056, %parallel_loop3A_1057, %parallel_loop3A_1080, %parallel_loop3A_1081, %parallel_loop3A_1104, %parallel_loop3A_1105, %parallel_loop3A_1128, %parallel_loop3A_1129 : vector<16xf32>, vector<16xi32>, vector<16xf32>, vector<16xi32>, vector<16xf32>, vector<16xi32>, vector<16xf32>, vector<16xi32>
      } {sc.loop_unroll_factor = 1 : i64, sc.parallel_access}
      %ne3A_246 = arith.cmpi ne, %parallel_loop3A_245#1, %broadcast_in_dim3A_153 : vector<16xi32>
      %add3A_247 = arith.constant 0 : i32
      %add3A_248 = arith.addi %add3A_68, %add3A_247 : i32
      %swap3A = arith.index_cast %add3A_248 : i32 to index
      %swap3A_249 = arith.constant 0 : index
      %swap3A_250 = tpu.vector_load %arg13[%swap3A, %swap3A_249] masked %ne3A_246 {strides = array<i32>} : memref<320x16xi32, #tpu.memory_space<vmem>>, vector<16xi32>, vector<16xi1>
      tpu.vector_store %arg13[%swap3A, %swap3A_249], %parallel_loop3A_245#1 masked %ne3A_246 {strides = array<i32>} : memref<320x16xi32, #tpu.memory_space<vmem>>, vector<16xi32>, vector<16xi1>
      %all_reduce_population_count3A = tpu.all_reduce %ne3A_246 {dim = 0 : i64, kind = #tpu.reduction_kind<sum>} : vector<16xi1> -> vector<16xi32>
      %eq3A = arith.constant 0 : i32
      %eq3A_251 = vector.broadcast %eq3A : i32 to vector<16xi32>
      %eq3A_252 = arith.cmpi eq, %iota3A, %eq3A_251 : vector<16xi32>
      %select_n3A_253 = arith.select %eq3A_252, %all_reduce_population_count3A, %broadcast_in_dim3A_41 : vector<16xi1>, vector<16xi32>
      %ne3A_254 = arith.cmpi ne, %parallel_loop3A_245#3, %broadcast_in_dim3A_177 : vector<16xi32>
      %add3A_255 = arith.constant 1 : i32
      %add3A_256 = arith.addi %add3A_68, %add3A_255 : i32
      %swap3A_257 = arith.index_cast %add3A_256 : i32 to index
      %swap3A_258 = arith.constant 0 : index
      %swap3A_259 = tpu.vector_load %arg13[%swap3A_257, %swap3A_258] masked %ne3A_254 {strides = array<i32>} : memref<320x16xi32, #tpu.memory_space<vmem>>, vector<16xi32>, vector<16xi1>
      tpu.vector_store %arg13[%swap3A_257, %swap3A_258], %parallel_loop3A_245#3 masked %ne3A_254 {strides = array<i32>} : memref<320x16xi32, #tpu.memory_space<vmem>>, vector<16xi32>, vector<16xi1>
      %all_reduce_population_count3A_260 = tpu.all_reduce %ne3A_254 {dim = 0 : i64, kind = #tpu.reduction_kind<sum>} : vector<16xi1> -> vector<16xi32>
      %eq3A_261 = arith.constant 1 : i32
      %eq3A_262 = vector.broadcast %eq3A_261 : i32 to vector<16xi32>
      %eq3A_263 = arith.cmpi eq, %iota3A, %eq3A_262 : vector<16xi32>
      %select_n3A_264 = arith.select %eq3A_263, %all_reduce_population_count3A_260, %select_n3A_253 : vector<16xi1>, vector<16xi32>
      %ne3A_265 = arith.cmpi ne, %parallel_loop3A_245#5, %broadcast_in_dim3A_201 : vector<16xi32>
      %add3A_266 = arith.constant 2 : i32
      %add3A_267 = arith.addi %add3A_68, %add3A_266 : i32
      %swap3A_268 = arith.index_cast %add3A_267 : i32 to index
      %swap3A_269 = arith.constant 0 : index
      %swap3A_270 = tpu.vector_load %arg13[%swap3A_268, %swap3A_269] masked %ne3A_265 {strides = array<i32>} : memref<320x16xi32, #tpu.memory_space<vmem>>, vector<16xi32>, vector<16xi1>
      tpu.vector_store %arg13[%swap3A_268, %swap3A_269], %parallel_loop3A_245#5 masked %ne3A_265 {strides = array<i32>} : memref<320x16xi32, #tpu.memory_space<vmem>>, vector<16xi32>, vector<16xi1>
      %all_reduce_population_count3A_271 = tpu.all_reduce %ne3A_265 {dim = 0 : i64, kind = #tpu.reduction_kind<sum>} : vector<16xi1> -> vector<16xi32>
      %eq3A_272 = arith.constant 2 : i32
      %eq3A_273 = vector.broadcast %eq3A_272 : i32 to vector<16xi32>
      %eq3A_274 = arith.cmpi eq, %iota3A, %eq3A_273 : vector<16xi32>
      %select_n3A_275 = arith.select %eq3A_274, %all_reduce_population_count3A_271, %select_n3A_264 : vector<16xi1>, vector<16xi32>
      %ne3A_276 = arith.cmpi ne, %parallel_loop3A_245#7, %broadcast_in_dim3A_225 : vector<16xi32>
      %add3A_277 = arith.constant 3 : i32
      %add3A_278 = arith.addi %add3A_68, %add3A_277 : i32
      %swap3A_279 = arith.index_cast %add3A_278 : i32 to index
      %swap3A_280 = arith.constant 0 : index
      %swap3A_281 = tpu.vector_load %arg13[%swap3A_279, %swap3A_280] masked %ne3A_276 {strides = array<i32>} : memref<320x16xi32, #tpu.memory_space<vmem>>, vector<16xi32>, vector<16xi1>
      tpu.vector_store %arg13[%swap3A_279, %swap3A_280], %parallel_loop3A_245#7 masked %ne3A_276 {strides = array<i32>} : memref<320x16xi32, #tpu.memory_space<vmem>>, vector<16xi32>, vector<16xi1>
      %all_reduce_population_count3A_282 = tpu.all_reduce %ne3A_276 {dim = 0 : i64, kind = #tpu.reduction_kind<sum>} : vector<16xi1> -> vector<16xi32>
      %eq3A_283 = arith.constant 3 : i32
      %eq3A_284 = vector.broadcast %eq3A_283 : i32 to vector<16xi32>
      %eq3A_285 = arith.cmpi eq, %iota3A, %eq3A_284 : vector<16xi32>
      %select_n3A_286 = arith.select %eq3A_285, %all_reduce_population_count3A_282, %select_n3A_275 : vector<16xi1>, vector<16xi32>
      %mul3A_287 = arith.constant 16 : i32
      %mul3A_288 = arith.muli %scan3A_39, %mul3A_287 : i32
      %add3A_289 = arith.constant 4 : i32
      %add3A_290 = arith.addi %mul3A_288, %add3A_289 : i32
      %slice3A_291 = vector.extract_strided_slice %get3A_44 {offsets = [4], sizes = [1], strides = [1]} : vector<16xi32> to vector<1xi32>
      %squeeze3A_292 = vector.extract %slice3A_291[0] : i32 from vector<1xi32>
      %slice3A_293 = vector.extract_strided_slice %get3A_44 {offsets = [5], sizes = [1], strides = [1]} : vector<16xi32> to vector<1xi32>
      %squeeze3A_294 = vector.extract %slice3A_293[0] : i32 from vector<1xi32>
      %slice3A_295 = vector.extract_strided_slice %get3A_44 {offsets = [6], sizes = [1], strides = [1]} : vector<16xi32> to vector<1xi32>
      %squeeze3A_296 = vector.extract %slice3A_295[0] : i32 from vector<1xi32>
      %slice3A_297 = vector.extract_strided_slice %get3A_44 {offsets = [7], sizes = [1], strides = [1]} : vector<16xi32> to vector<1xi32>
      %squeeze3A_298 = vector.extract %slice3A_297[0] : i32 from vector<1xi32>
      %slice3A_299 = vector.extract_strided_slice %get3A_46 {offsets = [4], sizes = [1], strides = [1]} : vector<16xi32> to vector<1xi32>
      %squeeze3A_300 = vector.extract %slice3A_299[0] : i32 from vector<1xi32>
      %slice3A_301 = vector.extract_strided_slice %get3A_46 {offsets = [5], sizes = [1], strides = [1]} : vector<16xi32> to vector<1xi32>
      %squeeze3A_302 = vector.extract %slice3A_301[0] : i32 from vector<1xi32>
      %slice3A_303 = vector.extract_strided_slice %get3A_46 {offsets = [6], sizes = [1], strides = [1]} : vector<16xi32> to vector<1xi32>
      %squeeze3A_304 = vector.extract %slice3A_303[0] : i32 from vector<1xi32>
      %slice3A_305 = vector.extract_strided_slice %get3A_46 {offsets = [7], sizes = [1], strides = [1]} : vector<16xi32> to vector<1xi32>
      %squeeze3A_306 = vector.extract %slice3A_305[0] : i32 from vector<1xi32>
      %min3A_307 = arith.minsi %squeeze3A_292, %squeeze3A_294 : i32
      %max3A_308 = arith.maxsi %squeeze3A_300, %squeeze3A_302 : i32
      %min3A_309 = arith.minsi %min3A_307, %squeeze3A_296 : i32
      %max3A_310 = arith.maxsi %max3A_308, %squeeze3A_304 : i32
      %min3A_311 = arith.minsi %min3A_309, %squeeze3A_298 : i32
      %max3A_312 = arith.maxsi %max3A_310, %squeeze3A_306 : i32
      %jit3A_313 = arith.constant 16 : i32
      %div3A_314 = arith.divsi %min3A_311, %jit3A_313 : i32
      %sign3A_315 = arith.constant 0 : i32
      %sign3A_316 = arith.cmpi sgt, %min3A_311, %sign3A_315 : i32
      %sign3A_317 = arith.extui %sign3A_316 : i1 to i32
      %sign3A_318 = arith.constant 0 : i32
      %sign3A_319 = arith.cmpi slt, %min3A_311, %sign3A_318 : i32
      %sign3A_320 = arith.extui %sign3A_319 : i1 to i32
      %sign3A_321 = arith.subi %sign3A_317, %sign3A_320 : i32
      %sign3A_322 = arith.constant 0 : i32
      %sign3A_323 = arith.cmpi sgt, %jit3A_313, %sign3A_322 : i32
      %sign3A_324 = arith.extui %sign3A_323 : i1 to i32
      %sign3A_325 = arith.constant 0 : i32
      %sign3A_326 = arith.cmpi slt, %jit3A_313, %sign3A_325 : i32
      %sign3A_327 = arith.extui %sign3A_326 : i1 to i32
      %sign3A_328 = arith.subi %sign3A_324, %sign3A_327 : i32
      %ne3A_329 = arith.cmpi ne, %sign3A_321, %sign3A_328 : i32
      %rem3A_330 = arith.remsi %min3A_311, %jit3A_313 : i32
      %ne3A_331 = arith.constant 0 : i32
      %ne3A_332 = arith.cmpi ne, %rem3A_330, %ne3A_331 : i32
      %and3A_333 = arith.andi %ne3A_329, %ne3A_332 : i1
      %sub3A_334 = arith.constant 1 : i32
      %sub3A_335 = arith.subi %div3A_314, %sub3A_334 : i32
      %select_n3A_336 = arith.select %and3A_333, %sub3A_335, %div3A_314 : i32
      %mul3A_337 = arith.constant 16 : i32
      %mul3A_338 = arith.muli %select_n3A_336, %mul3A_337 : i32
      %sub3A_339 = arith.subi %max3A_312, %mul3A_338 : i32
      %add3A_340 = arith.constant 15 : i32
      %add3A_341 = arith.addi %sub3A_339, %add3A_340 : i32
      %jit3A_342 = arith.constant 16 : i32
      %div3A_343 = arith.divsi %add3A_341, %jit3A_342 : i32
      %sign3A_344 = arith.constant 0 : i32
      %sign3A_345 = arith.cmpi sgt, %add3A_341, %sign3A_344 : i32
      %sign3A_346 = arith.extui %sign3A_345 : i1 to i32
      %sign3A_347 = arith.constant 0 : i32
      %sign3A_348 = arith.cmpi slt, %add3A_341, %sign3A_347 : i32
      %sign3A_349 = arith.extui %sign3A_348 : i1 to i32
      %sign3A_350 = arith.subi %sign3A_346, %sign3A_349 : i32
      %sign3A_351 = arith.constant 0 : i32
      %sign3A_352 = arith.cmpi sgt, %jit3A_342, %sign3A_351 : i32
      %sign3A_353 = arith.extui %sign3A_352 : i1 to i32
      %sign3A_354 = arith.constant 0 : i32
      %sign3A_355 = arith.cmpi slt, %jit3A_342, %sign3A_354 : i32
      %sign3A_356 = arith.extui %sign3A_355 : i1 to i32
      %sign3A_357 = arith.subi %sign3A_353, %sign3A_356 : i32
      %ne3A_358 = arith.cmpi ne, %sign3A_350, %sign3A_357 : i32
      %rem3A_359 = arith.remsi %add3A_341, %jit3A_342 : i32
      %ne3A_360 = arith.constant 0 : i32
      %ne3A_361 = arith.cmpi ne, %rem3A_359, %ne3A_360 : i32
      %and3A_362 = arith.andi %ne3A_358, %ne3A_361 : i1
      %sub3A_363 = arith.constant 1 : i32
      %sub3A_364 = arith.subi %div3A_343, %sub3A_363 : i32
      %select_n3A_365 = arith.select %and3A_362, %sub3A_364, %div3A_343 : i32
      %slice3A_366 = vector.extract_strided_slice %get3A_51 {offsets = [4], sizes = [1], strides = [1]} : vector<16xf32> to vector<1xf32>
      %squeeze3A_367 = vector.extract %slice3A_366[0] : f32 from vector<1xf32>
      %mul3A_368 = arith.constant 2.000000e+00 : f32
      %mul3A_369 = arith.mulf %mul3A_368, %squeeze3A_367 : f32
      %broadcast_in_dim3A_370 = vector.broadcast %mul3A_369 : f32 to vector<16xf32>
      %slice3A_371 = vector.extract_strided_slice %get3A_56 {offsets = [4], sizes = [1], strides = [1]} : vector<16xf32> to vector<1xf32>
      %squeeze3A_372 = vector.extract %slice3A_371[0] : f32 from vector<1xf32>
      %mul3A_373 = arith.constant 2.000000e+00 : f32
      %mul3A_374 = arith.mulf %mul3A_373, %squeeze3A_372 : f32
      %broadcast_in_dim3A_375 = vector.broadcast %mul3A_374 : f32 to vector<16xf32>
      %slice3A_376 = vector.extract_strided_slice %get3A_61 {offsets = [4], sizes = [1], strides = [1]} : vector<16xf32> to vector<1xf32>
      %squeeze3A_377 = vector.extract %slice3A_376[0] : f32 from vector<1xf32>
      %mul3A_378 = arith.constant 2.000000e+00 : f32
      %mul3A_379 = arith.mulf %mul3A_378, %squeeze3A_377 : f32
      %broadcast_in_dim3A_380 = vector.broadcast %mul3A_379 : f32 to vector<16xf32>
      %slice3A_381 = vector.extract_strided_slice %get3A_64 {offsets = [4], sizes = [1], strides = [1]} : vector<16xf32> to vector<1xf32>
      %squeeze3A_382 = vector.extract %slice3A_381[0] : f32 from vector<1xf32>
      %broadcast_in_dim3A_383 = vector.broadcast %squeeze3A_382 : f32 to vector<16xf32>
      %add3A_384 = arith.addi %mul3A_2, %add3A_290 : i32
      %add3A_385 = arith.constant 0 : i32
      %add3A_386 = arith.addi %add3A_384, %add3A_385 : i32
      %broadcast_in_dim3A_387 = vector.broadcast %add3A_386 : i32 to vector<16xi32>
      %broadcast_in_dim3A_388 = vector.broadcast %squeeze3A_292 : i32 to vector<16xi32>
      %broadcast_in_dim3A_389 = vector.broadcast %squeeze3A_300 : i32 to vector<16xi32>
      %slice3A_390 = vector.extract_strided_slice %get3A_51 {offsets = [5], sizes = [1], strides = [1]} : vector<16xf32> to vector<1xf32>
      %squeeze3A_391 = vector.extract %slice3A_390[0] : f32 from vector<1xf32>
      %mul3A_392 = arith.constant 2.000000e+00 : f32
      %mul3A_393 = arith.mulf %mul3A_392, %squeeze3A_391 : f32
      %broadcast_in_dim3A_394 = vector.broadcast %mul3A_393 : f32 to vector<16xf32>
      %slice3A_395 = vector.extract_strided_slice %get3A_56 {offsets = [5], sizes = [1], strides = [1]} : vector<16xf32> to vector<1xf32>
      %squeeze3A_396 = vector.extract %slice3A_395[0] : f32 from vector<1xf32>
      %mul3A_397 = arith.constant 2.000000e+00 : f32
      %mul3A_398 = arith.mulf %mul3A_397, %squeeze3A_396 : f32
      %broadcast_in_dim3A_399 = vector.broadcast %mul3A_398 : f32 to vector<16xf32>
      %slice3A_400 = vector.extract_strided_slice %get3A_61 {offsets = [5], sizes = [1], strides = [1]} : vector<16xf32> to vector<1xf32>
      %squeeze3A_401 = vector.extract %slice3A_400[0] : f32 from vector<1xf32>
      %mul3A_402 = arith.constant 2.000000e+00 : f32
      %mul3A_403 = arith.mulf %mul3A_402, %squeeze3A_401 : f32
      %broadcast_in_dim3A_404 = vector.broadcast %mul3A_403 : f32 to vector<16xf32>
      %slice3A_405 = vector.extract_strided_slice %get3A_64 {offsets = [5], sizes = [1], strides = [1]} : vector<16xf32> to vector<1xf32>
      %squeeze3A_406 = vector.extract %slice3A_405[0] : f32 from vector<1xf32>
      %broadcast_in_dim3A_407 = vector.broadcast %squeeze3A_406 : f32 to vector<16xf32>
      %add3A_408 = arith.addi %mul3A_2, %add3A_290 : i32
      %add3A_409 = arith.constant 1 : i32
      %add3A_410 = arith.addi %add3A_408, %add3A_409 : i32
      %broadcast_in_dim3A_411 = vector.broadcast %add3A_410 : i32 to vector<16xi32>
      %broadcast_in_dim3A_412 = vector.broadcast %squeeze3A_294 : i32 to vector<16xi32>
      %broadcast_in_dim3A_413 = vector.broadcast %squeeze3A_302 : i32 to vector<16xi32>
      %slice3A_414 = vector.extract_strided_slice %get3A_51 {offsets = [6], sizes = [1], strides = [1]} : vector<16xf32> to vector<1xf32>
      %squeeze3A_415 = vector.extract %slice3A_414[0] : f32 from vector<1xf32>
      %mul3A_416 = arith.constant 2.000000e+00 : f32
      %mul3A_417 = arith.mulf %mul3A_416, %squeeze3A_415 : f32
      %broadcast_in_dim3A_418 = vector.broadcast %mul3A_417 : f32 to vector<16xf32>
      %slice3A_419 = vector.extract_strided_slice %get3A_56 {offsets = [6], sizes = [1], strides = [1]} : vector<16xf32> to vector<1xf32>
      %squeeze3A_420 = vector.extract %slice3A_419[0] : f32 from vector<1xf32>
      %mul3A_421 = arith.constant 2.000000e+00 : f32
      %mul3A_422 = arith.mulf %mul3A_421, %squeeze3A_420 : f32
      %broadcast_in_dim3A_423 = vector.broadcast %mul3A_422 : f32 to vector<16xf32>
      %slice3A_424 = vector.extract_strided_slice %get3A_61 {offsets = [6], sizes = [1], strides = [1]} : vector<16xf32> to vector<1xf32>
      %squeeze3A_425 = vector.extract %slice3A_424[0] : f32 from vector<1xf32>
      %mul3A_426 = arith.constant 2.000000e+00 : f32
      %mul3A_427 = arith.mulf %mul3A_426, %squeeze3A_425 : f32
      %broadcast_in_dim3A_428 = vector.broadcast %mul3A_427 : f32 to vector<16xf32>
      %slice3A_429 = vector.extract_strided_slice %get3A_64 {offsets = [6], sizes = [1], strides = [1]} : vector<16xf32> to vector<1xf32>
      %squeeze3A_430 = vector.extract %slice3A_429[0] : f32 from vector<1xf32>
      %broadcast_in_dim3A_431 = vector.broadcast %squeeze3A_430 : f32 to vector<16xf32>
      %add3A_432 = arith.addi %mul3A_2, %add3A_290 : i32
      %add3A_433 = arith.constant 2 : i32
      %add3A_434 = arith.addi %add3A_432, %add3A_433 : i32
      %broadcast_in_dim3A_435 = vector.broadcast %add3A_434 : i32 to vector<16xi32>
      %broadcast_in_dim3A_436 = vector.broadcast %squeeze3A_296 : i32 to vector<16xi32>
      %broadcast_in_dim3A_437 = vector.broadcast %squeeze3A_304 : i32 to vector<16xi32>
      %slice3A_438 = vector.extract_strided_slice %get3A_51 {offsets = [7], sizes = [1], strides = [1]} : vector<16xf32> to vector<1xf32>
      %squeeze3A_439 = vector.extract %slice3A_438[0] : f32 from vector<1xf32>
      %mul3A_440 = arith.constant 2.000000e+00 : f32
      %mul3A_441 = arith.mulf %mul3A_440, %squeeze3A_439 : f32
      %broadcast_in_dim3A_442 = vector.broadcast %mul3A_441 : f32 to vector<16xf32>
      %slice3A_443 = vector.extract_strided_slice %get3A_56 {offsets = [7], sizes = [1], strides = [1]} : vector<16xf32> to vector<1xf32>
      %squeeze3A_444 = vector.extract %slice3A_443[0] : f32 from vector<1xf32>
      %mul3A_445 = arith.constant 2.000000e+00 : f32
      %mul3A_446 = arith.mulf %mul3A_445, %squeeze3A_444 : f32
      %broadcast_in_dim3A_447 = vector.broadcast %mul3A_446 : f32 to vector<16xf32>
      %slice3A_448 = vector.extract_strided_slice %get3A_61 {offsets = [7], sizes = [1], strides = [1]} : vector<16xf32> to vector<1xf32>
      %squeeze3A_449 = vector.extract %slice3A_448[0] : f32 from vector<1xf32>
      %mul3A_450 = arith.constant 2.000000e+00 : f32
      %mul3A_451 = arith.mulf %mul3A_450, %squeeze3A_449 : f32
      %broadcast_in_dim3A_452 = vector.broadcast %mul3A_451 : f32 to vector<16xf32>
      %slice3A_453 = vector.extract_strided_slice %get3A_64 {offsets = [7], sizes = [1], strides = [1]} : vector<16xf32> to vector<1xf32>
      %squeeze3A_454 = vector.extract %slice3A_453[0] : f32 from vector<1xf32>
      %broadcast_in_dim3A_455 = vector.broadcast %squeeze3A_454 : f32 to vector<16xf32>
      %add3A_456 = arith.addi %mul3A_2, %add3A_290 : i32
      %add3A_457 = arith.constant 3 : i32
      %add3A_458 = arith.addi %add3A_456, %add3A_457 : i32
      %broadcast_in_dim3A_459 = vector.broadcast %add3A_458 : i32 to vector<16xi32>
      %broadcast_in_dim3A_460 = vector.broadcast %squeeze3A_298 : i32 to vector<16xi32>
      %broadcast_in_dim3A_461 = vector.broadcast %squeeze3A_306 : i32 to vector<16xi32>
      %broadcast_in_dim3A_462 = arith.constant 3.000000e+38 : f32
      %broadcast_in_dim3A_463 = vector.broadcast %broadcast_in_dim3A_462 : f32 to vector<16xf32>
      %broadcast_in_dim3A_464 = arith.constant 0 : i32
      %broadcast_in_dim3A_465 = vector.broadcast %broadcast_in_dim3A_464 : i32 to vector<16xi32>
      %broadcast_in_dim3A_466 = arith.constant 3.000000e+38 : f32
      %broadcast_in_dim3A_467 = vector.broadcast %broadcast_in_dim3A_466 : f32 to vector<16xf32>
      %broadcast_in_dim3A_468 = arith.constant 0 : i32
      %broadcast_in_dim3A_469 = vector.broadcast %broadcast_in_dim3A_468 : i32 to vector<16xi32>
      %broadcast_in_dim3A_470 = arith.constant 3.000000e+38 : f32
      %broadcast_in_dim3A_471 = vector.broadcast %broadcast_in_dim3A_470 : f32 to vector<16xf32>
      %broadcast_in_dim3A_472 = arith.constant 0 : i32
      %broadcast_in_dim3A_473 = vector.broadcast %broadcast_in_dim3A_472 : i32 to vector<16xi32>
      %broadcast_in_dim3A_474 = arith.constant 3.000000e+38 : f32
      %broadcast_in_dim3A_475 = vector.broadcast %broadcast_in_dim3A_474 : f32 to vector<16xf32>
      %broadcast_in_dim3A_476 = arith.constant 0 : i32
      %broadcast_in_dim3A_477 = vector.broadcast %broadcast_in_dim3A_476 : i32 to vector<16xi32>
      %parallel_loop3A_478 = arith.constant 0 : i32
      %parallel_loop3A_479 = arith.constant 1 : i32
      %parallel_loop3A_480:8 = scf.for %parallel_loop3A_1006 = %parallel_loop3A_478 to %select_n3A_365 step %parallel_loop3A_479 iter_args(%parallel_loop3A_1007 = %broadcast_in_dim3A_463, %parallel_loop3A_1008 = %broadcast_in_dim3A_465, %parallel_loop3A_1009 = %broadcast_in_dim3A_467, %parallel_loop3A_1010 = %broadcast_in_dim3A_469, %parallel_loop3A_1011 = %broadcast_in_dim3A_471, %parallel_loop3A_1012 = %broadcast_in_dim3A_473, %parallel_loop3A_1013 = %broadcast_in_dim3A_475, %parallel_loop3A_1014 = %broadcast_in_dim3A_477) -> (vector<16xf32>, vector<16xi32>, vector<16xf32>, vector<16xi32>, vector<16xf32>, vector<16xi32>, vector<16xf32>, vector<16xi32>)  : i32 {
        %parallel_loop3A_1015 = arith.constant 16 : i32
        %parallel_loop3A_1016 = arith.muli %parallel_loop3A_1006, %parallel_loop3A_1015 : i32
        %parallel_loop3A_1017 = arith.addi %mul3A_338, %parallel_loop3A_1016 : i32
        %parallel_loop3A_1018 = arith.constant 0 : i32
        %parallel_loop3A_1019 = arith.index_cast %parallel_loop3A_1018 : i32 to index
        %parallel_loop3A_1020 = arith.index_cast %parallel_loop3A_1017 : i32 to index
        %parallel_loop3A_1021 = tpu.vector_load %arg8[%parallel_loop3A_1019, %parallel_loop3A_1020] {strides = array<i32>} : memref<3x10240xf32, #tpu.memory_space<vmem>>, vector<16xf32>,
        %parallel_loop3A_1022 = arith.constant 1 : i32
        %parallel_loop3A_1023 = arith.index_cast %parallel_loop3A_1022 : i32 to index
        %parallel_loop3A_1024 = arith.index_cast %parallel_loop3A_1017 : i32 to index
        %parallel_loop3A_1025 = tpu.vector_load %arg8[%parallel_loop3A_1023, %parallel_loop3A_1024] {strides = array<i32>} : memref<3x10240xf32, #tpu.memory_space<vmem>>, vector<16xf32>,
        %parallel_loop3A_1026 = arith.constant 2 : i32
        %parallel_loop3A_1027 = arith.index_cast %parallel_loop3A_1026 : i32 to index
        %parallel_loop3A_1028 = arith.index_cast %parallel_loop3A_1017 : i32 to index
        %parallel_loop3A_1029 = tpu.vector_load %arg8[%parallel_loop3A_1027, %parallel_loop3A_1028] {strides = array<i32>} : memref<3x10240xf32, #tpu.memory_space<vmem>>, vector<16xf32>,
        %parallel_loop3A_1030 = arith.index_cast %parallel_loop3A_1017 : i32 to index
        %parallel_loop3A_1031 = tpu.vector_load %arg9[%parallel_loop3A_1030] {strides = array<i32>} : memref<10240xf32, #tpu.memory_space<vmem>>, vector<16xf32>,
        %parallel_loop3A_1032 = vector.broadcast %parallel_loop3A_1017 : i32 to vector<16xi32>
        %parallel_loop3A_1033 = arith.addi %parallel_loop3A_1032, %iota3A : vector<16xi32>
        %parallel_loop3A_1034 = arith.mulf %broadcast_in_dim3A_370, %parallel_loop3A_1021 : vector<16xf32>
        %parallel_loop3A_1035 = arith.mulf %broadcast_in_dim3A_375, %parallel_loop3A_1025 : vector<16xf32>
        %parallel_loop3A_1036 = arith.addf %parallel_loop3A_1034, %parallel_loop3A_1035 : vector<16xf32>
        %parallel_loop3A_1037 = arith.mulf %broadcast_in_dim3A_380, %parallel_loop3A_1029 : vector<16xf32>
        %parallel_loop3A_1038 = arith.addf %parallel_loop3A_1036, %parallel_loop3A_1037 : vector<16xf32>
        %parallel_loop3A_1039 = arith.addf %broadcast_in_dim3A_383, %parallel_loop3A_1031 : vector<16xf32>
        %parallel_loop3A_1040 = arith.subf %parallel_loop3A_1039, %parallel_loop3A_1038 : vector<16xf32>
        %parallel_loop3A_1041 = arith.cmpi slt, %parallel_loop3A_1033, %broadcast_in_dim3A_388 : vector<16xi32>
        %parallel_loop3A_1042 = arith.cmpi sge, %parallel_loop3A_1033, %broadcast_in_dim3A_389 : vector<16xi32>
        %parallel_loop3A_1043 = arith.ori %parallel_loop3A_1041, %parallel_loop3A_1042 : vector<16xi1>
        %parallel_loop3A_1044 = arith.constant 3.000000e+38 : f32
        %parallel_loop3A_1045 = vector.broadcast %parallel_loop3A_1044 : f32 to vector<16xf32>
        %parallel_loop3A_1046 = arith.select %parallel_loop3A_1043, %parallel_loop3A_1045, %parallel_loop3A_1040 : vector<16xi1>, vector<16xf32>
        %parallel_loop3A_1047 = arith.constant dense<true> : vector<16xi1>
        %parallel_loop3A_1048, %parallel_loop3A_1049, %parallel_loop3A_1050 = tpu.sort %parallel_loop3A_1046, %parallel_loop3A_1033 masked %parallel_loop3A_1047 {descending = true} : (vector<16xf32>, vector<16xi32>, vector<16xi1>) -> (vector<16xi1>, vector<16xf32>, vector<16xi32>)
        %parallel_loop3A_1051 = arith.cmpf ole, %parallel_loop3A_1007, %parallel_loop3A_1049 : vector<16xf32>
        %parallel_loop3A_1052 = arith.select %parallel_loop3A_1051, %parallel_loop3A_1007, %parallel_loop3A_1049 : vector<16xi1>, vector<16xf32>
        %parallel_loop3A_1053 = arith.select %parallel_loop3A_1051, %parallel_loop3A_1008, %parallel_loop3A_1050 : vector<16xi1>, vector<16xi32>
        %parallel_loop3A_1054 = arith.constant dense<true> : vector<16xi1>
        %parallel_loop3A_1055, %parallel_loop3A_1056, %parallel_loop3A_1057 = tpu.sort %parallel_loop3A_1052, %parallel_loop3A_1053 masked %parallel_loop3A_1054 : (vector<16xf32>, vector<16xi32>, vector<16xi1>) -> (vector<16xi1>, vector<16xf32>, vector<16xi32>)
        %parallel_loop3A_1058 = arith.mulf %broadcast_in_dim3A_394, %parallel_loop3A_1021 : vector<16xf32>
        %parallel_loop3A_1059 = arith.mulf %broadcast_in_dim3A_399, %parallel_loop3A_1025 : vector<16xf32>
        %parallel_loop3A_1060 = arith.addf %parallel_loop3A_1058, %parallel_loop3A_1059 : vector<16xf32>
        %parallel_loop3A_1061 = arith.mulf %broadcast_in_dim3A_404, %parallel_loop3A_1029 : vector<16xf32>
        %parallel_loop3A_1062 = arith.addf %parallel_loop3A_1060, %parallel_loop3A_1061 : vector<16xf32>
        %parallel_loop3A_1063 = arith.addf %broadcast_in_dim3A_407, %parallel_loop3A_1031 : vector<16xf32>
        %parallel_loop3A_1064 = arith.subf %parallel_loop3A_1063, %parallel_loop3A_1062 : vector<16xf32>
        %parallel_loop3A_1065 = arith.cmpi slt, %parallel_loop3A_1033, %broadcast_in_dim3A_412 : vector<16xi32>
        %parallel_loop3A_1066 = arith.cmpi sge, %parallel_loop3A_1033, %broadcast_in_dim3A_413 : vector<16xi32>
        %parallel_loop3A_1067 = arith.ori %parallel_loop3A_1065, %parallel_loop3A_1066 : vector<16xi1>
        %parallel_loop3A_1068 = arith.constant 3.000000e+38 : f32
        %parallel_loop3A_1069 = vector.broadcast %parallel_loop3A_1068 : f32 to vector<16xf32>
        %parallel_loop3A_1070 = arith.select %parallel_loop3A_1067, %parallel_loop3A_1069, %parallel_loop3A_1064 : vector<16xi1>, vector<16xf32>
        %parallel_loop3A_1071 = arith.constant dense<true> : vector<16xi1>
        %parallel_loop3A_1072, %parallel_loop3A_1073, %parallel_loop3A_1074 = tpu.sort %parallel_loop3A_1070, %parallel_loop3A_1033 masked %parallel_loop3A_1071 {descending = true} : (vector<16xf32>, vector<16xi32>, vector<16xi1>) -> (vector<16xi1>, vector<16xf32>, vector<16xi32>)
        %parallel_loop3A_1075 = arith.cmpf ole, %parallel_loop3A_1009, %parallel_loop3A_1073 : vector<16xf32>
        %parallel_loop3A_1076 = arith.select %parallel_loop3A_1075, %parallel_loop3A_1009, %parallel_loop3A_1073 : vector<16xi1>, vector<16xf32>
        %parallel_loop3A_1077 = arith.select %parallel_loop3A_1075, %parallel_loop3A_1010, %parallel_loop3A_1074 : vector<16xi1>, vector<16xi32>
        %parallel_loop3A_1078 = arith.constant dense<true> : vector<16xi1>
        %parallel_loop3A_1079, %parallel_loop3A_1080, %parallel_loop3A_1081 = tpu.sort %parallel_loop3A_1076, %parallel_loop3A_1077 masked %parallel_loop3A_1078 : (vector<16xf32>, vector<16xi32>, vector<16xi1>) -> (vector<16xi1>, vector<16xf32>, vector<16xi32>)
        %parallel_loop3A_1082 = arith.mulf %broadcast_in_dim3A_418, %parallel_loop3A_1021 : vector<16xf32>
        %parallel_loop3A_1083 = arith.mulf %broadcast_in_dim3A_423, %parallel_loop3A_1025 : vector<16xf32>
        %parallel_loop3A_1084 = arith.addf %parallel_loop3A_1082, %parallel_loop3A_1083 : vector<16xf32>
        %parallel_loop3A_1085 = arith.mulf %broadcast_in_dim3A_428, %parallel_loop3A_1029 : vector<16xf32>
        %parallel_loop3A_1086 = arith.addf %parallel_loop3A_1084, %parallel_loop3A_1085 : vector<16xf32>
        %parallel_loop3A_1087 = arith.addf %broadcast_in_dim3A_431, %parallel_loop3A_1031 : vector<16xf32>
        %parallel_loop3A_1088 = arith.subf %parallel_loop3A_1087, %parallel_loop3A_1086 : vector<16xf32>
        %parallel_loop3A_1089 = arith.cmpi slt, %parallel_loop3A_1033, %broadcast_in_dim3A_436 : vector<16xi32>
        %parallel_loop3A_1090 = arith.cmpi sge, %parallel_loop3A_1033, %broadcast_in_dim3A_437 : vector<16xi32>
        %parallel_loop3A_1091 = arith.ori %parallel_loop3A_1089, %parallel_loop3A_1090 : vector<16xi1>
        %parallel_loop3A_1092 = arith.constant 3.000000e+38 : f32
        %parallel_loop3A_1093 = vector.broadcast %parallel_loop3A_1092 : f32 to vector<16xf32>
        %parallel_loop3A_1094 = arith.select %parallel_loop3A_1091, %parallel_loop3A_1093, %parallel_loop3A_1088 : vector<16xi1>, vector<16xf32>
        %parallel_loop3A_1095 = arith.constant dense<true> : vector<16xi1>
        %parallel_loop3A_1096, %parallel_loop3A_1097, %parallel_loop3A_1098 = tpu.sort %parallel_loop3A_1094, %parallel_loop3A_1033 masked %parallel_loop3A_1095 {descending = true} : (vector<16xf32>, vector<16xi32>, vector<16xi1>) -> (vector<16xi1>, vector<16xf32>, vector<16xi32>)
        %parallel_loop3A_1099 = arith.cmpf ole, %parallel_loop3A_1011, %parallel_loop3A_1097 : vector<16xf32>
        %parallel_loop3A_1100 = arith.select %parallel_loop3A_1099, %parallel_loop3A_1011, %parallel_loop3A_1097 : vector<16xi1>, vector<16xf32>
        %parallel_loop3A_1101 = arith.select %parallel_loop3A_1099, %parallel_loop3A_1012, %parallel_loop3A_1098 : vector<16xi1>, vector<16xi32>
        %parallel_loop3A_1102 = arith.constant dense<true> : vector<16xi1>
        %parallel_loop3A_1103, %parallel_loop3A_1104, %parallel_loop3A_1105 = tpu.sort %parallel_loop3A_1100, %parallel_loop3A_1101 masked %parallel_loop3A_1102 : (vector<16xf32>, vector<16xi32>, vector<16xi1>) -> (vector<16xi1>, vector<16xf32>, vector<16xi32>)
        %parallel_loop3A_1106 = arith.mulf %broadcast_in_dim3A_442, %parallel_loop3A_1021 : vector<16xf32>
        %parallel_loop3A_1107 = arith.mulf %broadcast_in_dim3A_447, %parallel_loop3A_1025 : vector<16xf32>
        %parallel_loop3A_1108 = arith.addf %parallel_loop3A_1106, %parallel_loop3A_1107 : vector<16xf32>
        %parallel_loop3A_1109 = arith.mulf %broadcast_in_dim3A_452, %parallel_loop3A_1029 : vector<16xf32>
        %parallel_loop3A_1110 = arith.addf %parallel_loop3A_1108, %parallel_loop3A_1109 : vector<16xf32>
        %parallel_loop3A_1111 = arith.addf %broadcast_in_dim3A_455, %parallel_loop3A_1031 : vector<16xf32>
        %parallel_loop3A_1112 = arith.subf %parallel_loop3A_1111, %parallel_loop3A_1110 : vector<16xf32>
        %parallel_loop3A_1113 = arith.cmpi slt, %parallel_loop3A_1033, %broadcast_in_dim3A_460 : vector<16xi32>
        %parallel_loop3A_1114 = arith.cmpi sge, %parallel_loop3A_1033, %broadcast_in_dim3A_461 : vector<16xi32>
        %parallel_loop3A_1115 = arith.ori %parallel_loop3A_1113, %parallel_loop3A_1114 : vector<16xi1>
        %parallel_loop3A_1116 = arith.constant 3.000000e+38 : f32
        %parallel_loop3A_1117 = vector.broadcast %parallel_loop3A_1116 : f32 to vector<16xf32>
        %parallel_loop3A_1118 = arith.select %parallel_loop3A_1115, %parallel_loop3A_1117, %parallel_loop3A_1112 : vector<16xi1>, vector<16xf32>
        %parallel_loop3A_1119 = arith.constant dense<true> : vector<16xi1>
        %parallel_loop3A_1120, %parallel_loop3A_1121, %parallel_loop3A_1122 = tpu.sort %parallel_loop3A_1118, %parallel_loop3A_1033 masked %parallel_loop3A_1119 {descending = true} : (vector<16xf32>, vector<16xi32>, vector<16xi1>) -> (vector<16xi1>, vector<16xf32>, vector<16xi32>)
        %parallel_loop3A_1123 = arith.cmpf ole, %parallel_loop3A_1013, %parallel_loop3A_1121 : vector<16xf32>
        %parallel_loop3A_1124 = arith.select %parallel_loop3A_1123, %parallel_loop3A_1013, %parallel_loop3A_1121 : vector<16xi1>, vector<16xf32>
        %parallel_loop3A_1125 = arith.select %parallel_loop3A_1123, %parallel_loop3A_1014, %parallel_loop3A_1122 : vector<16xi1>, vector<16xi32>
        %parallel_loop3A_1126 = arith.constant dense<true> : vector<16xi1>
        %parallel_loop3A_1127, %parallel_loop3A_1128, %parallel_loop3A_1129 = tpu.sort %parallel_loop3A_1124, %parallel_loop3A_1125 masked %parallel_loop3A_1126 : (vector<16xf32>, vector<16xi32>, vector<16xi1>) -> (vector<16xi1>, vector<16xf32>, vector<16xi32>)
        scf.yield %parallel_loop3A_1056, %parallel_loop3A_1057, %parallel_loop3A_1080, %parallel_loop3A_1081, %parallel_loop3A_1104, %parallel_loop3A_1105, %parallel_loop3A_1128, %parallel_loop3A_1129 : vector<16xf32>, vector<16xi32>, vector<16xf32>, vector<16xi32>, vector<16xf32>, vector<16xi32>, vector<16xf32>, vector<16xi32>
      } {sc.loop_unroll_factor = 1 : i64, sc.parallel_access}
      %ne3A_481 = arith.cmpi ne, %parallel_loop3A_480#1, %broadcast_in_dim3A_387 : vector<16xi32>
      %add3A_482 = arith.constant 0 : i32
      %add3A_483 = arith.addi %add3A_290, %add3A_482 : i32
      %swap3A_484 = arith.index_cast %add3A_483 : i32 to index
      %swap3A_485 = arith.constant 0 : index
      %swap3A_486 = tpu.vector_load %arg13[%swap3A_484, %swap3A_485] masked %ne3A_481 {strides = array<i32>} : memref<320x16xi32, #tpu.memory_space<vmem>>, vector<16xi32>, vector<16xi1>
      tpu.vector_store %arg13[%swap3A_484, %swap3A_485], %parallel_loop3A_480#1 masked %ne3A_481 {strides = array<i32>} : memref<320x16xi32, #tpu.memory_space<vmem>>, vector<16xi32>, vector<16xi1>
      %all_reduce_population_count3A_487 = tpu.all_reduce %ne3A_481 {dim = 0 : i64, kind = #tpu.reduction_kind<sum>} : vector<16xi1> -> vector<16xi32>
      %eq3A_488 = arith.constant 4 : i32
      %eq3A_489 = vector.broadcast %eq3A_488 : i32 to vector<16xi32>
      %eq3A_490 = arith.cmpi eq, %iota3A, %eq3A_489 : vector<16xi32>
      %select_n3A_491 = arith.select %eq3A_490, %all_reduce_population_count3A_487, %select_n3A_286 : vector<16xi1>, vector<16xi32>
      %ne3A_492 = arith.cmpi ne, %parallel_loop3A_480#3, %broadcast_in_dim3A_411 : vector<16xi32>
      %add3A_493 = arith.constant 1 : i32
      %add3A_494 = arith.addi %add3A_290, %add3A_493 : i32
      %swap3A_495 = arith.index_cast %add3A_494 : i32 to index
      %swap3A_496 = arith.constant 0 : index
      %swap3A_497 = tpu.vector_load %arg13[%swap3A_495, %swap3A_496] masked %ne3A_492 {strides = array<i32>} : memref<320x16xi32, #tpu.memory_space<vmem>>, vector<16xi32>, vector<16xi1>
      tpu.vector_store %arg13[%swap3A_495, %swap3A_496], %parallel_loop3A_480#3 masked %ne3A_492 {strides = array<i32>} : memref<320x16xi32, #tpu.memory_space<vmem>>, vector<16xi32>, vector<16xi1>
      %all_reduce_population_count3A_498 = tpu.all_reduce %ne3A_492 {dim = 0 : i64, kind = #tpu.reduction_kind<sum>} : vector<16xi1> -> vector<16xi32>
      %eq3A_499 = arith.constant 5 : i32
      %eq3A_500 = vector.broadcast %eq3A_499 : i32 to vector<16xi32>
      %eq3A_501 = arith.cmpi eq, %iota3A, %eq3A_500 : vector<16xi32>
      %select_n3A_502 = arith.select %eq3A_501, %all_reduce_population_count3A_498, %select_n3A_491 : vector<16xi1>, vector<16xi32>
      %ne3A_503 = arith.cmpi ne, %parallel_loop3A_480#5, %broadcast_in_dim3A_435 : vector<16xi32>
      %add3A_504 = arith.constant 2 : i32
      %add3A_505 = arith.addi %add3A_290, %add3A_504 : i32
      %swap3A_506 = arith.index_cast %add3A_505 : i32 to index
      %swap3A_507 = arith.constant 0 : index
      %swap3A_508 = tpu.vector_load %arg13[%swap3A_506, %swap3A_507] masked %ne3A_503 {strides = array<i32>} : memref<320x16xi32, #tpu.memory_space<vmem>>, vector<16xi32>, vector<16xi1>
      tpu.vector_store %arg13[%swap3A_506, %swap3A_507], %parallel_loop3A_480#5 masked %ne3A_503 {strides = array<i32>} : memref<320x16xi32, #tpu.memory_space<vmem>>, vector<16xi32>, vector<16xi1>
      %all_reduce_population_count3A_509 = tpu.all_reduce %ne3A_503 {dim = 0 : i64, kind = #tpu.reduction_kind<sum>} : vector<16xi1> -> vector<16xi32>
      %eq3A_510 = arith.constant 6 : i32
      %eq3A_511 = vector.broadcast %eq3A_510 : i32 to vector<16xi32>
      %eq3A_512 = arith.cmpi eq, %iota3A, %eq3A_511 : vector<16xi32>
      %select_n3A_513 = arith.select %eq3A_512, %all_reduce_population_count3A_509, %select_n3A_502 : vector<16xi1>, vector<16xi32>
      %ne3A_514 = arith.cmpi ne, %parallel_loop3A_480#7, %broadcast_in_dim3A_459 : vector<16xi32>
      %add3A_515 = arith.constant 3 : i32
      %add3A_516 = arith.addi %add3A_290, %add3A_515 : i32
      %swap3A_517 = arith.index_cast %add3A_516 : i32 to index
      %swap3A_518 = arith.constant 0 : index
      %swap3A_519 = tpu.vector_load %arg13[%swap3A_517, %swap3A_518] masked %ne3A_514 {strides = array<i32>} : memref<320x16xi32, #tpu.memory_space<vmem>>, vector<16xi32>, vector<16xi1>
      tpu.vector_store %arg13[%swap3A_517, %swap3A_518], %parallel_loop3A_480#7 masked %ne3A_514 {strides = array<i32>} : memref<320x16xi32, #tpu.memory_space<vmem>>, vector<16xi32>, vector<16xi1>
      %all_reduce_population_count3A_520 = tpu.all_reduce %ne3A_514 {dim = 0 : i64, kind = #tpu.reduction_kind<sum>} : vector<16xi1> -> vector<16xi32>
      %eq3A_521 = arith.constant 7 : i32
      %eq3A_522 = vector.broadcast %eq3A_521 : i32 to vector<16xi32>
      %eq3A_523 = arith.cmpi eq, %iota3A, %eq3A_522 : vector<16xi32>
      %select_n3A_524 = arith.select %eq3A_523, %all_reduce_population_count3A_520, %select_n3A_513 : vector<16xi1>, vector<16xi32>
      %mul3A_525 = arith.constant 16 : i32
      %mul3A_526 = arith.muli %scan3A_39, %mul3A_525 : i32
      %add3A_527 = arith.constant 8 : i32
      %add3A_528 = arith.addi %mul3A_526, %add3A_527 : i32
      %slice3A_529 = vector.extract_strided_slice %get3A_44 {offsets = [8], sizes = [1], strides = [1]} : vector<16xi32> to vector<1xi32>
      %squeeze3A_530 = vector.extract %slice3A_529[0] : i32 from vector<1xi32>
      %slice3A_531 = vector.extract_strided_slice %get3A_44 {offsets = [9], sizes = [1], strides = [1]} : vector<16xi32> to vector<1xi32>
      %squeeze3A_532 = vector.extract %slice3A_531[0] : i32 from vector<1xi32>
      %slice3A_533 = vector.extract_strided_slice %get3A_44 {offsets = [10], sizes = [1], strides = [1]} : vector<16xi32> to vector<1xi32>
      %squeeze3A_534 = vector.extract %slice3A_533[0] : i32 from vector<1xi32>
      %slice3A_535 = vector.extract_strided_slice %get3A_44 {offsets = [11], sizes = [1], strides = [1]} : vector<16xi32> to vector<1xi32>
      %squeeze3A_536 = vector.extract %slice3A_535[0] : i32 from vector<1xi32>
      %slice3A_537 = vector.extract_strided_slice %get3A_46 {offsets = [8], sizes = [1], strides = [1]} : vector<16xi32> to vector<1xi32>
      %squeeze3A_538 = vector.extract %slice3A_537[0] : i32 from vector<1xi32>
      %slice3A_539 = vector.extract_strided_slice %get3A_46 {offsets = [9], sizes = [1], strides = [1]} : vector<16xi32> to vector<1xi32>
      %squeeze3A_540 = vector.extract %slice3A_539[0] : i32 from vector<1xi32>
      %slice3A_541 = vector.extract_strided_slice %get3A_46 {offsets = [10], sizes = [1], strides = [1]} : vector<16xi32> to vector<1xi32>
      %squeeze3A_542 = vector.extract %slice3A_541[0] : i32 from vector<1xi32>
      %slice3A_543 = vector.extract_strided_slice %get3A_46 {offsets = [11], sizes = [1], strides = [1]} : vector<16xi32> to vector<1xi32>
      %squeeze3A_544 = vector.extract %slice3A_543[0] : i32 from vector<1xi32>
      %min3A_545 = arith.minsi %squeeze3A_530, %squeeze3A_532 : i32
      %max3A_546 = arith.maxsi %squeeze3A_538, %squeeze3A_540 : i32
      %min3A_547 = arith.minsi %min3A_545, %squeeze3A_534 : i32
      %max3A_548 = arith.maxsi %max3A_546, %squeeze3A_542 : i32
      %min3A_549 = arith.minsi %min3A_547, %squeeze3A_536 : i32
      %max3A_550 = arith.maxsi %max3A_548, %squeeze3A_544 : i32
      %jit3A_551 = arith.constant 16 : i32
      %div3A_552 = arith.divsi %min3A_549, %jit3A_551 : i32
      %sign3A_553 = arith.constant 0 : i32
      %sign3A_554 = arith.cmpi sgt, %min3A_549, %sign3A_553 : i32
      %sign3A_555 = arith.extui %sign3A_554 : i1 to i32
      %sign3A_556 = arith.constant 0 : i32
      %sign3A_557 = arith.cmpi slt, %min3A_549, %sign3A_556 : i32
      %sign3A_558 = arith.extui %sign3A_557 : i1 to i32
      %sign3A_559 = arith.subi %sign3A_555, %sign3A_558 : i32
      %sign3A_560 = arith.constant 0 : i32
      %sign3A_561 = arith.cmpi sgt, %jit3A_551, %sign3A_560 : i32
      %sign3A_562 = arith.extui %sign3A_561 : i1 to i32
      %sign3A_563 = arith.constant 0 : i32
      %sign3A_564 = arith.cmpi slt, %jit3A_551, %sign3A_563 : i32
      %sign3A_565 = arith.extui %sign3A_564 : i1 to i32
      %sign3A_566 = arith.subi %sign3A_562, %sign3A_565 : i32
      %ne3A_567 = arith.cmpi ne, %sign3A_559, %sign3A_566 : i32
      %rem3A_568 = arith.remsi %min3A_549, %jit3A_551 : i32
      %ne3A_569 = arith.constant 0 : i32
      %ne3A_570 = arith.cmpi ne, %rem3A_568, %ne3A_569 : i32
      %and3A_571 = arith.andi %ne3A_567, %ne3A_570 : i1
      %sub3A_572 = arith.constant 1 : i32
      %sub3A_573 = arith.subi %div3A_552, %sub3A_572 : i32
      %select_n3A_574 = arith.select %and3A_571, %sub3A_573, %div3A_552 : i32
      %mul3A_575 = arith.constant 16 : i32
      %mul3A_576 = arith.muli %select_n3A_574, %mul3A_575 : i32
      %sub3A_577 = arith.subi %max3A_550, %mul3A_576 : i32
      %add3A_578 = arith.constant 15 : i32
      %add3A_579 = arith.addi %sub3A_577, %add3A_578 : i32
      %jit3A_580 = arith.constant 16 : i32
      %div3A_581 = arith.divsi %add3A_579, %jit3A_580 : i32
      %sign3A_582 = arith.constant 0 : i32
      %sign3A_583 = arith.cmpi sgt, %add3A_579, %sign3A_582 : i32
      %sign3A_584 = arith.extui %sign3A_583 : i1 to i32
      %sign3A_585 = arith.constant 0 : i32
      %sign3A_586 = arith.cmpi slt, %add3A_579, %sign3A_585 : i32
      %sign3A_587 = arith.extui %sign3A_586 : i1 to i32
      %sign3A_588 = arith.subi %sign3A_584, %sign3A_587 : i32
      %sign3A_589 = arith.constant 0 : i32
      %sign3A_590 = arith.cmpi sgt, %jit3A_580, %sign3A_589 : i32
      %sign3A_591 = arith.extui %sign3A_590 : i1 to i32
      %sign3A_592 = arith.constant 0 : i32
      %sign3A_593 = arith.cmpi slt, %jit3A_580, %sign3A_592 : i32
      %sign3A_594 = arith.extui %sign3A_593 : i1 to i32
      %sign3A_595 = arith.subi %sign3A_591, %sign3A_594 : i32
      %ne3A_596 = arith.cmpi ne, %sign3A_588, %sign3A_595 : i32
      %rem3A_597 = arith.remsi %add3A_579, %jit3A_580 : i32
      %ne3A_598 = arith.constant 0 : i32
      %ne3A_599 = arith.cmpi ne, %rem3A_597, %ne3A_598 : i32
      %and3A_600 = arith.andi %ne3A_596, %ne3A_599 : i1
      %sub3A_601 = arith.constant 1 : i32
      %sub3A_602 = arith.subi %div3A_581, %sub3A_601 : i32
      %select_n3A_603 = arith.select %and3A_600, %sub3A_602, %div3A_581 : i32
      %slice3A_604 = vector.extract_strided_slice %get3A_51 {offsets = [8], sizes = [1], strides = [1]} : vector<16xf32> to vector<1xf32>
      %squeeze3A_605 = vector.extract %slice3A_604[0] : f32 from vector<1xf32>
      %mul3A_606 = arith.constant 2.000000e+00 : f32
      %mul3A_607 = arith.mulf %mul3A_606, %squeeze3A_605 : f32
      %broadcast_in_dim3A_608 = vector.broadcast %mul3A_607 : f32 to vector<16xf32>
      %slice3A_609 = vector.extract_strided_slice %get3A_56 {offsets = [8], sizes = [1], strides = [1]} : vector<16xf32> to vector<1xf32>
      %squeeze3A_610 = vector.extract %slice3A_609[0] : f32 from vector<1xf32>
      %mul3A_611 = arith.constant 2.000000e+00 : f32
      %mul3A_612 = arith.mulf %mul3A_611, %squeeze3A_610 : f32
      %broadcast_in_dim3A_613 = vector.broadcast %mul3A_612 : f32 to vector<16xf32>
      %slice3A_614 = vector.extract_strided_slice %get3A_61 {offsets = [8], sizes = [1], strides = [1]} : vector<16xf32> to vector<1xf32>
      %squeeze3A_615 = vector.extract %slice3A_614[0] : f32 from vector<1xf32>
      %mul3A_616 = arith.constant 2.000000e+00 : f32
      %mul3A_617 = arith.mulf %mul3A_616, %squeeze3A_615 : f32
      %broadcast_in_dim3A_618 = vector.broadcast %mul3A_617 : f32 to vector<16xf32>
      %slice3A_619 = vector.extract_strided_slice %get3A_64 {offsets = [8], sizes = [1], strides = [1]} : vector<16xf32> to vector<1xf32>
      %squeeze3A_620 = vector.extract %slice3A_619[0] : f32 from vector<1xf32>
      %broadcast_in_dim3A_621 = vector.broadcast %squeeze3A_620 : f32 to vector<16xf32>
      %add3A_622 = arith.addi %mul3A_2, %add3A_528 : i32
      %add3A_623 = arith.constant 0 : i32
      %add3A_624 = arith.addi %add3A_622, %add3A_623 : i32
      %broadcast_in_dim3A_625 = vector.broadcast %add3A_624 : i32 to vector<16xi32>
      %broadcast_in_dim3A_626 = vector.broadcast %squeeze3A_530 : i32 to vector<16xi32>
      %broadcast_in_dim3A_627 = vector.broadcast %squeeze3A_538 : i32 to vector<16xi32>
      %slice3A_628 = vector.extract_strided_slice %get3A_51 {offsets = [9], sizes = [1], strides = [1]} : vector<16xf32> to vector<1xf32>
      %squeeze3A_629 = vector.extract %slice3A_628[0] : f32 from vector<1xf32>
      %mul3A_630 = arith.constant 2.000000e+00 : f32
      %mul3A_631 = arith.mulf %mul3A_630, %squeeze3A_629 : f32
      %broadcast_in_dim3A_632 = vector.broadcast %mul3A_631 : f32 to vector<16xf32>
      %slice3A_633 = vector.extract_strided_slice %get3A_56 {offsets = [9], sizes = [1], strides = [1]} : vector<16xf32> to vector<1xf32>
      %squeeze3A_634 = vector.extract %slice3A_633[0] : f32 from vector<1xf32>
      %mul3A_635 = arith.constant 2.000000e+00 : f32
      %mul3A_636 = arith.mulf %mul3A_635, %squeeze3A_634 : f32
      %broadcast_in_dim3A_637 = vector.broadcast %mul3A_636 : f32 to vector<16xf32>
      %slice3A_638 = vector.extract_strided_slice %get3A_61 {offsets = [9], sizes = [1], strides = [1]} : vector<16xf32> to vector<1xf32>
      %squeeze3A_639 = vector.extract %slice3A_638[0] : f32 from vector<1xf32>
      %mul3A_640 = arith.constant 2.000000e+00 : f32
      %mul3A_641 = arith.mulf %mul3A_640, %squeeze3A_639 : f32
      %broadcast_in_dim3A_642 = vector.broadcast %mul3A_641 : f32 to vector<16xf32>
      %slice3A_643 = vector.extract_strided_slice %get3A_64 {offsets = [9], sizes = [1], strides = [1]} : vector<16xf32> to vector<1xf32>
      %squeeze3A_644 = vector.extract %slice3A_643[0] : f32 from vector<1xf32>
      %broadcast_in_dim3A_645 = vector.broadcast %squeeze3A_644 : f32 to vector<16xf32>
      %add3A_646 = arith.addi %mul3A_2, %add3A_528 : i32
      %add3A_647 = arith.constant 1 : i32
      %add3A_648 = arith.addi %add3A_646, %add3A_647 : i32
      %broadcast_in_dim3A_649 = vector.broadcast %add3A_648 : i32 to vector<16xi32>
      %broadcast_in_dim3A_650 = vector.broadcast %squeeze3A_532 : i32 to vector<16xi32>
      %broadcast_in_dim3A_651 = vector.broadcast %squeeze3A_540 : i32 to vector<16xi32>
      %slice3A_652 = vector.extract_strided_slice %get3A_51 {offsets = [10], sizes = [1], strides = [1]} : vector<16xf32> to vector<1xf32>
      %squeeze3A_653 = vector.extract %slice3A_652[0] : f32 from vector<1xf32>
      %mul3A_654 = arith.constant 2.000000e+00 : f32
      %mul3A_655 = arith.mulf %mul3A_654, %squeeze3A_653 : f32
      %broadcast_in_dim3A_656 = vector.broadcast %mul3A_655 : f32 to vector<16xf32>
      %slice3A_657 = vector.extract_strided_slice %get3A_56 {offsets = [10], sizes = [1], strides = [1]} : vector<16xf32> to vector<1xf32>
      %squeeze3A_658 = vector.extract %slice3A_657[0] : f32 from vector<1xf32>
      %mul3A_659 = arith.constant 2.000000e+00 : f32
      %mul3A_660 = arith.mulf %mul3A_659, %squeeze3A_658 : f32
      %broadcast_in_dim3A_661 = vector.broadcast %mul3A_660 : f32 to vector<16xf32>
      %slice3A_662 = vector.extract_strided_slice %get3A_61 {offsets = [10], sizes = [1], strides = [1]} : vector<16xf32> to vector<1xf32>
      %squeeze3A_663 = vector.extract %slice3A_662[0] : f32 from vector<1xf32>
      %mul3A_664 = arith.constant 2.000000e+00 : f32
      %mul3A_665 = arith.mulf %mul3A_664, %squeeze3A_663 : f32
      %broadcast_in_dim3A_666 = vector.broadcast %mul3A_665 : f32 to vector<16xf32>
      %slice3A_667 = vector.extract_strided_slice %get3A_64 {offsets = [10], sizes = [1], strides = [1]} : vector<16xf32> to vector<1xf32>
      %squeeze3A_668 = vector.extract %slice3A_667[0] : f32 from vector<1xf32>
      %broadcast_in_dim3A_669 = vector.broadcast %squeeze3A_668 : f32 to vector<16xf32>
      %add3A_670 = arith.addi %mul3A_2, %add3A_528 : i32
      %add3A_671 = arith.constant 2 : i32
      %add3A_672 = arith.addi %add3A_670, %add3A_671 : i32
      %broadcast_in_dim3A_673 = vector.broadcast %add3A_672 : i32 to vector<16xi32>
      %broadcast_in_dim3A_674 = vector.broadcast %squeeze3A_534 : i32 to vector<16xi32>
      %broadcast_in_dim3A_675 = vector.broadcast %squeeze3A_542 : i32 to vector<16xi32>
      %slice3A_676 = vector.extract_strided_slice %get3A_51 {offsets = [11], sizes = [1], strides = [1]} : vector<16xf32> to vector<1xf32>
      %squeeze3A_677 = vector.extract %slice3A_676[0] : f32 from vector<1xf32>
      %mul3A_678 = arith.constant 2.000000e+00 : f32
      %mul3A_679 = arith.mulf %mul3A_678, %squeeze3A_677 : f32
      %broadcast_in_dim3A_680 = vector.broadcast %mul3A_679 : f32 to vector<16xf32>
      %slice3A_681 = vector.extract_strided_slice %get3A_56 {offsets = [11], sizes = [1], strides = [1]} : vector<16xf32> to vector<1xf32>
      %squeeze3A_682 = vector.extract %slice3A_681[0] : f32 from vector<1xf32>
      %mul3A_683 = arith.constant 2.000000e+00 : f32
      %mul3A_684 = arith.mulf %mul3A_683, %squeeze3A_682 : f32
      %broadcast_in_dim3A_685 = vector.broadcast %mul3A_684 : f32 to vector<16xf32>
      %slice3A_686 = vector.extract_strided_slice %get3A_61 {offsets = [11], sizes = [1], strides = [1]} : vector<16xf32> to vector<1xf32>
      %squeeze3A_687 = vector.extract %slice3A_686[0] : f32 from vector<1xf32>
      %mul3A_688 = arith.constant 2.000000e+00 : f32
      %mul3A_689 = arith.mulf %mul3A_688, %squeeze3A_687 : f32
      %broadcast_in_dim3A_690 = vector.broadcast %mul3A_689 : f32 to vector<16xf32>
      %slice3A_691 = vector.extract_strided_slice %get3A_64 {offsets = [11], sizes = [1], strides = [1]} : vector<16xf32> to vector<1xf32>
      %squeeze3A_692 = vector.extract %slice3A_691[0] : f32 from vector<1xf32>
      %broadcast_in_dim3A_693 = vector.broadcast %squeeze3A_692 : f32 to vector<16xf32>
      %add3A_694 = arith.addi %mul3A_2, %add3A_528 : i32
      %add3A_695 = arith.constant 3 : i32
      %add3A_696 = arith.addi %add3A_694, %add3A_695 : i32
      %broadcast_in_dim3A_697 = vector.broadcast %add3A_696 : i32 to vector<16xi32>
      %broadcast_in_dim3A_698 = vector.broadcast %squeeze3A_536 : i32 to vector<16xi32>
      %broadcast_in_dim3A_699 = vector.broadcast %squeeze3A_544 : i32 to vector<16xi32>
      %broadcast_in_dim3A_700 = arith.constant 3.000000e+38 : f32
      %broadcast_in_dim3A_701 = vector.broadcast %broadcast_in_dim3A_700 : f32 to vector<16xf32>
      %broadcast_in_dim3A_702 = arith.constant 0 : i32
      %broadcast_in_dim3A_703 = vector.broadcast %broadcast_in_dim3A_702 : i32 to vector<16xi32>
      %broadcast_in_dim3A_704 = arith.constant 3.000000e+38 : f32
      %broadcast_in_dim3A_705 = vector.broadcast %broadcast_in_dim3A_704 : f32 to vector<16xf32>
      %broadcast_in_dim3A_706 = arith.constant 0 : i32
      %broadcast_in_dim3A_707 = vector.broadcast %broadcast_in_dim3A_706 : i32 to vector<16xi32>
      %broadcast_in_dim3A_708 = arith.constant 3.000000e+38 : f32
      %broadcast_in_dim3A_709 = vector.broadcast %broadcast_in_dim3A_708 : f32 to vector<16xf32>
      %broadcast_in_dim3A_710 = arith.constant 0 : i32
      %broadcast_in_dim3A_711 = vector.broadcast %broadcast_in_dim3A_710 : i32 to vector<16xi32>
      %broadcast_in_dim3A_712 = arith.constant 3.000000e+38 : f32
      %broadcast_in_dim3A_713 = vector.broadcast %broadcast_in_dim3A_712 : f32 to vector<16xf32>
      %broadcast_in_dim3A_714 = arith.constant 0 : i32
      %broadcast_in_dim3A_715 = vector.broadcast %broadcast_in_dim3A_714 : i32 to vector<16xi32>
      %parallel_loop3A_716 = arith.constant 0 : i32
      %parallel_loop3A_717 = arith.constant 1 : i32
      %parallel_loop3A_718:8 = scf.for %parallel_loop3A_1006 = %parallel_loop3A_716 to %select_n3A_603 step %parallel_loop3A_717 iter_args(%parallel_loop3A_1007 = %broadcast_in_dim3A_701, %parallel_loop3A_1008 = %broadcast_in_dim3A_703, %parallel_loop3A_1009 = %broadcast_in_dim3A_705, %parallel_loop3A_1010 = %broadcast_in_dim3A_707, %parallel_loop3A_1011 = %broadcast_in_dim3A_709, %parallel_loop3A_1012 = %broadcast_in_dim3A_711, %parallel_loop3A_1013 = %broadcast_in_dim3A_713, %parallel_loop3A_1014 = %broadcast_in_dim3A_715) -> (vector<16xf32>, vector<16xi32>, vector<16xf32>, vector<16xi32>, vector<16xf32>, vector<16xi32>, vector<16xf32>, vector<16xi32>)  : i32 {
        %parallel_loop3A_1015 = arith.constant 16 : i32
        %parallel_loop3A_1016 = arith.muli %parallel_loop3A_1006, %parallel_loop3A_1015 : i32
        %parallel_loop3A_1017 = arith.addi %mul3A_576, %parallel_loop3A_1016 : i32
        %parallel_loop3A_1018 = arith.constant 0 : i32
        %parallel_loop3A_1019 = arith.index_cast %parallel_loop3A_1018 : i32 to index
        %parallel_loop3A_1020 = arith.index_cast %parallel_loop3A_1017 : i32 to index
        %parallel_loop3A_1021 = tpu.vector_load %arg8[%parallel_loop3A_1019, %parallel_loop3A_1020] {strides = array<i32>} : memref<3x10240xf32, #tpu.memory_space<vmem>>, vector<16xf32>,
        %parallel_loop3A_1022 = arith.constant 1 : i32
        %parallel_loop3A_1023 = arith.index_cast %parallel_loop3A_1022 : i32 to index
        %parallel_loop3A_1024 = arith.index_cast %parallel_loop3A_1017 : i32 to index
        %parallel_loop3A_1025 = tpu.vector_load %arg8[%parallel_loop3A_1023, %parallel_loop3A_1024] {strides = array<i32>} : memref<3x10240xf32, #tpu.memory_space<vmem>>, vector<16xf32>,
        %parallel_loop3A_1026 = arith.constant 2 : i32
        %parallel_loop3A_1027 = arith.index_cast %parallel_loop3A_1026 : i32 to index
        %parallel_loop3A_1028 = arith.index_cast %parallel_loop3A_1017 : i32 to index
        %parallel_loop3A_1029 = tpu.vector_load %arg8[%parallel_loop3A_1027, %parallel_loop3A_1028] {strides = array<i32>} : memref<3x10240xf32, #tpu.memory_space<vmem>>, vector<16xf32>,
        %parallel_loop3A_1030 = arith.index_cast %parallel_loop3A_1017 : i32 to index
        %parallel_loop3A_1031 = tpu.vector_load %arg9[%parallel_loop3A_1030] {strides = array<i32>} : memref<10240xf32, #tpu.memory_space<vmem>>, vector<16xf32>,
        %parallel_loop3A_1032 = vector.broadcast %parallel_loop3A_1017 : i32 to vector<16xi32>
        %parallel_loop3A_1033 = arith.addi %parallel_loop3A_1032, %iota3A : vector<16xi32>
        %parallel_loop3A_1034 = arith.mulf %broadcast_in_dim3A_608, %parallel_loop3A_1021 : vector<16xf32>
        %parallel_loop3A_1035 = arith.mulf %broadcast_in_dim3A_613, %parallel_loop3A_1025 : vector<16xf32>
        %parallel_loop3A_1036 = arith.addf %parallel_loop3A_1034, %parallel_loop3A_1035 : vector<16xf32>
        %parallel_loop3A_1037 = arith.mulf %broadcast_in_dim3A_618, %parallel_loop3A_1029 : vector<16xf32>
        %parallel_loop3A_1038 = arith.addf %parallel_loop3A_1036, %parallel_loop3A_1037 : vector<16xf32>
        %parallel_loop3A_1039 = arith.addf %broadcast_in_dim3A_621, %parallel_loop3A_1031 : vector<16xf32>
        %parallel_loop3A_1040 = arith.subf %parallel_loop3A_1039, %parallel_loop3A_1038 : vector<16xf32>
        %parallel_loop3A_1041 = arith.cmpi slt, %parallel_loop3A_1033, %broadcast_in_dim3A_626 : vector<16xi32>
        %parallel_loop3A_1042 = arith.cmpi sge, %parallel_loop3A_1033, %broadcast_in_dim3A_627 : vector<16xi32>
        %parallel_loop3A_1043 = arith.ori %parallel_loop3A_1041, %parallel_loop3A_1042 : vector<16xi1>
        %parallel_loop3A_1044 = arith.constant 3.000000e+38 : f32
        %parallel_loop3A_1045 = vector.broadcast %parallel_loop3A_1044 : f32 to vector<16xf32>
        %parallel_loop3A_1046 = arith.select %parallel_loop3A_1043, %parallel_loop3A_1045, %parallel_loop3A_1040 : vector<16xi1>, vector<16xf32>
        %parallel_loop3A_1047 = arith.constant dense<true> : vector<16xi1>
        %parallel_loop3A_1048, %parallel_loop3A_1049, %parallel_loop3A_1050 = tpu.sort %parallel_loop3A_1046, %parallel_loop3A_1033 masked %parallel_loop3A_1047 {descending = true} : (vector<16xf32>, vector<16xi32>, vector<16xi1>) -> (vector<16xi1>, vector<16xf32>, vector<16xi32>)
        %parallel_loop3A_1051 = arith.cmpf ole, %parallel_loop3A_1007, %parallel_loop3A_1049 : vector<16xf32>
        %parallel_loop3A_1052 = arith.select %parallel_loop3A_1051, %parallel_loop3A_1007, %parallel_loop3A_1049 : vector<16xi1>, vector<16xf32>
        %parallel_loop3A_1053 = arith.select %parallel_loop3A_1051, %parallel_loop3A_1008, %parallel_loop3A_1050 : vector<16xi1>, vector<16xi32>
        %parallel_loop3A_1054 = arith.constant dense<true> : vector<16xi1>
        %parallel_loop3A_1055, %parallel_loop3A_1056, %parallel_loop3A_1057 = tpu.sort %parallel_loop3A_1052, %parallel_loop3A_1053 masked %parallel_loop3A_1054 : (vector<16xf32>, vector<16xi32>, vector<16xi1>) -> (vector<16xi1>, vector<16xf32>, vector<16xi32>)
        %parallel_loop3A_1058 = arith.mulf %broadcast_in_dim3A_632, %parallel_loop3A_1021 : vector<16xf32>
        %parallel_loop3A_1059 = arith.mulf %broadcast_in_dim3A_637, %parallel_loop3A_1025 : vector<16xf32>
        %parallel_loop3A_1060 = arith.addf %parallel_loop3A_1058, %parallel_loop3A_1059 : vector<16xf32>
        %parallel_loop3A_1061 = arith.mulf %broadcast_in_dim3A_642, %parallel_loop3A_1029 : vector<16xf32>
        %parallel_loop3A_1062 = arith.addf %parallel_loop3A_1060, %parallel_loop3A_1061 : vector<16xf32>
        %parallel_loop3A_1063 = arith.addf %broadcast_in_dim3A_645, %parallel_loop3A_1031 : vector<16xf32>
        %parallel_loop3A_1064 = arith.subf %parallel_loop3A_1063, %parallel_loop3A_1062 : vector<16xf32>
        %parallel_loop3A_1065 = arith.cmpi slt, %parallel_loop3A_1033, %broadcast_in_dim3A_650 : vector<16xi32>
        %parallel_loop3A_1066 = arith.cmpi sge, %parallel_loop3A_1033, %broadcast_in_dim3A_651 : vector<16xi32>
        %parallel_loop3A_1067 = arith.ori %parallel_loop3A_1065, %parallel_loop3A_1066 : vector<16xi1>
        %parallel_loop3A_1068 = arith.constant 3.000000e+38 : f32
        %parallel_loop3A_1069 = vector.broadcast %parallel_loop3A_1068 : f32 to vector<16xf32>
        %parallel_loop3A_1070 = arith.select %parallel_loop3A_1067, %parallel_loop3A_1069, %parallel_loop3A_1064 : vector<16xi1>, vector<16xf32>
        %parallel_loop3A_1071 = arith.constant dense<true> : vector<16xi1>
        %parallel_loop3A_1072, %parallel_loop3A_1073, %parallel_loop3A_1074 = tpu.sort %parallel_loop3A_1070, %parallel_loop3A_1033 masked %parallel_loop3A_1071 {descending = true} : (vector<16xf32>, vector<16xi32>, vector<16xi1>) -> (vector<16xi1>, vector<16xf32>, vector<16xi32>)
        %parallel_loop3A_1075 = arith.cmpf ole, %parallel_loop3A_1009, %parallel_loop3A_1073 : vector<16xf32>
        %parallel_loop3A_1076 = arith.select %parallel_loop3A_1075, %parallel_loop3A_1009, %parallel_loop3A_1073 : vector<16xi1>, vector<16xf32>
        %parallel_loop3A_1077 = arith.select %parallel_loop3A_1075, %parallel_loop3A_1010, %parallel_loop3A_1074 : vector<16xi1>, vector<16xi32>
        %parallel_loop3A_1078 = arith.constant dense<true> : vector<16xi1>
        %parallel_loop3A_1079, %parallel_loop3A_1080, %parallel_loop3A_1081 = tpu.sort %parallel_loop3A_1076, %parallel_loop3A_1077 masked %parallel_loop3A_1078 : (vector<16xf32>, vector<16xi32>, vector<16xi1>) -> (vector<16xi1>, vector<16xf32>, vector<16xi32>)
        %parallel_loop3A_1082 = arith.mulf %broadcast_in_dim3A_656, %parallel_loop3A_1021 : vector<16xf32>
        %parallel_loop3A_1083 = arith.mulf %broadcast_in_dim3A_661, %parallel_loop3A_1025 : vector<16xf32>
        %parallel_loop3A_1084 = arith.addf %parallel_loop3A_1082, %parallel_loop3A_1083 : vector<16xf32>
        %parallel_loop3A_1085 = arith.mulf %broadcast_in_dim3A_666, %parallel_loop3A_1029 : vector<16xf32>
        %parallel_loop3A_1086 = arith.addf %parallel_loop3A_1084, %parallel_loop3A_1085 : vector<16xf32>
        %parallel_loop3A_1087 = arith.addf %broadcast_in_dim3A_669, %parallel_loop3A_1031 : vector<16xf32>
        %parallel_loop3A_1088 = arith.subf %parallel_loop3A_1087, %parallel_loop3A_1086 : vector<16xf32>
        %parallel_loop3A_1089 = arith.cmpi slt, %parallel_loop3A_1033, %broadcast_in_dim3A_674 : vector<16xi32>
        %parallel_loop3A_1090 = arith.cmpi sge, %parallel_loop3A_1033, %broadcast_in_dim3A_675 : vector<16xi32>
        %parallel_loop3A_1091 = arith.ori %parallel_loop3A_1089, %parallel_loop3A_1090 : vector<16xi1>
        %parallel_loop3A_1092 = arith.constant 3.000000e+38 : f32
        %parallel_loop3A_1093 = vector.broadcast %parallel_loop3A_1092 : f32 to vector<16xf32>
        %parallel_loop3A_1094 = arith.select %parallel_loop3A_1091, %parallel_loop3A_1093, %parallel_loop3A_1088 : vector<16xi1>, vector<16xf32>
        %parallel_loop3A_1095 = arith.constant dense<true> : vector<16xi1>
        %parallel_loop3A_1096, %parallel_loop3A_1097, %parallel_loop3A_1098 = tpu.sort %parallel_loop3A_1094, %parallel_loop3A_1033 masked %parallel_loop3A_1095 {descending = true} : (vector<16xf32>, vector<16xi32>, vector<16xi1>) -> (vector<16xi1>, vector<16xf32>, vector<16xi32>)
        %parallel_loop3A_1099 = arith.cmpf ole, %parallel_loop3A_1011, %parallel_loop3A_1097 : vector<16xf32>
        %parallel_loop3A_1100 = arith.select %parallel_loop3A_1099, %parallel_loop3A_1011, %parallel_loop3A_1097 : vector<16xi1>, vector<16xf32>
        %parallel_loop3A_1101 = arith.select %parallel_loop3A_1099, %parallel_loop3A_1012, %parallel_loop3A_1098 : vector<16xi1>, vector<16xi32>
        %parallel_loop3A_1102 = arith.constant dense<true> : vector<16xi1>
        %parallel_loop3A_1103, %parallel_loop3A_1104, %parallel_loop3A_1105 = tpu.sort %parallel_loop3A_1100, %parallel_loop3A_1101 masked %parallel_loop3A_1102 : (vector<16xf32>, vector<16xi32>, vector<16xi1>) -> (vector<16xi1>, vector<16xf32>, vector<16xi32>)
        %parallel_loop3A_1106 = arith.mulf %broadcast_in_dim3A_680, %parallel_loop3A_1021 : vector<16xf32>
        %parallel_loop3A_1107 = arith.mulf %broadcast_in_dim3A_685, %parallel_loop3A_1025 : vector<16xf32>
        %parallel_loop3A_1108 = arith.addf %parallel_loop3A_1106, %parallel_loop3A_1107 : vector<16xf32>
        %parallel_loop3A_1109 = arith.mulf %broadcast_in_dim3A_690, %parallel_loop3A_1029 : vector<16xf32>
        %parallel_loop3A_1110 = arith.addf %parallel_loop3A_1108, %parallel_loop3A_1109 : vector<16xf32>
        %parallel_loop3A_1111 = arith.addf %broadcast_in_dim3A_693, %parallel_loop3A_1031 : vector<16xf32>
        %parallel_loop3A_1112 = arith.subf %parallel_loop3A_1111, %parallel_loop3A_1110 : vector<16xf32>
        %parallel_loop3A_1113 = arith.cmpi slt, %parallel_loop3A_1033, %broadcast_in_dim3A_698 : vector<16xi32>
        %parallel_loop3A_1114 = arith.cmpi sge, %parallel_loop3A_1033, %broadcast_in_dim3A_699 : vector<16xi32>
        %parallel_loop3A_1115 = arith.ori %parallel_loop3A_1113, %parallel_loop3A_1114 : vector<16xi1>
        %parallel_loop3A_1116 = arith.constant 3.000000e+38 : f32
        %parallel_loop3A_1117 = vector.broadcast %parallel_loop3A_1116 : f32 to vector<16xf32>
        %parallel_loop3A_1118 = arith.select %parallel_loop3A_1115, %parallel_loop3A_1117, %parallel_loop3A_1112 : vector<16xi1>, vector<16xf32>
        %parallel_loop3A_1119 = arith.constant dense<true> : vector<16xi1>
        %parallel_loop3A_1120, %parallel_loop3A_1121, %parallel_loop3A_1122 = tpu.sort %parallel_loop3A_1118, %parallel_loop3A_1033 masked %parallel_loop3A_1119 {descending = true} : (vector<16xf32>, vector<16xi32>, vector<16xi1>) -> (vector<16xi1>, vector<16xf32>, vector<16xi32>)
        %parallel_loop3A_1123 = arith.cmpf ole, %parallel_loop3A_1013, %parallel_loop3A_1121 : vector<16xf32>
        %parallel_loop3A_1124 = arith.select %parallel_loop3A_1123, %parallel_loop3A_1013, %parallel_loop3A_1121 : vector<16xi1>, vector<16xf32>
        %parallel_loop3A_1125 = arith.select %parallel_loop3A_1123, %parallel_loop3A_1014, %parallel_loop3A_1122 : vector<16xi1>, vector<16xi32>
        %parallel_loop3A_1126 = arith.constant dense<true> : vector<16xi1>
        %parallel_loop3A_1127, %parallel_loop3A_1128, %parallel_loop3A_1129 = tpu.sort %parallel_loop3A_1124, %parallel_loop3A_1125 masked %parallel_loop3A_1126 : (vector<16xf32>, vector<16xi32>, vector<16xi1>) -> (vector<16xi1>, vector<16xf32>, vector<16xi32>)
        scf.yield %parallel_loop3A_1056, %parallel_loop3A_1057, %parallel_loop3A_1080, %parallel_loop3A_1081, %parallel_loop3A_1104, %parallel_loop3A_1105, %parallel_loop3A_1128, %parallel_loop3A_1129 : vector<16xf32>, vector<16xi32>, vector<16xf32>, vector<16xi32>, vector<16xf32>, vector<16xi32>, vector<16xf32>, vector<16xi32>
      } {sc.loop_unroll_factor = 1 : i64, sc.parallel_access}
      %ne3A_719 = arith.cmpi ne, %parallel_loop3A_718#1, %broadcast_in_dim3A_625 : vector<16xi32>
      %add3A_720 = arith.constant 0 : i32
      %add3A_721 = arith.addi %add3A_528, %add3A_720 : i32
      %swap3A_722 = arith.index_cast %add3A_721 : i32 to index
      %swap3A_723 = arith.constant 0 : index
      %swap3A_724 = tpu.vector_load %arg13[%swap3A_722, %swap3A_723] masked %ne3A_719 {strides = array<i32>} : memref<320x16xi32, #tpu.memory_space<vmem>>, vector<16xi32>, vector<16xi1>
      tpu.vector_store %arg13[%swap3A_722, %swap3A_723], %parallel_loop3A_718#1 masked %ne3A_719 {strides = array<i32>} : memref<320x16xi32, #tpu.memory_space<vmem>>, vector<16xi32>, vector<16xi1>
      %all_reduce_population_count3A_725 = tpu.all_reduce %ne3A_719 {dim = 0 : i64, kind = #tpu.reduction_kind<sum>} : vector<16xi1> -> vector<16xi32>
      %eq3A_726 = arith.constant 8 : i32
      %eq3A_727 = vector.broadcast %eq3A_726 : i32 to vector<16xi32>
      %eq3A_728 = arith.cmpi eq, %iota3A, %eq3A_727 : vector<16xi32>
      %select_n3A_729 = arith.select %eq3A_728, %all_reduce_population_count3A_725, %select_n3A_524 : vector<16xi1>, vector<16xi32>
      %ne3A_730 = arith.cmpi ne, %parallel_loop3A_718#3, %broadcast_in_dim3A_649 : vector<16xi32>
      %add3A_731 = arith.constant 1 : i32
      %add3A_732 = arith.addi %add3A_528, %add3A_731 : i32
      %swap3A_733 = arith.index_cast %add3A_732 : i32 to index
      %swap3A_734 = arith.constant 0 : index
      %swap3A_735 = tpu.vector_load %arg13[%swap3A_733, %swap3A_734] masked %ne3A_730 {strides = array<i32>} : memref<320x16xi32, #tpu.memory_space<vmem>>, vector<16xi32>, vector<16xi1>
      tpu.vector_store %arg13[%swap3A_733, %swap3A_734], %parallel_loop3A_718#3 masked %ne3A_730 {strides = array<i32>} : memref<320x16xi32, #tpu.memory_space<vmem>>, vector<16xi32>, vector<16xi1>
      %all_reduce_population_count3A_736 = tpu.all_reduce %ne3A_730 {dim = 0 : i64, kind = #tpu.reduction_kind<sum>} : vector<16xi1> -> vector<16xi32>
      %eq3A_737 = arith.constant 9 : i32
      %eq3A_738 = vector.broadcast %eq3A_737 : i32 to vector<16xi32>
      %eq3A_739 = arith.cmpi eq, %iota3A, %eq3A_738 : vector<16xi32>
      %select_n3A_740 = arith.select %eq3A_739, %all_reduce_population_count3A_736, %select_n3A_729 : vector<16xi1>, vector<16xi32>
      %ne3A_741 = arith.cmpi ne, %parallel_loop3A_718#5, %broadcast_in_dim3A_673 : vector<16xi32>
      %add3A_742 = arith.constant 2 : i32
      %add3A_743 = arith.addi %add3A_528, %add3A_742 : i32
      %swap3A_744 = arith.index_cast %add3A_743 : i32 to index
      %swap3A_745 = arith.constant 0 : index
      %swap3A_746 = tpu.vector_load %arg13[%swap3A_744, %swap3A_745] masked %ne3A_741 {strides = array<i32>} : memref<320x16xi32, #tpu.memory_space<vmem>>, vector<16xi32>, vector<16xi1>
      tpu.vector_store %arg13[%swap3A_744, %swap3A_745], %parallel_loop3A_718#5 masked %ne3A_741 {strides = array<i32>} : memref<320x16xi32, #tpu.memory_space<vmem>>, vector<16xi32>, vector<16xi1>
      %all_reduce_population_count3A_747 = tpu.all_reduce %ne3A_741 {dim = 0 : i64, kind = #tpu.reduction_kind<sum>} : vector<16xi1> -> vector<16xi32>
      %eq3A_748 = arith.constant 10 : i32
      %eq3A_749 = vector.broadcast %eq3A_748 : i32 to vector<16xi32>
      %eq3A_750 = arith.cmpi eq, %iota3A, %eq3A_749 : vector<16xi32>
      %select_n3A_751 = arith.select %eq3A_750, %all_reduce_population_count3A_747, %select_n3A_740 : vector<16xi1>, vector<16xi32>
      %ne3A_752 = arith.cmpi ne, %parallel_loop3A_718#7, %broadcast_in_dim3A_697 : vector<16xi32>
      %add3A_753 = arith.constant 3 : i32
      %add3A_754 = arith.addi %add3A_528, %add3A_753 : i32
      %swap3A_755 = arith.index_cast %add3A_754 : i32 to index
      %swap3A_756 = arith.constant 0 : index
      %swap3A_757 = tpu.vector_load %arg13[%swap3A_755, %swap3A_756] masked %ne3A_752 {strides = array<i32>} : memref<320x16xi32, #tpu.memory_space<vmem>>, vector<16xi32>, vector<16xi1>
      tpu.vector_store %arg13[%swap3A_755, %swap3A_756], %parallel_loop3A_718#7 masked %ne3A_752 {strides = array<i32>} : memref<320x16xi32, #tpu.memory_space<vmem>>, vector<16xi32>, vector<16xi1>
      %all_reduce_population_count3A_758 = tpu.all_reduce %ne3A_752 {dim = 0 : i64, kind = #tpu.reduction_kind<sum>} : vector<16xi1> -> vector<16xi32>
      %eq3A_759 = arith.constant 11 : i32
      %eq3A_760 = vector.broadcast %eq3A_759 : i32 to vector<16xi32>
      %eq3A_761 = arith.cmpi eq, %iota3A, %eq3A_760 : vector<16xi32>
      %select_n3A_762 = arith.select %eq3A_761, %all_reduce_population_count3A_758, %select_n3A_751 : vector<16xi1>, vector<16xi32>
      %mul3A_763 = arith.constant 16 : i32
      %mul3A_764 = arith.muli %scan3A_39, %mul3A_763 : i32
      %add3A_765 = arith.constant 12 : i32
      %add3A_766 = arith.addi %mul3A_764, %add3A_765 : i32
      %slice3A_767 = vector.extract_strided_slice %get3A_44 {offsets = [12], sizes = [1], strides = [1]} : vector<16xi32> to vector<1xi32>
      %squeeze3A_768 = vector.extract %slice3A_767[0] : i32 from vector<1xi32>
      %slice3A_769 = vector.extract_strided_slice %get3A_44 {offsets = [13], sizes = [1], strides = [1]} : vector<16xi32> to vector<1xi32>
      %squeeze3A_770 = vector.extract %slice3A_769[0] : i32 from vector<1xi32>
      %slice3A_771 = vector.extract_strided_slice %get3A_44 {offsets = [14], sizes = [1], strides = [1]} : vector<16xi32> to vector<1xi32>
      %squeeze3A_772 = vector.extract %slice3A_771[0] : i32 from vector<1xi32>
      %slice3A_773 = vector.extract_strided_slice %get3A_44 {offsets = [15], sizes = [1], strides = [1]} : vector<16xi32> to vector<1xi32>
      %squeeze3A_774 = vector.extract %slice3A_773[0] : i32 from vector<1xi32>
      %slice3A_775 = vector.extract_strided_slice %get3A_46 {offsets = [12], sizes = [1], strides = [1]} : vector<16xi32> to vector<1xi32>
      %squeeze3A_776 = vector.extract %slice3A_775[0] : i32 from vector<1xi32>
      %slice3A_777 = vector.extract_strided_slice %get3A_46 {offsets = [13], sizes = [1], strides = [1]} : vector<16xi32> to vector<1xi32>
      %squeeze3A_778 = vector.extract %slice3A_777[0] : i32 from vector<1xi32>
      %slice3A_779 = vector.extract_strided_slice %get3A_46 {offsets = [14], sizes = [1], strides = [1]} : vector<16xi32> to vector<1xi32>
      %squeeze3A_780 = vector.extract %slice3A_779[0] : i32 from vector<1xi32>
      %slice3A_781 = vector.extract_strided_slice %get3A_46 {offsets = [15], sizes = [1], strides = [1]} : vector<16xi32> to vector<1xi32>
      %squeeze3A_782 = vector.extract %slice3A_781[0] : i32 from vector<1xi32>
      %min3A_783 = arith.minsi %squeeze3A_768, %squeeze3A_770 : i32
      %max3A_784 = arith.maxsi %squeeze3A_776, %squeeze3A_778 : i32
      %min3A_785 = arith.minsi %min3A_783, %squeeze3A_772 : i32
      %max3A_786 = arith.maxsi %max3A_784, %squeeze3A_780 : i32
      %min3A_787 = arith.minsi %min3A_785, %squeeze3A_774 : i32
      %max3A_788 = arith.maxsi %max3A_786, %squeeze3A_782 : i32
      %jit3A_789 = arith.constant 16 : i32
      %div3A_790 = arith.divsi %min3A_787, %jit3A_789 : i32
      %sign3A_791 = arith.constant 0 : i32
      %sign3A_792 = arith.cmpi sgt, %min3A_787, %sign3A_791 : i32
      %sign3A_793 = arith.extui %sign3A_792 : i1 to i32
      %sign3A_794 = arith.constant 0 : i32
      %sign3A_795 = arith.cmpi slt, %min3A_787, %sign3A_794 : i32
      %sign3A_796 = arith.extui %sign3A_795 : i1 to i32
      %sign3A_797 = arith.subi %sign3A_793, %sign3A_796 : i32
      %sign3A_798 = arith.constant 0 : i32
      %sign3A_799 = arith.cmpi sgt, %jit3A_789, %sign3A_798 : i32
      %sign3A_800 = arith.extui %sign3A_799 : i1 to i32
      %sign3A_801 = arith.constant 0 : i32
      %sign3A_802 = arith.cmpi slt, %jit3A_789, %sign3A_801 : i32
      %sign3A_803 = arith.extui %sign3A_802 : i1 to i32
      %sign3A_804 = arith.subi %sign3A_800, %sign3A_803 : i32
      %ne3A_805 = arith.cmpi ne, %sign3A_797, %sign3A_804 : i32
      %rem3A_806 = arith.remsi %min3A_787, %jit3A_789 : i32
      %ne3A_807 = arith.constant 0 : i32
      %ne3A_808 = arith.cmpi ne, %rem3A_806, %ne3A_807 : i32
      %and3A_809 = arith.andi %ne3A_805, %ne3A_808 : i1
      %sub3A_810 = arith.constant 1 : i32
      %sub3A_811 = arith.subi %div3A_790, %sub3A_810 : i32
      %select_n3A_812 = arith.select %and3A_809, %sub3A_811, %div3A_790 : i32
      %mul3A_813 = arith.constant 16 : i32
      %mul3A_814 = arith.muli %select_n3A_812, %mul3A_813 : i32
      %sub3A_815 = arith.subi %max3A_788, %mul3A_814 : i32
      %add3A_816 = arith.constant 15 : i32
      %add3A_817 = arith.addi %sub3A_815, %add3A_816 : i32
      %jit3A_818 = arith.constant 16 : i32
      %div3A_819 = arith.divsi %add3A_817, %jit3A_818 : i32
      %sign3A_820 = arith.constant 0 : i32
      %sign3A_821 = arith.cmpi sgt, %add3A_817, %sign3A_820 : i32
      %sign3A_822 = arith.extui %sign3A_821 : i1 to i32
      %sign3A_823 = arith.constant 0 : i32
      %sign3A_824 = arith.cmpi slt, %add3A_817, %sign3A_823 : i32
      %sign3A_825 = arith.extui %sign3A_824 : i1 to i32
      %sign3A_826 = arith.subi %sign3A_822, %sign3A_825 : i32
      %sign3A_827 = arith.constant 0 : i32
      %sign3A_828 = arith.cmpi sgt, %jit3A_818, %sign3A_827 : i32
      %sign3A_829 = arith.extui %sign3A_828 : i1 to i32
      %sign3A_830 = arith.constant 0 : i32
      %sign3A_831 = arith.cmpi slt, %jit3A_818, %sign3A_830 : i32
      %sign3A_832 = arith.extui %sign3A_831 : i1 to i32
      %sign3A_833 = arith.subi %sign3A_829, %sign3A_832 : i32
      %ne3A_834 = arith.cmpi ne, %sign3A_826, %sign3A_833 : i32
      %rem3A_835 = arith.remsi %add3A_817, %jit3A_818 : i32
      %ne3A_836 = arith.constant 0 : i32
      %ne3A_837 = arith.cmpi ne, %rem3A_835, %ne3A_836 : i32
      %and3A_838 = arith.andi %ne3A_834, %ne3A_837 : i1
      %sub3A_839 = arith.constant 1 : i32
      %sub3A_840 = arith.subi %div3A_819, %sub3A_839 : i32
      %select_n3A_841 = arith.select %and3A_838, %sub3A_840, %div3A_819 : i32
      %slice3A_842 = vector.extract_strided_slice %get3A_51 {offsets = [12], sizes = [1], strides = [1]} : vector<16xf32> to vector<1xf32>
      %squeeze3A_843 = vector.extract %slice3A_842[0] : f32 from vector<1xf32>
      %mul3A_844 = arith.constant 2.000000e+00 : f32
      %mul3A_845 = arith.mulf %mul3A_844, %squeeze3A_843 : f32
      %broadcast_in_dim3A_846 = vector.broadcast %mul3A_845 : f32 to vector<16xf32>
      %slice3A_847 = vector.extract_strided_slice %get3A_56 {offsets = [12], sizes = [1], strides = [1]} : vector<16xf32> to vector<1xf32>
      %squeeze3A_848 = vector.extract %slice3A_847[0] : f32 from vector<1xf32>
      %mul3A_849 = arith.constant 2.000000e+00 : f32
      %mul3A_850 = arith.mulf %mul3A_849, %squeeze3A_848 : f32
      %broadcast_in_dim3A_851 = vector.broadcast %mul3A_850 : f32 to vector<16xf32>
      %slice3A_852 = vector.extract_strided_slice %get3A_61 {offsets = [12], sizes = [1], strides = [1]} : vector<16xf32> to vector<1xf32>
      %squeeze3A_853 = vector.extract %slice3A_852[0] : f32 from vector<1xf32>
      %mul3A_854 = arith.constant 2.000000e+00 : f32
      %mul3A_855 = arith.mulf %mul3A_854, %squeeze3A_853 : f32
      %broadcast_in_dim3A_856 = vector.broadcast %mul3A_855 : f32 to vector<16xf32>
      %slice3A_857 = vector.extract_strided_slice %get3A_64 {offsets = [12], sizes = [1], strides = [1]} : vector<16xf32> to vector<1xf32>
      %squeeze3A_858 = vector.extract %slice3A_857[0] : f32 from vector<1xf32>
      %broadcast_in_dim3A_859 = vector.broadcast %squeeze3A_858 : f32 to vector<16xf32>
      %add3A_860 = arith.addi %mul3A_2, %add3A_766 : i32
      %add3A_861 = arith.constant 0 : i32
      %add3A_862 = arith.addi %add3A_860, %add3A_861 : i32
      %broadcast_in_dim3A_863 = vector.broadcast %add3A_862 : i32 to vector<16xi32>
      %broadcast_in_dim3A_864 = vector.broadcast %squeeze3A_768 : i32 to vector<16xi32>
      %broadcast_in_dim3A_865 = vector.broadcast %squeeze3A_776 : i32 to vector<16xi32>
      %slice3A_866 = vector.extract_strided_slice %get3A_51 {offsets = [13], sizes = [1], strides = [1]} : vector<16xf32> to vector<1xf32>
      %squeeze3A_867 = vector.extract %slice3A_866[0] : f32 from vector<1xf32>
      %mul3A_868 = arith.constant 2.000000e+00 : f32
      %mul3A_869 = arith.mulf %mul3A_868, %squeeze3A_867 : f32
      %broadcast_in_dim3A_870 = vector.broadcast %mul3A_869 : f32 to vector<16xf32>
      %slice3A_871 = vector.extract_strided_slice %get3A_56 {offsets = [13], sizes = [1], strides = [1]} : vector<16xf32> to vector<1xf32>
      %squeeze3A_872 = vector.extract %slice3A_871[0] : f32 from vector<1xf32>
      %mul3A_873 = arith.constant 2.000000e+00 : f32
      %mul3A_874 = arith.mulf %mul3A_873, %squeeze3A_872 : f32
      %broadcast_in_dim3A_875 = vector.broadcast %mul3A_874 : f32 to vector<16xf32>
      %slice3A_876 = vector.extract_strided_slice %get3A_61 {offsets = [13], sizes = [1], strides = [1]} : vector<16xf32> to vector<1xf32>
      %squeeze3A_877 = vector.extract %slice3A_876[0] : f32 from vector<1xf32>
      %mul3A_878 = arith.constant 2.000000e+00 : f32
      %mul3A_879 = arith.mulf %mul3A_878, %squeeze3A_877 : f32
      %broadcast_in_dim3A_880 = vector.broadcast %mul3A_879 : f32 to vector<16xf32>
      %slice3A_881 = vector.extract_strided_slice %get3A_64 {offsets = [13], sizes = [1], strides = [1]} : vector<16xf32> to vector<1xf32>
      %squeeze3A_882 = vector.extract %slice3A_881[0] : f32 from vector<1xf32>
      %broadcast_in_dim3A_883 = vector.broadcast %squeeze3A_882 : f32 to vector<16xf32>
      %add3A_884 = arith.addi %mul3A_2, %add3A_766 : i32
      %add3A_885 = arith.constant 1 : i32
      %add3A_886 = arith.addi %add3A_884, %add3A_885 : i32
      %broadcast_in_dim3A_887 = vector.broadcast %add3A_886 : i32 to vector<16xi32>
      %broadcast_in_dim3A_888 = vector.broadcast %squeeze3A_770 : i32 to vector<16xi32>
      %broadcast_in_dim3A_889 = vector.broadcast %squeeze3A_778 : i32 to vector<16xi32>
      %slice3A_890 = vector.extract_strided_slice %get3A_51 {offsets = [14], sizes = [1], strides = [1]} : vector<16xf32> to vector<1xf32>
      %squeeze3A_891 = vector.extract %slice3A_890[0] : f32 from vector<1xf32>
      %mul3A_892 = arith.constant 2.000000e+00 : f32
      %mul3A_893 = arith.mulf %mul3A_892, %squeeze3A_891 : f32
      %broadcast_in_dim3A_894 = vector.broadcast %mul3A_893 : f32 to vector<16xf32>
      %slice3A_895 = vector.extract_strided_slice %get3A_56 {offsets = [14], sizes = [1], strides = [1]} : vector<16xf32> to vector<1xf32>
      %squeeze3A_896 = vector.extract %slice3A_895[0] : f32 from vector<1xf32>
      %mul3A_897 = arith.constant 2.000000e+00 : f32
      %mul3A_898 = arith.mulf %mul3A_897, %squeeze3A_896 : f32
      %broadcast_in_dim3A_899 = vector.broadcast %mul3A_898 : f32 to vector<16xf32>
      %slice3A_900 = vector.extract_strided_slice %get3A_61 {offsets = [14], sizes = [1], strides = [1]} : vector<16xf32> to vector<1xf32>
      %squeeze3A_901 = vector.extract %slice3A_900[0] : f32 from vector<1xf32>
      %mul3A_902 = arith.constant 2.000000e+00 : f32
      %mul3A_903 = arith.mulf %mul3A_902, %squeeze3A_901 : f32
      %broadcast_in_dim3A_904 = vector.broadcast %mul3A_903 : f32 to vector<16xf32>
      %slice3A_905 = vector.extract_strided_slice %get3A_64 {offsets = [14], sizes = [1], strides = [1]} : vector<16xf32> to vector<1xf32>
      %squeeze3A_906 = vector.extract %slice3A_905[0] : f32 from vector<1xf32>
      %broadcast_in_dim3A_907 = vector.broadcast %squeeze3A_906 : f32 to vector<16xf32>
      %add3A_908 = arith.addi %mul3A_2, %add3A_766 : i32
      %add3A_909 = arith.constant 2 : i32
      %add3A_910 = arith.addi %add3A_908, %add3A_909 : i32
      %broadcast_in_dim3A_911 = vector.broadcast %add3A_910 : i32 to vector<16xi32>
      %broadcast_in_dim3A_912 = vector.broadcast %squeeze3A_772 : i32 to vector<16xi32>
      %broadcast_in_dim3A_913 = vector.broadcast %squeeze3A_780 : i32 to vector<16xi32>
      %slice3A_914 = vector.extract_strided_slice %get3A_51 {offsets = [15], sizes = [1], strides = [1]} : vector<16xf32> to vector<1xf32>
      %squeeze3A_915 = vector.extract %slice3A_914[0] : f32 from vector<1xf32>
      %mul3A_916 = arith.constant 2.000000e+00 : f32
      %mul3A_917 = arith.mulf %mul3A_916, %squeeze3A_915 : f32
      %broadcast_in_dim3A_918 = vector.broadcast %mul3A_917 : f32 to vector<16xf32>
      %slice3A_919 = vector.extract_strided_slice %get3A_56 {offsets = [15], sizes = [1], strides = [1]} : vector<16xf32> to vector<1xf32>
      %squeeze3A_920 = vector.extract %slice3A_919[0] : f32 from vector<1xf32>
      %mul3A_921 = arith.constant 2.000000e+00 : f32
      %mul3A_922 = arith.mulf %mul3A_921, %squeeze3A_920 : f32
      %broadcast_in_dim3A_923 = vector.broadcast %mul3A_922 : f32 to vector<16xf32>
      %slice3A_924 = vector.extract_strided_slice %get3A_61 {offsets = [15], sizes = [1], strides = [1]} : vector<16xf32> to vector<1xf32>
      %squeeze3A_925 = vector.extract %slice3A_924[0] : f32 from vector<1xf32>
      %mul3A_926 = arith.constant 2.000000e+00 : f32
      %mul3A_927 = arith.mulf %mul3A_926, %squeeze3A_925 : f32
      %broadcast_in_dim3A_928 = vector.broadcast %mul3A_927 : f32 to vector<16xf32>
      %slice3A_929 = vector.extract_strided_slice %get3A_64 {offsets = [15], sizes = [1], strides = [1]} : vector<16xf32> to vector<1xf32>
      %squeeze3A_930 = vector.extract %slice3A_929[0] : f32 from vector<1xf32>
      %broadcast_in_dim3A_931 = vector.broadcast %squeeze3A_930 : f32 to vector<16xf32>
      %add3A_932 = arith.addi %mul3A_2, %add3A_766 : i32
      %add3A_933 = arith.constant 3 : i32
      %add3A_934 = arith.addi %add3A_932, %add3A_933 : i32
      %broadcast_in_dim3A_935 = vector.broadcast %add3A_934 : i32 to vector<16xi32>
      %broadcast_in_dim3A_936 = vector.broadcast %squeeze3A_774 : i32 to vector<16xi32>
      %broadcast_in_dim3A_937 = vector.broadcast %squeeze3A_782 : i32 to vector<16xi32>
      %broadcast_in_dim3A_938 = arith.constant 3.000000e+38 : f32
      %broadcast_in_dim3A_939 = vector.broadcast %broadcast_in_dim3A_938 : f32 to vector<16xf32>
      %broadcast_in_dim3A_940 = arith.constant 0 : i32
      %broadcast_in_dim3A_941 = vector.broadcast %broadcast_in_dim3A_940 : i32 to vector<16xi32>
      %broadcast_in_dim3A_942 = arith.constant 3.000000e+38 : f32
      %broadcast_in_dim3A_943 = vector.broadcast %broadcast_in_dim3A_942 : f32 to vector<16xf32>
      %broadcast_in_dim3A_944 = arith.constant 0 : i32
      %broadcast_in_dim3A_945 = vector.broadcast %broadcast_in_dim3A_944 : i32 to vector<16xi32>
      %broadcast_in_dim3A_946 = arith.constant 3.000000e+38 : f32
      %broadcast_in_dim3A_947 = vector.broadcast %broadcast_in_dim3A_946 : f32 to vector<16xf32>
      %broadcast_in_dim3A_948 = arith.constant 0 : i32
      %broadcast_in_dim3A_949 = vector.broadcast %broadcast_in_dim3A_948 : i32 to vector<16xi32>
      %broadcast_in_dim3A_950 = arith.constant 3.000000e+38 : f32
      %broadcast_in_dim3A_951 = vector.broadcast %broadcast_in_dim3A_950 : f32 to vector<16xf32>
      %broadcast_in_dim3A_952 = arith.constant 0 : i32
      %broadcast_in_dim3A_953 = vector.broadcast %broadcast_in_dim3A_952 : i32 to vector<16xi32>
      %parallel_loop3A_954 = arith.constant 0 : i32
      %parallel_loop3A_955 = arith.constant 1 : i32
      %parallel_loop3A_956:8 = scf.for %parallel_loop3A_1006 = %parallel_loop3A_954 to %select_n3A_841 step %parallel_loop3A_955 iter_args(%parallel_loop3A_1007 = %broadcast_in_dim3A_939, %parallel_loop3A_1008 = %broadcast_in_dim3A_941, %parallel_loop3A_1009 = %broadcast_in_dim3A_943, %parallel_loop3A_1010 = %broadcast_in_dim3A_945, %parallel_loop3A_1011 = %broadcast_in_dim3A_947, %parallel_loop3A_1012 = %broadcast_in_dim3A_949, %parallel_loop3A_1013 = %broadcast_in_dim3A_951, %parallel_loop3A_1014 = %broadcast_in_dim3A_953) -> (vector<16xf32>, vector<16xi32>, vector<16xf32>, vector<16xi32>, vector<16xf32>, vector<16xi32>, vector<16xf32>, vector<16xi32>)  : i32 {
        %parallel_loop3A_1015 = arith.constant 16 : i32
        %parallel_loop3A_1016 = arith.muli %parallel_loop3A_1006, %parallel_loop3A_1015 : i32
        %parallel_loop3A_1017 = arith.addi %mul3A_814, %parallel_loop3A_1016 : i32
        %parallel_loop3A_1018 = arith.constant 0 : i32
        %parallel_loop3A_1019 = arith.index_cast %parallel_loop3A_1018 : i32 to index
        %parallel_loop3A_1020 = arith.index_cast %parallel_loop3A_1017 : i32 to index
        %parallel_loop3A_1021 = tpu.vector_load %arg8[%parallel_loop3A_1019, %parallel_loop3A_1020] {strides = array<i32>} : memref<3x10240xf32, #tpu.memory_space<vmem>>, vector<16xf32>,
        %parallel_loop3A_1022 = arith.constant 1 : i32
        %parallel_loop3A_1023 = arith.index_cast %parallel_loop3A_1022 : i32 to index
        %parallel_loop3A_1024 = arith.index_cast %parallel_loop3A_1017 : i32 to index
        %parallel_loop3A_1025 = tpu.vector_load %arg8[%parallel_loop3A_1023, %parallel_loop3A_1024] {strides = array<i32>} : memref<3x10240xf32, #tpu.memory_space<vmem>>, vector<16xf32>,
        %parallel_loop3A_1026 = arith.constant 2 : i32
        %parallel_loop3A_1027 = arith.index_cast %parallel_loop3A_1026 : i32 to index
        %parallel_loop3A_1028 = arith.index_cast %parallel_loop3A_1017 : i32 to index
        %parallel_loop3A_1029 = tpu.vector_load %arg8[%parallel_loop3A_1027, %parallel_loop3A_1028] {strides = array<i32>} : memref<3x10240xf32, #tpu.memory_space<vmem>>, vector<16xf32>,
        %parallel_loop3A_1030 = arith.index_cast %parallel_loop3A_1017 : i32 to index
        %parallel_loop3A_1031 = tpu.vector_load %arg9[%parallel_loop3A_1030] {strides = array<i32>} : memref<10240xf32, #tpu.memory_space<vmem>>, vector<16xf32>,
        %parallel_loop3A_1032 = vector.broadcast %parallel_loop3A_1017 : i32 to vector<16xi32>
        %parallel_loop3A_1033 = arith.addi %parallel_loop3A_1032, %iota3A : vector<16xi32>
        %parallel_loop3A_1034 = arith.mulf %broadcast_in_dim3A_846, %parallel_loop3A_1021 : vector<16xf32>
        %parallel_loop3A_1035 = arith.mulf %broadcast_in_dim3A_851, %parallel_loop3A_1025 : vector<16xf32>
        %parallel_loop3A_1036 = arith.addf %parallel_loop3A_1034, %parallel_loop3A_1035 : vector<16xf32>
        %parallel_loop3A_1037 = arith.mulf %broadcast_in_dim3A_856, %parallel_loop3A_1029 : vector<16xf32>
        %parallel_loop3A_1038 = arith.addf %parallel_loop3A_1036, %parallel_loop3A_1037 : vector<16xf32>
        %parallel_loop3A_1039 = arith.addf %broadcast_in_dim3A_859, %parallel_loop3A_1031 : vector<16xf32>
        %parallel_loop3A_1040 = arith.subf %parallel_loop3A_1039, %parallel_loop3A_1038 : vector<16xf32>
        %parallel_loop3A_1041 = arith.cmpi slt, %parallel_loop3A_1033, %broadcast_in_dim3A_864 : vector<16xi32>
        %parallel_loop3A_1042 = arith.cmpi sge, %parallel_loop3A_1033, %broadcast_in_dim3A_865 : vector<16xi32>
        %parallel_loop3A_1043 = arith.ori %parallel_loop3A_1041, %parallel_loop3A_1042 : vector<16xi1>
        %parallel_loop3A_1044 = arith.constant 3.000000e+38 : f32
        %parallel_loop3A_1045 = vector.broadcast %parallel_loop3A_1044 : f32 to vector<16xf32>
        %parallel_loop3A_1046 = arith.select %parallel_loop3A_1043, %parallel_loop3A_1045, %parallel_loop3A_1040 : vector<16xi1>, vector<16xf32>
        %parallel_loop3A_1047 = arith.constant dense<true> : vector<16xi1>
        %parallel_loop3A_1048, %parallel_loop3A_1049, %parallel_loop3A_1050 = tpu.sort %parallel_loop3A_1046, %parallel_loop3A_1033 masked %parallel_loop3A_1047 {descending = true} : (vector<16xf32>, vector<16xi32>, vector<16xi1>) -> (vector<16xi1>, vector<16xf32>, vector<16xi32>)
        %parallel_loop3A_1051 = arith.cmpf ole, %parallel_loop3A_1007, %parallel_loop3A_1049 : vector<16xf32>
        %parallel_loop3A_1052 = arith.select %parallel_loop3A_1051, %parallel_loop3A_1007, %parallel_loop3A_1049 : vector<16xi1>, vector<16xf32>
        %parallel_loop3A_1053 = arith.select %parallel_loop3A_1051, %parallel_loop3A_1008, %parallel_loop3A_1050 : vector<16xi1>, vector<16xi32>
        %parallel_loop3A_1054 = arith.constant dense<true> : vector<16xi1>
        %parallel_loop3A_1055, %parallel_loop3A_1056, %parallel_loop3A_1057 = tpu.sort %parallel_loop3A_1052, %parallel_loop3A_1053 masked %parallel_loop3A_1054 : (vector<16xf32>, vector<16xi32>, vector<16xi1>) -> (vector<16xi1>, vector<16xf32>, vector<16xi32>)
        %parallel_loop3A_1058 = arith.mulf %broadcast_in_dim3A_870, %parallel_loop3A_1021 : vector<16xf32>
        %parallel_loop3A_1059 = arith.mulf %broadcast_in_dim3A_875, %parallel_loop3A_1025 : vector<16xf32>
        %parallel_loop3A_1060 = arith.addf %parallel_loop3A_1058, %parallel_loop3A_1059 : vector<16xf32>
        %parallel_loop3A_1061 = arith.mulf %broadcast_in_dim3A_880, %parallel_loop3A_1029 : vector<16xf32>
        %parallel_loop3A_1062 = arith.addf %parallel_loop3A_1060, %parallel_loop3A_1061 : vector<16xf32>
        %parallel_loop3A_1063 = arith.addf %broadcast_in_dim3A_883, %parallel_loop3A_1031 : vector<16xf32>
        %parallel_loop3A_1064 = arith.subf %parallel_loop3A_1063, %parallel_loop3A_1062 : vector<16xf32>
        %parallel_loop3A_1065 = arith.cmpi slt, %parallel_loop3A_1033, %broadcast_in_dim3A_888 : vector<16xi32>
        %parallel_loop3A_1066 = arith.cmpi sge, %parallel_loop3A_1033, %broadcast_in_dim3A_889 : vector<16xi32>
        %parallel_loop3A_1067 = arith.ori %parallel_loop3A_1065, %parallel_loop3A_1066 : vector<16xi1>
        %parallel_loop3A_1068 = arith.constant 3.000000e+38 : f32
        %parallel_loop3A_1069 = vector.broadcast %parallel_loop3A_1068 : f32 to vector<16xf32>
        %parallel_loop3A_1070 = arith.select %parallel_loop3A_1067, %parallel_loop3A_1069, %parallel_loop3A_1064 : vector<16xi1>, vector<16xf32>
        %parallel_loop3A_1071 = arith.constant dense<true> : vector<16xi1>
        %parallel_loop3A_1072, %parallel_loop3A_1073, %parallel_loop3A_1074 = tpu.sort %parallel_loop3A_1070, %parallel_loop3A_1033 masked %parallel_loop3A_1071 {descending = true} : (vector<16xf32>, vector<16xi32>, vector<16xi1>) -> (vector<16xi1>, vector<16xf32>, vector<16xi32>)
        %parallel_loop3A_1075 = arith.cmpf ole, %parallel_loop3A_1009, %parallel_loop3A_1073 : vector<16xf32>
        %parallel_loop3A_1076 = arith.select %parallel_loop3A_1075, %parallel_loop3A_1009, %parallel_loop3A_1073 : vector<16xi1>, vector<16xf32>
        %parallel_loop3A_1077 = arith.select %parallel_loop3A_1075, %parallel_loop3A_1010, %parallel_loop3A_1074 : vector<16xi1>, vector<16xi32>
        %parallel_loop3A_1078 = arith.constant dense<true> : vector<16xi1>
        %parallel_loop3A_1079, %parallel_loop3A_1080, %parallel_loop3A_1081 = tpu.sort %parallel_loop3A_1076, %parallel_loop3A_1077 masked %parallel_loop3A_1078 : (vector<16xf32>, vector<16xi32>, vector<16xi1>) -> (vector<16xi1>, vector<16xf32>, vector<16xi32>)
        %parallel_loop3A_1082 = arith.mulf %broadcast_in_dim3A_894, %parallel_loop3A_1021 : vector<16xf32>
        %parallel_loop3A_1083 = arith.mulf %broadcast_in_dim3A_899, %parallel_loop3A_1025 : vector<16xf32>
        %parallel_loop3A_1084 = arith.addf %parallel_loop3A_1082, %parallel_loop3A_1083 : vector<16xf32>
        %parallel_loop3A_1085 = arith.mulf %broadcast_in_dim3A_904, %parallel_loop3A_1029 : vector<16xf32>
        %parallel_loop3A_1086 = arith.addf %parallel_loop3A_1084, %parallel_loop3A_1085 : vector<16xf32>
        %parallel_loop3A_1087 = arith.addf %broadcast_in_dim3A_907, %parallel_loop3A_1031 : vector<16xf32>
        %parallel_loop3A_1088 = arith.subf %parallel_loop3A_1087, %parallel_loop3A_1086 : vector<16xf32>
        %parallel_loop3A_1089 = arith.cmpi slt, %parallel_loop3A_1033, %broadcast_in_dim3A_912 : vector<16xi32>
        %parallel_loop3A_1090 = arith.cmpi sge, %parallel_loop3A_1033, %broadcast_in_dim3A_913 : vector<16xi32>
        %parallel_loop3A_1091 = arith.ori %parallel_loop3A_1089, %parallel_loop3A_1090 : vector<16xi1>
        %parallel_loop3A_1092 = arith.constant 3.000000e+38 : f32
        %parallel_loop3A_1093 = vector.broadcast %parallel_loop3A_1092 : f32 to vector<16xf32>
        %parallel_loop3A_1094 = arith.select %parallel_loop3A_1091, %parallel_loop3A_1093, %parallel_loop3A_1088 : vector<16xi1>, vector<16xf32>
        %parallel_loop3A_1095 = arith.constant dense<true> : vector<16xi1>
        %parallel_loop3A_1096, %parallel_loop3A_1097, %parallel_loop3A_1098 = tpu.sort %parallel_loop3A_1094, %parallel_loop3A_1033 masked %parallel_loop3A_1095 {descending = true} : (vector<16xf32>, vector<16xi32>, vector<16xi1>) -> (vector<16xi1>, vector<16xf32>, vector<16xi32>)
        %parallel_loop3A_1099 = arith.cmpf ole, %parallel_loop3A_1011, %parallel_loop3A_1097 : vector<16xf32>
        %parallel_loop3A_1100 = arith.select %parallel_loop3A_1099, %parallel_loop3A_1011, %parallel_loop3A_1097 : vector<16xi1>, vector<16xf32>
        %parallel_loop3A_1101 = arith.select %parallel_loop3A_1099, %parallel_loop3A_1012, %parallel_loop3A_1098 : vector<16xi1>, vector<16xi32>
        %parallel_loop3A_1102 = arith.constant dense<true> : vector<16xi1>
        %parallel_loop3A_1103, %parallel_loop3A_1104, %parallel_loop3A_1105 = tpu.sort %parallel_loop3A_1100, %parallel_loop3A_1101 masked %parallel_loop3A_1102 : (vector<16xf32>, vector<16xi32>, vector<16xi1>) -> (vector<16xi1>, vector<16xf32>, vector<16xi32>)
        %parallel_loop3A_1106 = arith.mulf %broadcast_in_dim3A_918, %parallel_loop3A_1021 : vector<16xf32>
        %parallel_loop3A_1107 = arith.mulf %broadcast_in_dim3A_923, %parallel_loop3A_1025 : vector<16xf32>
        %parallel_loop3A_1108 = arith.addf %parallel_loop3A_1106, %parallel_loop3A_1107 : vector<16xf32>
        %parallel_loop3A_1109 = arith.mulf %broadcast_in_dim3A_928, %parallel_loop3A_1029 : vector<16xf32>
        %parallel_loop3A_1110 = arith.addf %parallel_loop3A_1108, %parallel_loop3A_1109 : vector<16xf32>
        %parallel_loop3A_1111 = arith.addf %broadcast_in_dim3A_931, %parallel_loop3A_1031 : vector<16xf32>
        %parallel_loop3A_1112 = arith.subf %parallel_loop3A_1111, %parallel_loop3A_1110 : vector<16xf32>
        %parallel_loop3A_1113 = arith.cmpi slt, %parallel_loop3A_1033, %broadcast_in_dim3A_936 : vector<16xi32>
        %parallel_loop3A_1114 = arith.cmpi sge, %parallel_loop3A_1033, %broadcast_in_dim3A_937 : vector<16xi32>
        %parallel_loop3A_1115 = arith.ori %parallel_loop3A_1113, %parallel_loop3A_1114 : vector<16xi1>
        %parallel_loop3A_1116 = arith.constant 3.000000e+38 : f32
        %parallel_loop3A_1117 = vector.broadcast %parallel_loop3A_1116 : f32 to vector<16xf32>
        %parallel_loop3A_1118 = arith.select %parallel_loop3A_1115, %parallel_loop3A_1117, %parallel_loop3A_1112 : vector<16xi1>, vector<16xf32>
        %parallel_loop3A_1119 = arith.constant dense<true> : vector<16xi1>
        %parallel_loop3A_1120, %parallel_loop3A_1121, %parallel_loop3A_1122 = tpu.sort %parallel_loop3A_1118, %parallel_loop3A_1033 masked %parallel_loop3A_1119 {descending = true} : (vector<16xf32>, vector<16xi32>, vector<16xi1>) -> (vector<16xi1>, vector<16xf32>, vector<16xi32>)
        %parallel_loop3A_1123 = arith.cmpf ole, %parallel_loop3A_1013, %parallel_loop3A_1121 : vector<16xf32>
        %parallel_loop3A_1124 = arith.select %parallel_loop3A_1123, %parallel_loop3A_1013, %parallel_loop3A_1121 : vector<16xi1>, vector<16xf32>
        %parallel_loop3A_1125 = arith.select %parallel_loop3A_1123, %parallel_loop3A_1014, %parallel_loop3A_1122 : vector<16xi1>, vector<16xi32>
        %parallel_loop3A_1126 = arith.constant dense<true> : vector<16xi1>
        %parallel_loop3A_1127, %parallel_loop3A_1128, %parallel_loop3A_1129 = tpu.sort %parallel_loop3A_1124, %parallel_loop3A_1125 masked %parallel_loop3A_1126 : (vector<16xf32>, vector<16xi32>, vector<16xi1>) -> (vector<16xi1>, vector<16xf32>, vector<16xi32>)
        scf.yield %parallel_loop3A_1056, %parallel_loop3A_1057, %parallel_loop3A_1080, %parallel_loop3A_1081, %parallel_loop3A_1104, %parallel_loop3A_1105, %parallel_loop3A_1128, %parallel_loop3A_1129 : vector<16xf32>, vector<16xi32>, vector<16xf32>, vector<16xi32>, vector<16xf32>, vector<16xi32>, vector<16xf32>, vector<16xi32>
      } {sc.loop_unroll_factor = 1 : i64, sc.parallel_access}
      %ne3A_957 = arith.cmpi ne, %parallel_loop3A_956#1, %broadcast_in_dim3A_863 : vector<16xi32>
      %add3A_958 = arith.constant 0 : i32
      %add3A_959 = arith.addi %add3A_766, %add3A_958 : i32
      %swap3A_960 = arith.index_cast %add3A_959 : i32 to index
      %swap3A_961 = arith.constant 0 : index
      %swap3A_962 = tpu.vector_load %arg13[%swap3A_960, %swap3A_961] masked %ne3A_957 {strides = array<i32>} : memref<320x16xi32, #tpu.memory_space<vmem>>, vector<16xi32>, vector<16xi1>
      tpu.vector_store %arg13[%swap3A_960, %swap3A_961], %parallel_loop3A_956#1 masked %ne3A_957 {strides = array<i32>} : memref<320x16xi32, #tpu.memory_space<vmem>>, vector<16xi32>, vector<16xi1>
      %all_reduce_population_count3A_963 = tpu.all_reduce %ne3A_957 {dim = 0 : i64, kind = #tpu.reduction_kind<sum>} : vector<16xi1> -> vector<16xi32>
      %eq3A_964 = arith.constant 12 : i32
      %eq3A_965 = vector.broadcast %eq3A_964 : i32 to vector<16xi32>
      %eq3A_966 = arith.cmpi eq, %iota3A, %eq3A_965 : vector<16xi32>
      %select_n3A_967 = arith.select %eq3A_966, %all_reduce_population_count3A_963, %select_n3A_762 : vector<16xi1>, vector<16xi32>
      %ne3A_968 = arith.cmpi ne, %parallel_loop3A_956#3, %broadcast_in_dim3A_887 : vector<16xi32>
      %add3A_969 = arith.constant 1 : i32
      %add3A_970 = arith.addi %add3A_766, %add3A_969 : i32
      %swap3A_971 = arith.index_cast %add3A_970 : i32 to index
      %swap3A_972 = arith.constant 0 : index
      %swap3A_973 = tpu.vector_load %arg13[%swap3A_971, %swap3A_972] masked %ne3A_968 {strides = array<i32>} : memref<320x16xi32, #tpu.memory_space<vmem>>, vector<16xi32>, vector<16xi1>
      tpu.vector_store %arg13[%swap3A_971, %swap3A_972], %parallel_loop3A_956#3 masked %ne3A_968 {strides = array<i32>} : memref<320x16xi32, #tpu.memory_space<vmem>>, vector<16xi32>, vector<16xi1>
      %all_reduce_population_count3A_974 = tpu.all_reduce %ne3A_968 {dim = 0 : i64, kind = #tpu.reduction_kind<sum>} : vector<16xi1> -> vector<16xi32>
      %eq3A_975 = arith.constant 13 : i32
      %eq3A_976 = vector.broadcast %eq3A_975 : i32 to vector<16xi32>
      %eq3A_977 = arith.cmpi eq, %iota3A, %eq3A_976 : vector<16xi32>
      %select_n3A_978 = arith.select %eq3A_977, %all_reduce_population_count3A_974, %select_n3A_967 : vector<16xi1>, vector<16xi32>
      %ne3A_979 = arith.cmpi ne, %parallel_loop3A_956#5, %broadcast_in_dim3A_911 : vector<16xi32>
      %add3A_980 = arith.constant 2 : i32
      %add3A_981 = arith.addi %add3A_766, %add3A_980 : i32
      %swap3A_982 = arith.index_cast %add3A_981 : i32 to index
      %swap3A_983 = arith.constant 0 : index
      %swap3A_984 = tpu.vector_load %arg13[%swap3A_982, %swap3A_983] masked %ne3A_979 {strides = array<i32>} : memref<320x16xi32, #tpu.memory_space<vmem>>, vector<16xi32>, vector<16xi1>
      tpu.vector_store %arg13[%swap3A_982, %swap3A_983], %parallel_loop3A_956#5 masked %ne3A_979 {strides = array<i32>} : memref<320x16xi32, #tpu.memory_space<vmem>>, vector<16xi32>, vector<16xi1>
      %all_reduce_population_count3A_985 = tpu.all_reduce %ne3A_979 {dim = 0 : i64, kind = #tpu.reduction_kind<sum>} : vector<16xi1> -> vector<16xi32>
      %eq3A_986 = arith.constant 14 : i32
      %eq3A_987 = vector.broadcast %eq3A_986 : i32 to vector<16xi32>
      %eq3A_988 = arith.cmpi eq, %iota3A, %eq3A_987 : vector<16xi32>
      %select_n3A_989 = arith.select %eq3A_988, %all_reduce_population_count3A_985, %select_n3A_978 : vector<16xi1>, vector<16xi32>
      %ne3A_990 = arith.cmpi ne, %parallel_loop3A_956#7, %broadcast_in_dim3A_935 : vector<16xi32>
      %add3A_991 = arith.constant 3 : i32
      %add3A_992 = arith.addi %add3A_766, %add3A_991 : i32
      %swap3A_993 = arith.index_cast %add3A_992 : i32 to index
      %swap3A_994 = arith.constant 0 : index
      %swap3A_995 = tpu.vector_load %arg13[%swap3A_993, %swap3A_994] masked %ne3A_990 {strides = array<i32>} : memref<320x16xi32, #tpu.memory_space<vmem>>, vector<16xi32>, vector<16xi1>
      tpu.vector_store %arg13[%swap3A_993, %swap3A_994], %parallel_loop3A_956#7 masked %ne3A_990 {strides = array<i32>} : memref<320x16xi32, #tpu.memory_space<vmem>>, vector<16xi32>, vector<16xi1>
      %all_reduce_population_count3A_996 = tpu.all_reduce %ne3A_990 {dim = 0 : i64, kind = #tpu.reduction_kind<sum>} : vector<16xi1> -> vector<16xi32>
      %eq3A_997 = arith.constant 15 : i32
      %eq3A_998 = vector.broadcast %eq3A_997 : i32 to vector<16xi32>
      %eq3A_999 = arith.cmpi eq, %iota3A, %eq3A_998 : vector<16xi32>
      %select_n3A_1000 = arith.select %eq3A_999, %all_reduce_population_count3A_996, %select_n3A_989 : vector<16xi1>, vector<16xi32>
      %mul3A_1001 = arith.constant 16 : i32
      %mul3A_1002 = arith.muli %scan3A_39, %mul3A_1001 : i32
      %swap3A_1003 = arith.index_cast %mul3A_1002 : i32 to index
      %swap3A_1004 = tpu.vector_load %arg14[%swap3A_1003] {strides = array<i32>} : memref<320xi32, #tpu.memory_space<vmem>>, vector<16xi32>,
      tpu.vector_store %arg14[%swap3A_1003], %select_n3A_1000 {strides = array<i32>} : memref<320xi32, #tpu.memory_space<vmem>>, vector<16xi32>,
      %scan3A_1005 = arith.constant 0 : i32
      scf.yield %scan3A_1005 : i32
    }
    %scan3A_38 = arith.constant 20 : i32
    "tpu.region"() ({
      %run_scoped3A = tpu.sem_alloc : memref<!tpu.dma_semaphore, #tpu.memory_space<semaphore_mem>>
      %dma_start3A = arith.constant 0 : i32
      %dma_start3A_39 = tpu.memref_slice %arg6[%mul3A_2, %dma_start3A] : memref<10240x16xi32, #tpu.memory_space<hbm>> -> memref<320x16xi32, #tpu.memory_space<hbm>>
      %dma_start3A_40 = arith.constant 0 : i32
      %dma_start3A_41 = tpu.memref_slice %arg6[%mul3A_2, %dma_start3A_40] : memref<10240x16xi32, #tpu.memory_space<hbm>> -> memref<320x16xi32, #tpu.memory_space<hbm>>
      tpu.enqueue_dma source(%arg13 : memref<320x16xi32, #tpu.memory_space<vmem>>) target(%dma_start3A_41 : memref<320x16xi32, #tpu.memory_space<hbm>>) target_semaphore(%run_scoped3A : memref<!tpu.dma_semaphore, #tpu.memory_space<semaphore_mem>>)
      %dma_wait3A = arith.constant 0 : i32
      %dma_wait3A_42 = tpu.memref_slice %arg6[%mul3A_2, %dma_wait3A] : memref<10240x16xi32, #tpu.memory_space<hbm>> -> memref<320x16xi32, #tpu.memory_space<hbm>>
      %dma_wait3A_43 = arith.constant 0 : i32
      %dma_wait3A_44 = tpu.memref_slice %arg6[%mul3A_2, %dma_wait3A_43] : memref<10240x16xi32, #tpu.memory_space<hbm>> -> memref<320x16xi32, #tpu.memory_space<hbm>>
      tpu.wait_dma2 semaphore(%run_scoped3A : memref<!tpu.dma_semaphore, #tpu.memory_space<semaphore_mem>>) src(%arg13 : memref<320x16xi32, #tpu.memory_space<vmem>>) dst(%dma_wait3A_44 : memref<320x16xi32, #tpu.memory_space<hbm>>)
      tpu.yield
    }) : () -> ()
    "tpu.region"() ({
      %run_scoped3A = tpu.sem_alloc : memref<!tpu.dma_semaphore, #tpu.memory_space<semaphore_mem>>
      %dma_start3A = tpu.memref_slice %arg7[%mul3A_2] : memref<10240xi32, #tpu.memory_space<hbm>> -> memref<320xi32, #tpu.memory_space<hbm>>
      %dma_start3A_39 = tpu.memref_slice %arg7[%mul3A_2] : memref<10240xi32, #tpu.memory_space<hbm>> -> memref<320xi32, #tpu.memory_space<hbm>>
      tpu.enqueue_dma source(%arg14 : memref<320xi32, #tpu.memory_space<vmem>>) target(%dma_start3A_39 : memref<320xi32, #tpu.memory_space<hbm>>) target_semaphore(%run_scoped3A : memref<!tpu.dma_semaphore, #tpu.memory_space<semaphore_mem>>)
      %dma_wait3A = tpu.memref_slice %arg7[%mul3A_2] : memref<10240xi32, #tpu.memory_space<hbm>> -> memref<320xi32, #tpu.memory_space<hbm>>
      %dma_wait3A_40 = tpu.memref_slice %arg7[%mul3A_2] : memref<10240xi32, #tpu.memory_space<hbm>> -> memref<320xi32, #tpu.memory_space<hbm>>
      tpu.wait_dma2 semaphore(%run_scoped3A : memref<!tpu.dma_semaphore, #tpu.memory_space<semaphore_mem>>) src(%arg14 : memref<320xi32, #tpu.memory_space<vmem>>) dst(%dma_wait3A_40 : memref<320xi32, #tpu.memory_space<hbm>>)
      tpu.yield
    }) : () -> ()
    return
  }
}

</mosaic_0001>

<sc_bundles>
// kernel: kernel.3.cloned.1.call-start
scs
__scs_entry_jumppad:
0x0: {  	(pc) =	sbr.rel $0x88, $3  }
0x1: {  	(tag) =	ssettag $0x0;
	lr =	simm.s32 $0x1  }
0x2: {  	[smem:$0x3F9F] =	sst lr;
	_ =	strace $0xD0000000  }
0x3: {  	_ = 	snop  }
0x4: {  	_ = 	snop  }
0x5: {  	_ = 	snop  }
0x6: {  	_ = 	snop  }
0x7: {  	_ = 	snop  }
__scs_overlays_trampoline_lowered:
0x8: {  	[smem:$0x3FAE] =	sst s0  }
0x9: {  	[smem:$0x3FAF] =	sst s1  }
0xa: {  	[smem:$0x3FB0] =	sst s2  }
0xb: {  	[smem:$0x3FB1] =	sst s3  }
0xc: {  	[smem:$0x3FB2] =	sst s4  }
0xd: {  	[smem:$0x3FB3] =	sst s5  }
0xe: {  	[smem:$0x3FB4] =	sst s6  }
0xf: {  	[smem:$0x3FB5] =	sst s7  }
0x10: {  	[smem:$0x3FB6] =	sst s8  }
0x11: {  	[smem:$0x3FB7] =	sst s9;
	s0 =	simm.s32 @!p0 $0x0  }
0x12: {  	s1 =	sld [smem:$0x3F9D];
	s0 =	simm.s32 @p0 $0x1  }
0x13: {  	[smem:$0x3FB8] =	sst s0;
	s0 =	simm.s32 @!p1 $0x0  }
0x14: {  	s2 =	sld [smem:$0x3F9C];
	s0 =	simm.s32 @p1 $0x1  }
0x15: {  	[smem:$0x3FB9] =	sst s0;
	s0 =	simm.s32 @!p2 $0x0  }
0x16: {  	s3 =	sld [smem:$0x3FDB];
	s0 =	simm.s32 @p2 $0x1  }
0x17: {  	s4 =	simm.s32 $0x1BF5;
	[smem:$0x3FBB] =	sst s0  }
0x18: {  	s0 =	sld [smem:$0x3F9E];
	_ =	swait.ge [sflag:s4], $0x0  }
0x19: {  	s7 =	sld [smem:$0x3F9F]  }
0x1a: {  	s8 =	sadd.s32 $0xFFFFE003, lr  }
0x1b: {  	s9 =	sadd.s32 $0xFFFFFEF7, lr;
	s5 =	simm.s32 $0xFFFFFFFF;
	p2 =	slt.u32 s8, $0xFFFFF086  }
0x1c: {  	p1 =	slt.u32 s9, $0xF7A;
	s5 =	simm.s32 @!p2 $0x0  }
0x1d: {  	s5 =	simm.s32 @p1 $0x1;
	p0 =	seq.s32 s7, s2  }
0x1e: {  	s7 =	smul.u32 @!p0 $0xF7A, s2;
	p2 =	seq.s32 @!p0 s5, $0x0  }
0x1f: {  	s9 =	smul.u32 $0xF7A, s1;
	s8 =	simm.s32 @!p0 $0x1BF5;
	p2 =	por !p2, p0  }
0x20: {  	[sflag:s8] =	ssyncset.s32 @!p0 $0xFFFFF086;
	s6 =	sadd.s32 @!p0 s3, s7;
	s7 =	simm.s32 @!p0 $0x108  }
0x21: {  	s3 =	sadd.s32 s3, s9;
	s6 =	sadd.s32 @!p0 $0x88, s6;
	s7 =	simm.s32 @p2 $0x1082  }
0x22: {  	[simem:s7], [sflag:s8] =	dma.local @!p0 [hbm:s6], $0xF7A  }
0x23: {  	s9 =	sor.u32 $0xD0000000, s2;
	s6 =	simm.s32 $0x108;
	_ =	swait.ge @!p0 [sflag:s8], $0x0  }
0x24: {  	s3 =	sadd.s32 $0x88, s3;
	s6 =	simm.s32 @!p1 $0x1082;
	[sflag:s4] =	ssyncset.s32 $0xFFFFF086  }
0x25: {  	[simem:s6], [sflag:s4] =	dma.local [hbm:s3], $0xF7A  }
0x26: {  	[smem:$0x3F9F] =	sst s1;
	(tag) =	ssettag s2;
	_ =	strace s9  }
0x27: {  	s1 =	sld [smem:$0x3FAF]  }
0x28: {  	s2 =	sld [smem:$0x3FB0]  }
0x29: {  	s4 =	sld [smem:$0x3FB2]  }
0x2a: {  	p0 =	seq.s32 s5, $0x0;
	s5 =	sld [smem:$0x3FB3]  }
0x2b: {  	s6 =	sld [smem:$0x3FB4]  }
0x2c: {  	s7 =	sld [smem:$0x3FB5]  }
0x2d: {  	s3 =	simm.s32 $0x108;
	s8 =	sld [smem:$0x3FB6]  }
0x2e: {  	s3 =	simm.s32 @!p0 $0x1082;
	s9 =	sld [smem:$0x3FB7]  }
0x2f: {  	lr =	sadd.s32 s0, s3;
	s0 =	sld [smem:$0x3FAE]  }
0x30: {  	s3 =	sld [smem:$0x3FB1]  }
0x31: {  	[smem:$0x3FBA] =	sst s10  }
0x32: {  	s10 =	sld [smem:$0x3FB8];
	_ =	sdelay $0x3  }
0x33: {  	p0 =	seq.s32 s10, $0x1;
	s10 =	sld [smem:$0x3FBA];
	_ =	sdelay $0x3  }
0x34: {  	[smem:$0x3FBA] =	sst s10  }
0x35: {  	s10 =	sld [smem:$0x3FB9];
	_ =	sdelay $0x3  }
0x36: {  	p1 =	seq.s32 s10, $0x1;
	s10 =	sld [smem:$0x3FBA];
	_ =	sdelay $0x3  }
0x37: {  	[smem:$0x3FBA] =	sst s10  }
0x38: {  	s10 =	sld [smem:$0x3FBB]  }
0x39: {  	_ = 	snop;
	(pc) =	sbr.ind lr, $3  }
0x3a: {  	_ = 	snop  }
0x3b: {  	_ = 	snop  }
0x3c: {  	p2 =	seq.s32 s10, $0x1;
	s10 =	sld [smem:$0x3FBA]  }
0x3d: {  	_ =	shalt  }
0x3e: {  	_ =	shalt  }
0x3f: {  	_ =	shalt  }
0x40: {  	_ =	shalt  }
0x41: {  	_ =	shalt  }
0x42: {  	_ =	shalt  }
0x43: {  	_ =	shalt  }
0x44: {  	_ =	shalt  }
0x45: {  	_ =	shalt  }
0x46: {  	_ =	shalt  }
0x47: {  	_ =	shalt  }
0x48: {  	_ =	shalt  }
0x49: {  	_ =	shalt  }
0x4a: {  	_ =	shalt  }
0x4b: {  	_ =	shalt  }
0x4c: {  	_ =	shalt  }
0x4d: {  	_ =	shalt  }
0x4e: {  	_ =	shalt  }
0x4f: {  	_ =	shalt  }
0x50: {  	_ =	shalt  }
0x51: {  	_ =	shalt  }
0x52: {  	_ =	shalt  }
0x53: {  	_ =	shalt  }
0x54: {  	_ =	shalt  }
0x55: {  	_ =	shalt  }
0x56: {  	_ =	shalt  }
0x57: {  	_ =	shalt  }
0x58: {  	_ =	shalt  }
0x59: {  	_ =	shalt  }
0x5a: {  	_ =	shalt  }
0x5b: {  	_ =	shalt  }
0x5c: {  	_ =	shalt  }
0x5d: {  	_ =	shalt  }
0x5e: {  	_ =	shalt  }
0x5f: {  	_ =	shalt  }
0x60: {  	_ =	shalt  }
0x61: {  	_ =	shalt  }
0x62: {  	_ =	shalt  }
0x63: {  	_ =	shalt  }
0x64: {  	_ =	shalt  }
0x65: {  	_ =	shalt  }
0x66: {  	_ =	shalt  }
0x67: {  	_ =	shalt  }
0x68: {  	_ =	shalt  }
0x69: {  	_ =	shalt  }
0x6a: {  	_ =	shalt  }
0x6b: {  	_ =	shalt  }
0x6c: {  	_ =	shalt  }
0x6d: {  	_ =	shalt  }
0x6e: {  	_ =	shalt  }
0x6f: {  	_ =	shalt  }
0x70: {  	_ =	shalt  }
0x71: {  	_ =	shalt  }
0x72: {  	_ =	shalt  }
0x73: {  	_ =	shalt  }
0x74: {  	_ =	shalt  }
0x75: {  	_ =	shalt  }
0x76: {  	_ =	shalt  }
0x77: {  	_ =	shalt  }
0x78: {  	_ =	shalt  }
0x79: {  	_ =	shalt  }
0x7a: {  	_ =	shalt  }
0x7b: {  	_ =	shalt  }
0x7c: {  	_ =	shalt  }
0x7d: {  	_ =	shalt  }
0x7e: {  	_ =	shalt  }
0x7f: {  	_ =	shalt  }
0x80: {  	_ =	shalt  }
0x81: {  	_ =	shalt  }
0x82: {  	_ =	shalt  }
0x83: {  	_ =	shalt  }
0x84: {  	_ =	shalt  }
0x85: {  	_ =	shalt  }
0x86: {  	_ =	shalt  }
0x87: {  	_ =	shalt  }
.Lfunc_end0:
.L_simem_size_0:
called_computation_lowered:
.L_overlay_start_0:
0x88: {  	s2 =	sld [smem:$0x3FD9]  }
0x89: {  	s3 =	sld [smem:$0x3FFE];
	_ =	sdelay $0x1  }
0x8a: {  	s1 =	srdreg.scid  }
0x8b: {  	s0 =	sand.u32 $0x1, s1  }
0x8c: {  	s14 =	sshll.u32 s0, $0xA;
	s2 =	sadd.s32 s3, s2  }
0x8d: {  	s2 =	sadd.s32 s2, s14  }
0x8e: {  	[smem:$0x3FC6] =	sst s2  }
0x8f: {  	_ = 	snop  }
0x90: {  	s2 =	sld [smem:$0x3FD0];
	_ =	sdelay $0x2  }
0x91: {  	s15 =	simm.s32 $0xA;
	s4 =	simm.s32 $0x10  }
0x92: {  	[smem:s4], [sflag:s15] =	dma.local [hbm:s2], $0x1  }
0x93: {  	_ =	swait.eq [sflag:s15], $0x1  }
0x94: {  	s16 =	sld [smem:$0x11]  }
0x95: {  	s17 =	sld [smem:$0x13];
	[sflag:s15] =	ssyncset.done $0x0  }
0x96: {  	s5 =	sld [smem:$0x14];
	[sflag:s15] =	ssyncadd.s32 $0xFFFFFFFF  }
0x97: {  	s18 =	sld [smem:$0x15];
	(tm) =	ssettm $0x1  }
0x98: {  	s6 =	sld [smem:$0x3FFB];
	_ =	sdelay $0x3  }
0x99: {  	_ =	strace s6  }
0x9a: {  	s6 =	sld [smem:$0x3FFC];
	_ =	sdelay $0x3  }
0x9b: {  	_ =	strace s6  }
0x9c: {  	s6 =	sld [smem:$0x3FFD];
	_ =	sdelay $0x3  }
0x9d: {  	_ =	strace s6  }
0x9e: {  	_ =	strace $0x8FFFFFFF  }
0x9f: {  	s19 =	sld [smem:$0x3FDB];
	_ =	sdelay $0x1  }
0xa0: {  	s7 =	simm.s32 $_scs_section_size  }
0xa1: {  	s8 =	simm.s32 $_size__tile_overlayer_lowered;
	s9 =	simm.s32 $_tile_overlayer_lowered  }
0xa2: {  	s22 =	simm.s32 $0x1BFF;
	s21 =	sshll.u32 s9, $0x1;
	s6 =	sadd.s32 s7, s19  }
0xa3: {  	s10 =	simm.s32 $0x0;
	s20 =	sshll.u32 s8, $0x1;
	s8 =	sadd.s32 s21, s6  }
0xa4: {  	[timem:s10], [sflag:s22] =	dma.local [hbm:s8], s20  }
0xa5: {  	_ =	swait.ge [sflag:s22], s20  }
0xa6: {  	s7 =	ssub.s32 $0x0, s20;
	[sflag:s22] =	ssyncset.done $0x0  }
0xa7: {  	[sflag:s22] =	ssyncadd.s32 s7;
	_ =	sdelay $0x1  }
0xa8: {  	s23 =	simm.s32 $0x1B8B  }
0xa9: {  	_ =	swait.ge [sflag:s23], $0x1  }
0xaa: {  	[sflag:s23] =	ssyncset.done $0x0  }
0xab: {  	s25 =	simm.s32 $0x1B8E;
	s24 =	sld [smem:$0x3FFE];
	[sflag:s23] =	ssyncadd.s32 $0xFFFFFFFF  }
0xac: {  	s26 =	simm.s32 $execute0_lowered;
	[smem:$0x3FD2] =	sst s25  }
0xad: {  	s8 =	sshll.u32 s26, $0x1;
	_ =	strace $0x80000046;
	[dreg:$0x1] =	wrdreg $0xFFFFFFFF  }
0xae: {  	s28 =	simm.s32 $_size_execute0_lowered;
	s6 =	sadd.s32 s6, s8;
	[dreg:$0x0] =	wrdreg $0x0  }
0xaf: {  	s8 =	sshll.u32 s28, $0x1;
	[dreg:$0x2] =	wrdreg s6  }
0xb0: {  	[dreg:$0x3] =	wrdreg s8  }
0xb1: {  	[dreg:$0x4] =	wrdreg $0xC0  }
0xb2: {  	_ =	task [dreg:s10], $0x5FFFF  }
0xb3: {  	[dreg:$0x1] =	wrdreg $0xFFFFFFFF  }
0xb4: {  	[dreg:$0x0] =	wrdreg $0x60  }
0xb5: {  	[dreg:$0x2] =	wrdreg s24  }
0xb6: {  	[dreg:$0x3] =	wrdreg s16  }
0xb7: {  	[dreg:$0x4] =	wrdreg s18  }
0xb8: {  	[dreg:$0x5] =	wrdreg s5  }
0xb9: {  	[dreg:$0x6] =	wrdreg s17  }
0xba: {  	[dreg:$0x7] =	wrdreg $0x9  }
0xbb: {  	_ =	task.clear_ibuf [dreg:s10], $0x8FFFF;
	_ =	strace $0x90000046  }
0xbc: {  	s29 =	simm.s32 $0x9;
	_ =	strace $0x80000048  }
0xbd: {  	_ =	swait.ge [sflag:s29], $0x1  }
0xbe: {  	[sflag:s29] =	ssyncadd.s32 $0xFFFFFFFF  }
0xbf: {  	_ =	strace $0x90000048  }
0xc0: {  	_ =	sfence  }
0xc1: {  	s30 =	sld [smem:$0x0];
	_ =	sdelay $0x2  }
0xc2: {  	s31 =	sshll.u32 s1, $0xD;
	s1 =	sshrl.u32 s1, $0x2  }
0xc3: {  	s3 =	sand.u32 $0x4000, s31;
	s1 =	sadd.s32 s1, s30  }
0xc4: {  	s0 =	sor.u32 s3, s0;
	s1 =	sshll.u32 s1, $0x11  }
0xc5: {  	s0 =	sor.u32 s1, s0  }
0xc6: {  	s0 =	sadd.s32 $0x8F2B, s0  }
0xc7: {  	[sflag:s0] =	ssyncadd.remote.s32 $0x1  }
0xc8: {  	_ =	sfence.sel $0xFFFF  }
0xc9: {  	[dreg:$0x0] =	wrdreg $0xFFFFFFFF;
	(pc) =	sbr.abs _section_cstart, $3  }
0xca: {  	[dreg:$0x1] =	wrdreg $0xFFFFFFFF  }
0xcb: {  	_ =	task.clear_ibuf [dreg:s10], $0x2FFFF;
	_ =	strace $0x9FFFFFFF  }
0xcc: {  	(tm) =	ssettm $0x7FFFFFFF  }
0xcd: {  	_ =	shalt  }
tec
execute0_lowered:
.L_overlay_start_1:
0x0: {  	(tag) =	ssettag $0x1  }
0x1: {  	s0 =	rddreg [dreg:$0x0]  }
0x2: {  	s1 =	rddreg [dreg:$0x2]  }
0x3: {  	s2 =	rddreg [dreg:$0x3];
	s3 =	srdreg.scid  }
0x4: {  	s4 =	stileid.u32;
	s5 =	rddreg [dreg:$0x4];
	s15 =	simm.s32 $0x1  }
0x5: {  	s18 =	simm.s32 $0xC800;
	s21 =	simm.s32 $0x0;
	s6 =	sand.u32 $0x1, s3  }
0x6: {  	s4 =	sshll.u32 s4, $0x1;
	s3 =	simm.s32 $0x0;
	s8 =	sadd.s32 $0x1200, s0  }
0x7: {  	s31 =	sadd.s32 $0x1600, s0;
	s9 =	sadd.s32 $0x1A00, s0;
	s7 =	sor.u32 s6, s4  }
0x8: {  	vm0 =	vmmov $0x1;
	v1 =	vimm.s32 $0x0;
	s10 =	sadd.s32 $0x1E00, s0;
	s11 =	sadd.s32 $0x2200, s0;
	s4 =	smul.u32 $0x140, s7  }
0x9: {  	v1 =	vsel vm0, $0xFFFFFFFF, v1;
	[smem:$0x7FF] =	sst s3;
	s6 =	ssub.s32 $0x2, s6;
	s7 =	smul.u32 $0x1400, s7  }
.Ltmp0:
0xa: {  	vm14 =	vmmov $0x3;
	_ =	strace $0x80000047;
	[dreg:$0x6] =	wrdreg s8;
	[tilespmem:$0x1FFD0] =	vst v1;
	v1 =	vimm.s32 $0x0;
	(pc) =	sbr.rel .LBB2_1-.Ltmp0, $4  }
0xb: {  	s29 =	sshrl.u32 s6, $0x1;
	[dreg:$0x9] =	wrdreg s31;
	v1 =	vsel vm14, $0xFFFFFFFF, v1;
	s13 =	sshrl.u32 s4, $0x3  }
0xc: {  	vm15 =	vmmov $0x7;
	s6 =	ssub.s32 s6, s29;
	s12 =	sadd.s32 s7, s0;
	[tilespmem:$0x1FFE0] =	vst v1;
	v1 =	vimm.s32 $0x0;
	s1 =	sadd.s32 s1, s13  }
0xd: {  	s14 =	smax.u32 s6, $0x1;
	s30 =	sadd.s32 s2, s13;
	v1 =	vsel vm15, $0xFFFFFFFF, v1;
	[dreg:$0x7] =	wrdreg s1  }
0xe: {  	v0 =	vlaneseq.u32;
	s12 =	sadd.s32 $0x2600, s12;
	s13 =	sadd.s32 s5, s13;
	[dreg:$0x8] =	wrdreg s30;
	[tilespmem:$0x1FFF0] =	vst v1;
	v1 =	vmov s4  }
.LBB2_55:
0xf: {  	s0 =	simm.s32 $0xEB00  }
0x10: {  	[hbm4b:s12+s3] =	stream.linear.scatter [tilespmem:s0], [sflag:$0x1], $0xA000, $0x38;
	[tilespmem:$0x18C80] =	vst v63  }
0x11: {  	s21 =	sadd.s32 $0x1, s21;
	_ =	swait.ge [sflag:s15], $0xA000  }
0x12: {  	p0 =	sne.s32 s21, s14;
	[sflag:s15] =	ssyncset.done $0x0  }
.Ltmp1:
0x13: {  	s31 =	simm.s32 $0x18B00;
	[sflag:s15] =	ssyncadd.s32 $0xFFFF6000;
	(pc) =	sbr.rel @!p0 .LBB2_56-.Ltmp1, $4  }
0x14: {  	[hbm4b:s13+s3] =	stream.linear.scatter [tilespmem:s31], [sflag:$0x1], $0x140, $0x38;
	[tilespmem:$0x18C80] =	vst v63  }
0x15: {  	_ =	swait.ge [sflag:s15], $0x140  }
0x16: {  	[sflag:s15] =	ssyncset.done $0x0  }
0x17: {  	[sflag:s15] =	ssyncadd.s32 $0xFFFFFEC0  }
.LBB2_1:
0x18: {  	s0 =	rddreg [dreg:$0x1]  }
0x19: {  	[tilespmem:s3], [sflag:$0x1] =	stream.linear.gather [hbm4b:s0+s3], $0xA000, $0x38;
	[tilespmem:$0x18C80] =	vst v63  }
0x1a: {  	_ =	swait.ge [sflag:s15], $0xA000  }
0x1b: {  	[sflag:s15] =	ssyncset.done $0x0  }
0x1c: {  	s1 =	simm.s32 $0xE800;
	s25 =	rddreg [dreg:$0x7];
	[sflag:s15] =	ssyncadd.s32 $0xFFFF6000  }
0x1d: {  	[tilespmem:s1], [sflag:$0x1] =	stream.linear.gather [hbm4b:s25+s3], $0x140, $0x38;
	[tilespmem:$0x18C80] =	vst v63  }
0x1e: {  	_ =	swait.ge [sflag:s15], $0x140  }
0x1f: {  	[sflag:s15] =	ssyncset.done $0x0  }
0x20: {  	s28 =	simm.s32 $0xE980;
	s26 =	rddreg [dreg:$0x8];
	[sflag:s15] =	ssyncadd.s32 $0xFFFFFEC0  }
0x21: {  	[tilespmem:s28], [sflag:$0x1] =	stream.linear.gather [hbm4b:s26+s3], $0x140, $0x38;
	[tilespmem:$0x18C80] =	vst v63  }
0x22: {  	_ =	swait.ge [sflag:s15], $0x140  }
0x23: {  	[sflag:s15] =	ssyncset.done $0x0  }
0x24: {  	s29 =	rddreg [dreg:$0x6];
	[sflag:s15] =	ssyncadd.s32 $0xFFFFFEC0  }
0x25: {  	[tilespmem:s18], [sflag:$0x1] =	stream.linear.gather [hbm4b:s29+s3], $0x2000, $0x38;
	[tilespmem:$0x18C80] =	vst v63  }
0x26: {  	s30 =	sand.u32 $0x70, s3;
	s31 =	sand.u32 $0x1E00, s3;
	_ =	swait.ge [sflag:s15], $0x2000  }
0x27: {  	s2 =	simm.s32 $0x0;
	s5 =	sor.u32 s30, s31;
	[sflag:s15] =	ssyncset.done $0x0  }
0x28: {  	s0 =	simm.s32 $0x0;
	s1 =	simm.s32 $0x10;
	[sflag:s15] =	ssyncadd.s32 $0xFFFFE000  }
.LBB2_2:
0x29: {  	p0 =	sne.s32 s1, $0x7F0;
	v2 =	vld [tilespmem:s5+$0xC800]  }
0x2a: {  	v3 =	vld [tilespmem:s5+$0xC880];
	_ =	sdelay $0x1  }
0x2b: {  	v4 =	vld [tilespmem:s5+$0xC900];
	_ =	sdelay $0x2  }
0x2c: {  	v2 =	vmul.f32 v2, v2;
	v3 =	vmul.f32 v3, v3;
	_ =	sdelay $0x1  }
.Ltmp2:
0x2d: {  	v2 =	vadd.f32 v3, v2;
	v3 =	vmul.f32 v4, v4;
	(pc) =	sbr.rel @p0 .LBB2_2-.Ltmp2, $4  }
0x2e: {  	_ = 	snop  }
0x2f: {  	s2 =	sadd.s32 $0x40, s2;
	v2 =	vadd.f32 v3, v2  }
0x30: {  	s0 =	sshra.s32 s0, $0x2;
	s6 =	sand.u32 $0x1E00, s2;
	s5 =	sand.u32 $0x70, s1  }
0x31: {  	s1 =	sadd.s32 $0x10, s1;
	s5 =	sor.u32 s5, s6;
	[tilespmem:s0+$0xA000] =	vst v2;
	s0 =	smov.u32 s2  }
0x32: {  	v2 =	vld [tilespmem:s5+$0xC800]  }
0x33: {  	v3 =	vld [tilespmem:s5+$0xC880];
	_ =	sdelay $0x1  }
0x34: {  	v4 =	vld [tilespmem:s5+$0xC900];
	_ =	sdelay $0x2  }
0x35: {  	v2 =	vmul.f32 v2, v2;
	v3 =	vmul.f32 v3, v3;
	_ =	sdelay $0x1  }
0x36: {  	v2 =	vadd.f32 v3, v2;
	v3 =	vmul.f32 v4, v4;
	_ =	sdelay $0x1  }
0x37: {  	v2 =	vadd.f32 v3, v2  }
0x38: {  	s0 =	sshra.s32 s0, $0x2  }
0x39: {  	s1 =	rddreg [dreg:$0x9];
	[tilespmem:s0+$0xA000] =	vst v2;
	s0 =	simm.s32 $0x0  }
0x3a: {  	[tilespmem:s18], [sflag:$0x1] =	stream.linear.gather [hbm4b:s1+s0], $0x2000, $0x38;
	[tilespmem:$0x18C80] =	vst v63  }
0x3b: {  	s31 =	sand.u32 $0x70, s0;
	_ =	swait.ge [sflag:s15], $0x2000  }
0x3c: {  	s2 =	sand.u32 $0x1E00, s0;
	s1 =	simm.s32 $0x0;
	[sflag:s15] =	ssyncset.done $0x0  }
0x3d: {  	s5 =	sor.u32 s31, s2;
	s2 =	simm.s32 $0x10;
	[sflag:s15] =	ssyncadd.s32 $0xFFFFE000  }
.LBB2_4:
0x3e: {  	p0 =	sne.s32 s2, $0x7F0;
	v2 =	vld [tilespmem:s5+$0xC800]  }
0x3f: {  	v3 =	vld [tilespmem:s5+$0xC880];
	_ =	sdelay $0x1  }
0x40: {  	v4 =	vld [tilespmem:s5+$0xC900];
	_ =	sdelay $0x2  }
0x41: {  	v2 =	vmul.f32 v2, v2;
	v3 =	vmul.f32 v3, v3;
	_ =	sdelay $0x1  }
.Ltmp3:
0x42: {  	v2 =	vadd.f32 v3, v2;
	v3 =	vmul.f32 v4, v4;
	(pc) =	sbr.rel @p0 .LBB2_4-.Ltmp3, $4  }
0x43: {  	_ = 	snop  }
0x44: {  	s0 =	sadd.s32 $0x40, s0;
	v2 =	vadd.f32 v3, v2  }
0x45: {  	s1 =	sand.u32 $0x7F0, s1;
	s6 =	sand.u32 $0x1E00, s0;
	s5 =	sand.u32 $0x70, s2  }
0x46: {  	s5 =	sor.u32 s5, s6;
	[tilespmem:s1+$0xA800] =	vst v2;
	s1 =	smov.u32 s2;
	s2 =	sadd.s32 $0x10, s2  }
0x47: {  	v2 =	vld [tilespmem:s5+$0xC800]  }
0x48: {  	v3 =	vld [tilespmem:s5+$0xC880];
	_ =	sdelay $0x1  }
0x49: {  	v4 =	vld [tilespmem:s5+$0xC900];
	_ =	sdelay $0x2  }
0x4a: {  	v2 =	vmul.f32 v2, v2;
	v3 =	vmul.f32 v3, v3;
	_ =	sdelay $0x1  }
0x4b: {  	v2 =	vadd.f32 v3, v2;
	v3 =	vmul.f32 v4, v4;
	_ =	sdelay $0x1  }
0x4c: {  	v2 =	vadd.f32 v3, v2  }
0x4d: {  	s0 =	sand.u32 $0x7F0, s1  }
0x4e: {  	[tilespmem:s0+$0xA800] =	vst v2;
	s0 =	simm.s32 $0x0  }
0x4f: {  	[tilespmem:s18], [sflag:$0x1] =	stream.linear.gather [hbm4b:s9+s0], $0x2000, $0x38;
	[tilespmem:$0x18C80] =	vst v63  }
0x50: {  	s1 =	simm.s32 $0x0;
	_ =	swait.ge [sflag:s15], $0x2000  }
0x51: {  	s31 =	sand.u32 $0x70, s0;
	s2 =	sand.u32 $0x1E00, s0;
	[sflag:s15] =	ssyncset.done $0x0  }
0x52: {  	s5 =	sor.u32 s31, s2;
	s2 =	simm.s32 $0x10;
	[sflag:s15] =	ssyncadd.s32 $0xFFFFE000  }
.LBB2_6:
0x53: {  	p0 =	sne.s32 s2, $0x7F0;
	v2 =	vld [tilespmem:s5+$0xC800]  }
0x54: {  	v3 =	vld [tilespmem:s5+$0xC880];
	_ =	sdelay $0x1  }
0x55: {  	v4 =	vld [tilespmem:s5+$0xC900];
	_ =	sdelay $0x2  }
0x56: {  	v2 =	vmul.f32 v2, v2;
	v3 =	vmul.f32 v3, v3;
	_ =	sdelay $0x1  }
.Ltmp4:
0x57: {  	v2 =	vadd.f32 v3, v2;
	v3 =	vmul.f32 v4, v4;
	(pc) =	sbr.rel @p0 .LBB2_6-.Ltmp4, $4  }
0x58: {  	_ = 	snop  }
0x59: {  	s0 =	sadd.s32 $0x40, s0;
	v2 =	vadd.f32 v3, v2  }
0x5a: {  	s1 =	sand.u32 $0x7F0, s1;
	s6 =	sand.u32 $0x1E00, s0;
	s5 =	sand.u32 $0x70, s2  }
0x5b: {  	s5 =	sor.u32 s5, s6;
	[tilespmem:s1+$0xB000] =	vst v2;
	s1 =	smov.u32 s2;
	s2 =	sadd.s32 $0x10, s2  }
0x5c: {  	v2 =	vld [tilespmem:s5+$0xC800]  }
0x5d: {  	v3 =	vld [tilespmem:s5+$0xC880];
	_ =	sdelay $0x1  }
0x5e: {  	v4 =	vld [tilespmem:s5+$0xC900];
	_ =	sdelay $0x2  }
0x5f: {  	v2 =	vmul.f32 v2, v2;
	v3 =	vmul.f32 v3, v3;
	_ =	sdelay $0x1  }
0x60: {  	v2 =	vadd.f32 v3, v2;
	v3 =	vmul.f32 v4, v4;
	_ =	sdelay $0x1  }
0x61: {  	v2 =	vadd.f32 v3, v2  }
0x62: {  	s0 =	sand.u32 $0x7F0, s1  }
0x63: {  	[tilespmem:s0+$0xB000] =	vst v2;
	s0 =	simm.s32 $0x0  }
0x64: {  	[tilespmem:s18], [sflag:$0x1] =	stream.linear.gather [hbm4b:s10+s0], $0x2000, $0x38;
	[tilespmem:$0x18C80] =	vst v63  }
0x65: {  	s1 =	simm.s32 $0x0;
	_ =	swait.ge [sflag:s15], $0x2000  }
0x66: {  	s31 =	sand.u32 $0x70, s0;
	s2 =	sand.u32 $0x1E00, s0;
	[sflag:s15] =	ssyncset.done $0x0  }
0x67: {  	s5 =	sor.u32 s31, s2;
	s2 =	simm.s32 $0x10;
	[sflag:s15] =	ssyncadd.s32 $0xFFFFE000  }
.LBB2_8:
0x68: {  	p0 =	sne.s32 s2, $0x7F0;
	v2 =	vld [tilespmem:s5+$0xC800]  }
0x69: {  	v3 =	vld [tilespmem:s5+$0xC880];
	_ =	sdelay $0x1  }
0x6a: {  	v4 =	vld [tilespmem:s5+$0xC900];
	_ =	sdelay $0x2  }
0x6b: {  	v2 =	vmul.f32 v2, v2;
	v3 =	vmul.f32 v3, v3;
	_ =	sdelay $0x1  }
.Ltmp5:
0x6c: {  	v2 =	vadd.f32 v3, v2;
	v3 =	vmul.f32 v4, v4;
	(pc) =	sbr.rel @p0 .LBB2_8-.Ltmp5, $4  }
0x6d: {  	_ = 	snop  }
0x6e: {  	s0 =	sadd.s32 $0x40, s0;
	v2 =	vadd.f32 v3, v2  }
0x6f: {  	s1 =	sand.u32 $0x7F0, s1;
	s6 =	sand.u32 $0x1E00, s0;
	s5 =	sand.u32 $0x70, s2  }
0x70: {  	s5 =	sor.u32 s5, s6;
	[tilespmem:s1+$0xB800] =	vst v2;
	s1 =	smov.u32 s2;
	s2 =	sadd.s32 $0x10, s2  }
0x71: {  	v2 =	vld [tilespmem:s5+$0xC800]  }
0x72: {  	v3 =	vld [tilespmem:s5+$0xC880];
	_ =	sdelay $0x1  }
0x73: {  	v4 =	vld [tilespmem:s5+$0xC900];
	_ =	sdelay $0x2  }
0x74: {  	v2 =	vmul.f32 v2, v2;
	v3 =	vmul.f32 v3, v3;
	_ =	sdelay $0x1  }
0x75: {  	v2 =	vadd.f32 v3, v2;
	v3 =	vmul.f32 v4, v4;
	_ =	sdelay $0x1  }
0x76: {  	v2 =	vadd.f32 v3, v2  }
0x77: {  	s0 =	sand.u32 $0x7F0, s1  }
0x78: {  	s22 =	simm.s32 $0x0;
	[tilespmem:s0+$0xB800] =	vst v2  }
0x79: {  	[tilespmem:s18], [sflag:$0x1] =	stream.linear.gather [hbm4b:s11+s22], $0x2000, $0x38;
	[tilespmem:$0x18C80] =	vst v63  }
0x7a: {  	s1 =	simm.s32 $0x10;
	s2 =	simm.s32 $0x0;
	_ =	swait.ge [sflag:s15], $0x2000  }
0x7b: {  	s30 =	sand.u32 $0x70, s22;
	s31 =	sand.u32 $0x1E00, s22;
	[sflag:s15] =	ssyncset.done $0x0  }
0x7c: {  	s5 =	sor.u32 s30, s31;
	s0 =	simm.s32 $0x0;
	[sflag:s15] =	ssyncadd.s32 $0xFFFFE000  }
.LBB2_10:
0x7d: {  	p0 =	sne.s32 s1, $0x7F0;
	v2 =	vld [tilespmem:s5+$0xC800]  }
0x7e: {  	v3 =	vld [tilespmem:s5+$0xC880];
	_ =	sdelay $0x1  }
0x7f: {  	v4 =	vld [tilespmem:s5+$0xC900];
	_ =	sdelay $0x2  }
0x80: {  	v2 =	vmul.f32 v2, v2;
	v3 =	vmul.f32 v3, v3;
	_ =	sdelay $0x1  }
.Ltmp6:
0x81: {  	v2 =	vadd.f32 v3, v2;
	v3 =	vmul.f32 v4, v4;
	(pc) =	sbr.rel @p0 .LBB2_10-.Ltmp6, $4  }
0x82: {  	_ = 	snop  }
0x83: {  	s2 =	sadd.s32 $0x40, s2;
	v2 =	vadd.f32 v3, v2  }
0x84: {  	s0 =	sand.u32 $0x7F0, s0;
	s6 =	sand.u32 $0x1E00, s2;
	s5 =	sand.u32 $0x70, s1  }
0x85: {  	s5 =	sor.u32 s5, s6;
	[tilespmem:s0+$0xC000] =	vst v2;
	s0 =	smov.u32 s1;
	s1 =	sadd.s32 $0x10, s1  }
0x86: {  	v2 =	vld [tilespmem:s5+$0xC800]  }
0x87: {  	v3 =	vld [tilespmem:s5+$0xC880];
	_ =	sdelay $0x1  }
0x88: {  	v4 =	vld [tilespmem:s5+$0xC900];
	_ =	sdelay $0x2  }
0x89: {  	v2 =	vmul.f32 v2, v2;
	v3 =	vmul.f32 v3, v3;
	_ =	sdelay $0x1  }
.Ltmp7:
0x8a: {  	v2 =	vadd.f32 v3, v2;
	v3 =	vmul.f32 v4, v4;
	(pc) =	sbr.rel .LBB2_12-.Ltmp7, $4  }
0x8b: {  	_ = 	snop  }
0x8c: {  	v2 =	vadd.f32 v3, v2  }
0x8d: {  	s0 =	sand.u32 $0x7F0, s0  }
0x8e: {  	[tilespmem:s0+$0xC000] =	vst v2  }
.LBB2_44:
0x8f: {  	v42 =	vmov v29;
	v48 =	vimm.f32 $3.000000010e+38;
	v49 =	vimm.s32 $0x0  }
.LBB2_53:
0x90: {  	v11 =	vsel @p1 vm15, v48, v43;
	v12 =	vsel @p1 vm15, v49, v44  }
0x91: {  	v9, v10, _ =	vpop @p1 (xrf1);
	(xrf1) =	vsort.ascd.msk.f32 @p1 $0xffff, v11, v12  }
0x92: {  	v13, v14, _ =	vpop @p2 (xrf1)  }
0x93: {  	vm6 =	vge.s32 v42, v4;
	v11 =	vpsel p2, v13, v3  }
0x94: {  	(xrf1) =	vsort.dscd.msk.f32 @p0 $0xffff, v34, v29;
	v14 =	vpsel p2, v14, v2;
	vm5 =	vle.f32 @p1 v11, v47;
	v12, v13, _ =	vpop @p0 (xrf1)  }
0x95: {  	(xrf1) =	vsort.dscd.msk.f32 @p0 $0xffff, v37, v29;
	v11 =	vsel @p1 vm5, v11, v47;
	v4, v15, _ =	vpop @p2 (xrf1);
	v14 =	vsel @p1 vm5, v14, v46  }
0x96: {  	vm2 =	vmor vm2, vm6;
	v4 =	vpsel p2, v4, v3;
	(xrf1) =	vsort.ascd.msk.f32 @p1 $0xffff, v11, v14  }
0x97: {  	v11 =	vsel vm2, $0x7F61B1E6, v39;
	v14 =	vpsel p2, v15, v2;
	vm2 =	vle.f32 @p1 v4, v9  }
0x98: {  	(xrf1) =	vsort.dscd.msk.f32 $0xffff, v11, v42;
	v10 =	vsel @p1 vm2, v14, v10;
	v4 =	vsel @p1 vm2, v4, v9  }
0x99: {  	(xrf1) =	vsort.ascd.msk.f32 @p1 $0xffff, v4, v10;
	_ =	sdelay $0x1  }
0x9a: {  	v7 =	vadd.f32 v19, v7  }
0x9b: {  	vm6 =	vlt.s32 v42, v6;
	vm2 =	vge.s32 v42, v8;
	v8, v9, _ =	vpop @p0 (xrf1)  }
0x9c: {  	v7 =	vsub.f32 v7, v41;
	vm1 =	vmor vm6, vm1;
	v6, v10, _ =	vpop @p1 (xrf1)  }
0x9d: {  	vm5 =	vge.s32 v42, v5;
	v5 =	vadd.f32 v33, v40;
	v6 =	vpsel p1, v6, v3  }
0x9e: {  	v7 =	vsel vm1, $0x7F61B1E6, v7;
	v10 =	vpsel p1, v10, v2;
	vm6 =	vle.f32 @p0 v6, v8;
	v11, v14, _ =	vpop @p1 (xrf1)  }
0x9f: {  	v13 =	vpsel p0, v13, v31;
	v9 =	vsel @p0 vm6, v10, v9;
	v10 =	vpsel p1, v11, v3  }
0xa0: {  	vm1 =	vmor vm3, vm2;
	(xrf1) =	vsort.dscd.msk.f32 $0xffff, v7, v42;
	v6 =	vsel @p0 vm6, v6, v8;
	vm2 =	vle.f32 @p0 v10, v12  }
0xa1: {  	(xrf1) =	vsort.ascd.msk.f32 @p0 $0xffff, v6, v9;
	v6 =	vpsel p0, v12, v32;
	v7, v8, _ =	vpop @p0 (xrf1);
	v12 =	vpsel p1, v14, v2;
	vm4 =	vmmov @p0 vm2  }
0xa2: {  	v9, v11, _ =	vpop @p0 (xrf1);
	v7 =	vpsel p0, v7, v36;
	v6 =	vsel @p0 vm4, v10, v6;
	v10 =	vsel @p0 vm4, v12, v13  }
0xa3: {  	v5 =	vsub.f32 v30, v5;
	v14, v15, _ =	vpop @p1 (xrf1);
	(xrf1) =	vsort.ascd.msk.f32 @p0 $0xffff, v6, v10  }
0xa4: {  	vm0 =	vmor vm0, vm5;
	v4 =	vsub.f32 v38, v45;
	v12 =	vpsel p1, v14, v3  }
0xa5: {  	v5 =	vsel vm1, $0x7F61B1E6, v5;
	v8 =	vpsel p0, v8, v35;
	v62, v63, _ =	vpop (xrf1);
	vm1 =	vle.f32 @p0 v12, v7  }
0xa6: {  	v4 =	vsel vm0, $0x7F61B1E6, v4;
	v10 =	vpsel p1, v15, v2;
	(xrf1) =	vsort.dscd.msk.f32 $0xffff, v5, v42;
	v5 =	vsel @p0 vm1, v12, v7;
	v6, v7, _ =	vpop @p1 (xrf1)  }
0xa7: {  	(xrf1) =	vsort.dscd.msk.f32 $0xffff, v4, v42;
	v4 =	vsel @p0 vm1, v10, v8;
	v6 =	vpsel p1, v6, v3  }
0xa8: {  	v7 =	vpsel p1, v7, v2;
	(xrf1) =	vsort.ascd.msk.f32 @p0 $0xffff, v5, v4;
	vm0 =	vle.f32 @p0 v6, v9  }
0xa9: {  	v4 =	vsel @p0 vm0, v7, v11;
	v5 =	vsel @p0 vm0, v6, v9  }
0xaa: {  	(xrf1) =	vsort.ascd.msk.f32 @p0 $0xffff, v5, v4;
	_ =	sdelay $0x3  }
0xab: {  	v4, v5, _ =	vpop (xrf1)  }
0xac: {  	v6, v7, _ =	vpop @p0 (xrf1)  }
0xad: {  	v6 =	vpsel p0, v6, v3  }
0xae: {  	vm0 =	vle.f32 v6, v4;
	v8, v9, _ =	vpop @p0 (xrf1)  }
0xaf: {  	v7 =	vpsel p0, v7, v2;
	v4 =	vsel vm0, v6, v4;
	v6 =	vpsel p0, v8, v3  }
0xb0: {  	v5 =	vsel vm0, v7, v5;
	vm0 =	vle.f32 v6, v62  }
0xb1: {  	(xrf1) =	vsort.ascd.msk.f32 $0xffff, v4, v5;
	v10, v11, _ =	vpop (xrf1);
	v4 =	vpsel p0, v9, v2;
	v6 =	vsel vm0, v6, v62  }
0xb2: {  	v7, v8, _ =	vpop (xrf1);
	v4 =	vsel vm0, v4, v63  }
0xb3: {  	v5, v9, _ =	vpop @p0 (xrf1)  }
0xb4: {  	v5 =	vpsel p0, v5, v3  }
0xb5: {  	(xrf1) =	vsort.ascd.msk.f32 $0xffff, v6, v4;
	vm0 =	vle.f32 v5, v10;
	v4, v6, _ =	vpop @p0 (xrf1)  }
0xb6: {  	v5 =	vsel vm0, v5, v10;
	v3 =	vpsel p0, v4, v3;
	v4 =	vpsel p0, v9, v2  }
0xb7: {  	v2 =	vpsel p0, v6, v2;
	vm1 =	vle.f32 v3, v7;
	v4 =	vsel vm0, v4, v11  }
0xb8: {  	v2 =	vsel vm1, v2, v8;
	(xrf1) =	vsort.ascd.msk.f32 $0xffff, v5, v4;
	v3 =	vsel vm1, v3, v7  }
0xb9: {  	(xrf1) =	vsort.ascd.msk.f32 $0xffff, v3, v2;
	_ =	sdelay $0xa  }
0xba: {  	v2, v7, _ =	vpop (xrf1)  }
0xbb: {  	v2, v5, _ =	vpop (xrf1)  }
0xbc: {  	v2, v6, _ =	vpop (xrf1)  }
0xbd: {  	v2, v8, _ =	vpop (xrf1)  }
0xbe: {  	v2 =	vld [tilespmem:$0x1FFA0];
	_ =	sdelay $0x4  }
0xbf: {  	vm6 =	vnez.u8 v2;
	v2 =	vld [tilespmem:$0x1FF90];
	_ =	sdelay $0x4  }
0xc0: {  	vm15 =	vnez.u8 v2  }
.LBB2_54:
0xc1: {  	v9 =	vld [tilespmem:$0x1FFD0];
	_ =	sdelay $0x3  }
0xc2: {  	v2 =	vmpcnt.ones.xlane vm6;
	v3 =	vmpcnt.ones.xlane vm15  }
0xc3: {  	v4 =	vld [tilespmem:$0x1FFB0];
	vm4 =	vnez.u8 v9  }
0xc4: {  	v2 =	vsel vm4, v2, v3;
	v3 =	vld [tilespmem:$0x1FFC0]  }
0xc5: {  	v54 =	vld [tilespmem:$0x1FFE0]  }
0xc6: {  	v56 =	vld [tilespmem:$0x1FFF0]  }
0xc7: {  	v55 =	vmpcnt.ones.xlane vm7  }
0xc8: {  	vm15 =	vmmov $0xf;
	v57 =	vmpcnt.ones.xlane vm9;
	vm0 =	vnez.u8 v4  }
0xc9: {  	v58 =	vmpcnt.ones.xlane vm11;
	v4 =	vmpcnt.ones.xlane vm0;
	vm5 =	vnez.u8 v3  }
0xca: {  	v59 =	vmpcnt.ones.xlane vm14;
	vm6 =	vnez.u8 v54;
	v3 =	vmpcnt.ones.xlane vm5  }
0xcb: {  	s0 =	sor.u32 $0xC, s23;
	vm9 =	vmmov $0x3ff;
	vm7 =	vnez.u8 v56;
	v2 =	vsel vm6, v2, v4  }
0xcc: {  	vm11 =	vmmov $0xfff;
	s1 =	sadd.s32 s4, s0;
	v2 =	vsel vm7, v2, v3;
	v3 =	vmpcnt.ones.xlane vm8  }
0xcd: {  	v60 =	vmov s1;
	vm4 =	vmmov $0x1f;
	v2 =	vsel vm15, v2, v55  }
0xce: {  	s2 =	sor.u32 $0x1, s1;
	vm5 =	vmmov $0x3f;
	v2 =	vsel vm4, v2, v3;
	v3 =	vmpcnt.ones.xlane vm10  }
0xcf: {  	v61 =	vmov s2;
	vm6 =	vmmov $0x7f;
	v2 =	vsel vm5, v2, v57  }
0xd0: {  	vm7 =	vmmov $0xff;
	v2 =	vsel vm6, v2, v3;
	v3 =	vmpcnt.ones.xlane vm12  }
0xd1: {  	s31 =	sor.u32 $0x2, s1;
	s1 =	sor.u32 $0x3, s1;
	vm1 =	vne.s32 v8, v60;
	vm8 =	vmmov $0x1ff;
	v2 =	vsel vm7, v2, v58  }
0xd2: {  	v10 =	vmov s1;
	v2 =	vsel vm8, v2, v3;
	v3 =	vmpcnt.ones.xlane vm13  }
0xd3: {  	vm2 =	vne.s32 v7, v61;
	vm10 =	vmmov $0x7ff;
	v2 =	vsel vm9, v2, v59  }
0xd4: {  	s22 =	sadd.s32 $0x1, s22;
	s0 =	sshll.u32 s0, $0x7;
	v4 =	vmpcnt.ones.xlane vm1;
	v2 =	vsel vm10, v2, v3;
	v3 =	vmov s31  }
0xd5: {  	p0 =	seq.s32 s22, $0x14;
	s0 =	sand.u32 $0x3FFFFF80, s0;
	vm3 =	vne.s32 v5, v10;
	v62 =	vmpcnt.ones.xlane vm2;
	vm12 =	vne.s32 v6, v3  }
.Ltmp8:
0xd6: {  	[tilespmem:s0+$0xEB00] =	vst.msk vm1, v8;
	vm13 =	vmmov $0x1fff;
	v2 =	vsel vm11, v2, v4;
	v3 =	vmpcnt.ones.xlane vm12;
	(pc) =	sbr.rel @p0 .LBB2_55-.Ltmp8, $4  }
0xd7: {  	vm14 =	vmmov $0x3fff;
	[tilespmem:s24+$0xF180] =	vst.msk vm2, v7;
	v63 =	vmpcnt.ones.xlane vm3;
	v2 =	vsel vm13, v2, v62  }
0xd8: {  	vm15 =	vmmov $0x7fff;
	[tilespmem:s24+$0xF200] =	vst.msk vm12, v6;
	v2 =	vsel vm14, v2, v3  }
0xd9: {  	[tilespmem:s24+$0xF280] =	vst.msk vm3, v5;
	v2 =	vsel vm15, v2, v63  }
0xda: {  	[tilespmem:s23+$0x18B00] =	vst v2  }
.LBB2_12:
0xdb: {  	s23 =	sshll.u32 s22, $0x4  }
0xdc: {  	v2 =	vld [tilespmem:s23+$0xE800];
	_ =	sdelay $0x4  }
0xdd: {  	v3 =	vld [tilespmem:s23+$0xE980];
	(v2sf) =	vpush v2, $0x0  }
0xde: {  	(v2sf) =	vpush v2, $0x1;
	_ =	sdelay $0x1  }
0xdf: {  	(v2sf) =	vpush v2, $0x2  }
0xe0: {  	s25 =	sadd.s32 s4, s23;
	(v2sf) =	vpush v2, $0x3  }
0xe1: {  	s0 =	sshll.u32 s25, $0x2;
	(v2sf) =	vpush v3, $0x0  }
0xe2: {  	s1 =	sand.u32 $0x70, s25;
	s0 =	sand.u32 $0x7FFFFE00, s0;
	(v2sf) =	vpush v3, $0x1  }
0xe3: {  	s0 =	sor.u32 s1, s0;
	(v2sf) =	vpush v3, $0x2  }
0xe4: {  	v7 =	vld [tilespmem:s0+$0x0];
	(v2sf) =	vpush v3, $0x3;
	_ =	sdelay $0x2  }
0xe5: {  	v5 =	vld [tilespmem:s0+$0x80]  }
0xe6: {  	v6 =	vld [tilespmem:s0+$0x100]  }
0xe7: {  	(v2sf) =	vpush v7, $0x0;
	_ =	sdelay $0x1  }
0xe8: {  	s0 =	spop (v2sf)  }
0xe9: {  	(v2sf) =	vpush v5, $0x0;
	s1 =	spop (v2sf)  }
0xea: {  	(v2sf) =	vpush v6, $0x0;
	p0 =	slt.s32 s0, s1  }
0xeb: {  	s2 =	spop (v2sf);
	s1 =	smov.u32 @p0 s0  }
0xec: {  	(v2sf) =	vpush v7, $0x1;
	s5 =	spop (v2sf);
	p0 =	slt.s32 s1, s2  }
0xed: {  	s6 =	spop (v2sf);
	s2 =	smov.u32 @p0 s1  }
0xee: {  	(v2sf) =	vpush v5, $0x1;
	s16 =	spop (v2sf);
	p1 =	slt.s32 s2, s5  }
0xef: {  	(v2sf) =	vpush v6, $0x1;
	s19 =	spop (v2sf);
	p0 =	sgt.s32 s6, s16;
	s5 =	smov.u32 @p1 s2  }
0xf0: {  	(v2sf) =	vpush v7, $0x2;
	s20 =	spop (v2sf);
	s16 =	smov.u32 @p0 s6;
	s6 =	sand.u32 $0xF, s5  }
0xf1: {  	(v2sf) =	vpush v5, $0x2;
	s2 =	sshra.s32 s5, $0x1F;
	p3 =	slt.s32 s5, $0x1;
	p4 =	sne.s32 s6, $0x0  }
0xf2: {  	(v2sf) =	vpush v6, $0x2;
	p1 =	sgt.s32 s16, s19;
	s2 =	sshrl.u32 s2, $0x1C;
	p0 =	por !p3, !p4  }
0xf3: {  	(v2sf) =	vpush v7, $0x3;
	s2 =	sadd.s32 s2, s5;
	s5 =	simm.s32 $0x1;
	p0 =	por !p0, !p0  }
0xf4: {  	(v2sf) =	vpush v5, $0x3;
	s19 =	smov.u32 @p1 s16;
	s2 =	sshra.s32 s2, $0x4;
	s5 =	simm.s32 @!p0 $0x0  }
0xf5: {  	s0 =	spop (v2sf);
	(v2sf) =	vpush v6, $0x3;
	p0 =	sgt.s32 s19, s20;
	s2 =	ssub.s32 s2, s5  }
0xf6: {  	s20 =	smov.u32 @p0 s19;
	s24 =	sshll.u32 s2, $0x4  }
0xf7: {  	s7 =	ssub.s32 s20, s24  }
0xf8: {  	s1 =	spop (v2sf);
	s6 =	sadd.s32 $0xF, s7  }
0xf9: {  	s16 =	spop (v2sf);
	s8 =	sand.u32 $0xF, s6  }
0xfa: {  	s26 =	sshra.s32 s6, $0x1F;
	p5 =	slt.s32 s6, $0x1;
	p6 =	sne.s32 s8, $0x0  }
0xfb: {  	s17 =	spop (v2sf);
	s7 =	sshrl.u32 s26, $0x1C;
	p0 =	por !p5, !p6  }
0xfc: {  	s20 =	simm.s32 $0x1;
	s6 =	sadd.s32 s7, s6;
	p0 =	por !p0, !p0  }
0xfd: {  	s5 =	spop (v2sf);
	s8 =	sshra.s32 s6, $0x4;
	s20 =	simm.s32 @!p0 $0x0  }
0xfe: {  	s28 =	spop (v2sf);
	s26 =	ssub.s32 s8, s20  }
0xff: {  	s19 =	spop (v2sf);
	p0 =	slt.s32 s26, $0x1  }
.Ltmp9:
0x100: {  	s29 =	spop (v2sf);
	(pc) =	sbr.rel @p0 .LBB2_22-.Ltmp9, $4  }
0x101: {  	s31 =	spop (v2sf)  }
0x102: {  	s6 =	spop (v2sf)  }
0x103: {  	v8 =	vimm.s32 $0x0;
	v12 =	vimm.s32 $0x0;
	s20 =	spop (v2sf)  }
0x104: {  	v11 =	vimm.s32 $0x0;
	v10 =	vimm.s32 $0x0;
	v9 =	vimm.s32 $0x0;
	v4 =	vld.idx.msk [tilespmem:v1+s23+$0xA000 ss:$0x1], $0xffff;
	s30 =	spop (v2sf)  }
0x105: {  	s0 =	sadd.f32 s0, s0  }
0x106: {  	s1 =	sadd.f32 s1, s1  }
0x107: {  	s16 =	sadd.f32 s16, s16  }
0x108: {  	s17 =	sadd.f32 s17, s17  }
0x109: {  	s28 =	sadd.f32 s28, s28  }
0x10a: {  	v18 =	vmov s16;
	s16 =	sadd.f32 s29, s29;
	s29 =	sshll.u32 s2, $0x6  }
0x10b: {  	v20 =	vbroadcast v2, $0x0;
	v11 =	vbroadcast v3, $0x0;
	v23 =	vmov s28;
	s28 =	sadd.f32 s30, s30;
	s30 =	sand.u32 $0x70, s24;
	s2 =	sand.u32 $0xFFFFFE00, s29  }
0x10c: {  	s5 =	sadd.f32 s5, s5;
	v12 =	vbroadcast v2, $0x1;
	v24 =	vbroadcast v3, $0x1;
	v16 =	vmov s0;
	s0 =	sor.u32 s30, s2  }
0x10d: {  	s8 =	sadd.f32 s19, s19;
	v30 =	vbroadcast v2, $0x2;
	v14 =	vbroadcast v3, $0x2;
	v36 =	vld [tilespmem:s0+$0x100]  }
0x10e: {  	s19 =	sadd.f32 s31, s31;
	v35 =	vbroadcast v2, $0x3;
	v15 =	vbroadcast v3, $0x3;
	v10 =	vimm.f32 $3.000000010e+38;
	v38 =	vld [tilespmem:s0+$0x0]  }
0x10f: {  	s6 =	sadd.f32 s6, s6;
	v9 =	vimm.s32 $0x0;
	v17 =	vmov s1;
	v21 =	vmov s17;
	s31 =	sshra.s32 s29, $0x2;
	v39 =	vld [tilespmem:s0+$0x80]  }
0x110: {  	s20 =	sadd.f32 s20, s20;
	v22 =	vmov s5;
	v25 =	vmov s8;
	v28 =	vmov s19;
	v26 =	vld [tilespmem:s31+$0xA000]  }
0x111: {  	v31 =	vmov s6;
	v19 =	vbroadcast v4, $0x0;
	v13 =	vbroadcast v4, $0x1  }
0x112: {  	v32 =	vmov s20;
	v29 =	vbroadcast v4, $0x2;
	v34 =	vbroadcast v4, $0x3  }
0x113: {  	v27 =	vmov s16;
	v41 =	vmul.f32 v36, v23;
	v42 =	vmul.f32 v36, v18  }
0x114: {  	v33 =	vmov s28;
	v37 =	vmul.f32 v38, v31;
	v43 =	vmul.f32 v39, v17  }
0x115: {  	v45 =	vadd.f32 v26, v19;
	v40 =	vmul.f32 v39, v32;
	v44 =	vmul.f32 v38, v25  }
0x116: {  	v50 =	vadd.f32 v26, v34;
	v46 =	vmul.f32 v38, v16;
	v47 =	vmul.f32 v36, v33  }
0x117: {  	p3 =	seq.s32 s26, $0x1;
	v48 =	vmul.f32 v39, v22;
	v38 =	vmul.f32 v38, v21;
	v40 =	vadd.f32 v40, v37  }
.Ltmp10:
0x118: {  	v39 =	vmul.f32 v39, v27;
	v37 =	vadd.f32 v26, v29;
	v43 =	vadd.f32 v43, v46;
	(pc) =	sbr.rel @p3 .LBB2_14-.Ltmp10, $4  }
0x119: {  	v38 =	vadd.f32 v48, v38;
	v49 =	vadd.f32 v47, v40;
	v40 =	vmul.f32 v36, v28  }
0x11a: {  	v36 =	vor.u32 s24, v0;
	v47 =	vadd.f32 v39, v44;
	v52 =	vadd.f32 v42, v43  }
0x11b: {  	p0 =	por $0x0, $0x0;
	p1 =	por $0x0, $0x0;
	p2 =	por $0x0, $0x0;
	v48 =	vadd.f32 v41, v38;
	vm1 =	vlt.s32 v36, v35;
	vm4 =	vlt.s32 v36, v20  }
0x11c: {  	s1 =	sadd.s32 $0x40, s29;
	s0 =	sadd.s32 $0xFFFFFFFF, s26;
	s24 =	sadd.s32 $0x10, s24;
	vm0 =	vge.s32 v36, v24;
	vm2 =	vlt.s32 v36, v30;
	v46 =	vsub.f32 v50, v49  }
0x11d: {  	s2 =	sand.u32 $0x70, s24;
	s5 =	sand.u32 $0xFFFFFE00, s1  }
0x11e: {  	s2 =	sor.u32 s2, s5  }
0x11f: {  	v38 =	vld [tilespmem:s2+$0x100]  }
0x120: {  	v42 =	vsub.f32 v45, v52;
	vm3 =	vge.s32 v36, v14;
	v26 =	vadd.f32 v26, v13;
	v39 =	vld [tilespmem:s2+$0x0]  }
0x121: {  	vm5 =	vge.s32 v36, v11;
	vm6 =	vge.s32 v36, v15;
	vm7 =	vlt.s32 v36, v12;
	v43 =	vld [tilespmem:s2+$0x80]  }
0x122: {  	v40 =	vadd.f32 v40, v47;
	s31 =	sshra.s32 s1, $0x2;
	vm1 =	vmor vm1, vm6;
	v41 =	vsub.f32 v26, v48  }
0x123: {  	vm2 =	vmor vm2, vm3;
	vm0 =	vmor vm7, vm0;
	v44 =	vsel vm1, $0x7F61B1E6, v46;
	v26 =	vld [tilespmem:s31+$0xA000]  }
0x124: {  	v37 =	vsub.f32 v37, v40;
	v57 =	vsel vm0, $0x7F61B1E6, v41;
	v48 =	vmul.f32 v38, v23  }
0x125: {  	vm0 =	vmor vm4, vm5;
	v49 =	vmul.f32 v38, v18;
	v58 =	vmul.f32 v39, v31  }
0x126: {  	v41 =	vsel vm2, $0x7F61B1E6, v37;
	v59 =	vmul.f32 v43, v17;
	v50 =	vmul.f32 v39, v25  }
0x127: {  	(xrf1) =	vsort.dscd.msk.f32 $0xffff, v44, v36;
	v44 =	vsel vm0, $0x7F61B1E6, v42;
	v51 =	vmul.f32 v43, v32;
	v60 =	vmul.f32 v43, v27  }
0x128: {  	v53 =	vmul.f32 v39, v16;
	v45 =	vadd.f32 v26, v19;
	v37 =	vadd.f32 v26, v29  }
0x129: {  	p3 =	seq.s32 s0, $0x1;
	v43 =	vmul.f32 v43, v22;
	v39 =	vmul.f32 v39, v21;
	v62 =	vadd.f32 v26, v34  }
.Ltmp11:
0x12a: {  	v54 =	vmul.f32 v38, v33;
	v40 =	vadd.f32 v51, v58;
	v63 =	vadd.f32 v59, v53;
	(pc) =	sbr.rel @p3 .LBB2_16-.Ltmp11, $4  }
0x12b: {  	(xrf1) =	vsort.dscd.msk.f32 $0xffff, v57, v36;
	v39 =	vadd.f32 v43, v39;
	v53 =	vor.u32 s24, v0;
	v47 =	vadd.f32 v60, v50  }
0x12c: {  	vm1 =	vlt.s32 v53, v35;
	vm4 =	vlt.s32 v53, v20;
	v61 =	vadd.f32 v54, v40  }
0x12d: {  	s0 =	sadd.s32 $0xFFFFFFFF, s0;
	vm0 =	vge.s32 v53, v24;
	vm2 =	vlt.s32 v53, v30;
	v52 =	vadd.f32 v49, v63  }
0x12e: {  	s28 =	sadd.s32 $0x10, s24;
	p0 =	por $0x1, $0x1;
	s2 =	sadd.s32 $0x40, s1;
	v40 =	vmul.f32 v38, v28;
	v48 =	vadd.f32 v48, v39;
	v46 =	vsub.f32 v62, v61  }
0x12f: {  	s1 =	sand.u32 $0x70, s28;
	s5 =	sand.u32 $0xFFFFFE00, s2  }
0x130: {  	s1 =	sor.u32 s1, s5  }
0x131: {  	v42 =	vld [tilespmem:s1+$0x100]  }
0x132: {  	v43 =	vsub.f32 v45, v52;
	vm3 =	vge.s32 v53, v14;
	v49 =	vld [tilespmem:s1+$0x0]  }
0x133: {  	vm5 =	vge.s32 v53, v11;
	vm6 =	vge.s32 v53, v15;
	v26 =	vadd.f32 v26, v13;
	v50 =	vld [tilespmem:s1+$0x80]  }
0x134: {  	vm7 =	vlt.s32 v53, v12;
	(xrf1) =	vsort.dscd.msk.f32 $0xffff, v41, v36;
	s31 =	sshra.s32 s2, $0x2;
	v38 =	vadd.f32 v40, v47;
	vm2 =	vmor vm2, vm3  }
0x135: {  	vm1 =	vmor vm1, vm6;
	vm0 =	vmor vm7, vm0;
	v39 =	vsub.f32 v26, v48;
	v26 =	vld [tilespmem:s31+$0xA000]  }
0x136: {  	v60 =	vsel vm1, $0x7F61B1E6, v46;
	v37 =	vsub.f32 v37, v38;
	v48 =	vmul.f32 v42, v23  }
0x137: {  	v47 =	vsel vm0, $0x7F61B1E6, v39;
	v51 =	vmul.f32 v42, v18;
	v61 =	vmul.f32 v49, v31  }
0x138: {  	(xrf1) =	vsort.dscd.msk.f32 $0xffff, v44, v36;
	vm0 =	vmor vm4, vm5;
	v52 =	vmul.f32 v50, v17;
	v54 =	vmul.f32 v49, v25  }
0x139: {  	v41 =	vsel vm2, $0x7F61B1E6, v37;
	v39, v38, _ =	vpop (xrf1);
	(xrf1) =	vsort.dscd.msk.f32 $0xffff, v60, v53;
	v62 =	vmul.f32 v50, v32;
	v57 =	vmul.f32 v49, v16  }
0x13a: {  	v40 =	vmul.f32 v42, v28;
	v45 =	vadd.f32 v26, v19;
	v42 =	vmul.f32 v42, v33  }
0x13b: {  	v60 =	vmul.f32 v50, v22;
	v49 =	vmul.f32 v49, v21;
	v36 =	vadd.f32 v62, v61  }
0x13c: {  	v55 =	vmul.f32 v50, v27;
	v37 =	vadd.f32 v26, v29;
	v52 =	vadd.f32 v52, v57  }
0x13d: {  	p3 =	seq.s32 s0, $0x1;
	vm3 =	vle.f32 v10, v39;
	v49 =	vadd.f32 v60, v49;
	v63, v56, _ =	vpop (xrf1);
	v42 =	vadd.f32 v42, v36  }
.Ltmp12:
0x13e: {  	v44 =	vsel vm0, $0x7F61B1E6, v43;
	(xrf1) =	vsort.dscd.msk.f32 $0xffff, v47, v53;
	v47 =	vadd.f32 v55, v54;
	vm1 =	vle.f32 v10, v63;
	(pc) =	sbr.rel @p3 .LBB2_18-.Ltmp12, $4  }
0x13f: {  	v36 =	vor.u32 s28, v0;
	v52 =	vadd.f32 v51, v52;
	v48 =	vadd.f32 v48, v49  }
0x140: {  	v61 =	vsel vm1, v9, v56;
	v62 =	vsel vm1, v10, v63;
	v63 =	vadd.f32 v26, v34  }
0x141: {  	s24 =	sadd.s32 $0xFFFFFFFF, s0;
	vm1 =	vlt.s32 v36, v35;
	vm4 =	vlt.s32 v36, v20;
	vm0 =	vge.s32 v36, v24  }
0x142: {  	s26 =	sadd.s32 $0x40, s2;
	p1 =	por $0x1, $0x1;
	s28 =	sadd.s32 $0x10, s28;
	vm2 =	vlt.s32 v36, v30;
	(xrf1) =	vsort.ascd.msk.f32 $0xffff, v62, v61;
	v46 =	vsub.f32 v63, v42;
	v43, v42, _ =	vpop (xrf1)  }
0x143: {  	s0 =	sand.u32 $0x70, s28;
	s1 =	sand.u32 $0xFFFFFE00, s26;
	v49 =	vsub.f32 v45, v52  }
0x144: {  	vm5 =	vge.s32 v36, v14;
	v61 =	vsel vm3, v10, v39;
	v50 =	vsel vm3, v9, v38;
	s0 =	sor.u32 s0, s1  }
0x145: {  	vm6 =	vge.s32 v36, v11;
	vm7 =	vge.s32 v36, v15;
	v26 =	vadd.f32 v26, v13;
	v52 =	vld [tilespmem:s0+$0x100]  }
0x146: {  	vm8 =	vlt.s32 v36, v12;
	v40 =	vadd.f32 v40, v47;
	(xrf1) =	vsort.ascd.msk.f32 $0xffff, v61, v50;
	v47 =	vld [tilespmem:s0+$0x0]  }
0x147: {  	vm2 =	vmor vm2, vm5;
	vm5 =	vle.f32 v10, v43;
	v54 =	vld [tilespmem:s0+$0x80];
	v48 =	vsub.f32 v26, v48  }
0x148: {  	s31 =	sshra.s32 s26, $0x2;
	vm1 =	vmor vm1, vm7;
	(xrf1) =	vsort.dscd.msk.f32 $0xffff, v41, v53;
	v62 =	vsel vm5, v10, v43;
	v37 =	vsub.f32 v37, v40;
	v45, v50, _ =	vpop (xrf1)  }
0x149: {  	v46 =	vsel vm1, $0x7F61B1E6, v46;
	v26 =	vld [tilespmem:s31+$0xA000];
	v63 =	vsel vm5, v9, v42;
	(xrf1) =	vsort.dscd.msk.f32 $0xffff, v44, v53;
	vm1 =	vle.f32 v10, v45  }
0x14a: {  	vm0 =	vmor vm8, vm0;
	(xrf1) =	vsort.ascd.msk.f32 $0xffff, v62, v63;
	v44 =	vsel vm1, v9, v50;
	v53 =	vmul.f32 v52, v23  }
0x14b: {  	v48 =	vsel vm0, $0x7F61B1E6, v48;
	v50, v51, _ =	vpop (xrf1);
	(xrf1) =	vsort.dscd.msk.f32 $0xffff, v46, v36;
	v57 =	vmul.f32 v52, v18;
	v55 =	vmul.f32 v47, v31  }
0x14c: {  	v45 =	vsel vm1, v10, v45;
	v46 =	vmul.f32 v54, v17;
	v56 =	vmul.f32 v47, v25  }
0x14d: {  	v41 =	vsel vm2, $0x7F61B1E6, v37;
	v60 =	vmul.f32 v54, v27;
	v61 =	vmul.f32 v54, v32;
	(xrf1) =	vsort.ascd.msk.f32 $0xffff, v45, v44  }
0x14e: {  	v63 =	vmul.f32 v47, v16;
	v40 =	vmul.f32 v52, v28;
	v45 =	vadd.f32 v26, v19  }
0x14f: {  	v37 =	vadd.f32 v26, v29;
	v54 =	vmul.f32 v54, v22;
	v47 =	vmul.f32 v47, v21;
	v58, v59, _ =	vpop (xrf1)  }
0x150: {  	vm0 =	vmor vm4, vm6;
	v52 =	vmul.f32 v52, v33;
	v55 =	vadd.f32 v61, v55;
	(xrf1) =	vsort.dscd.msk.f32 $0xffff, v48, v36;
	v44, v62, _ =	vpop (xrf1)  }
0x151: {  	p3 =	seq.s32 s24, $0x1;
	v63 =	vadd.f32 v46, v63;
	v54 =	vadd.f32 v54, v47;
	vm1 =	vle.f32 v44, v58  }
.Ltmp13:
0x152: {  	v52 =	vadd.f32 v52, v55;
	v59 =	vsel vm1, v62, v59;
	v58 =	vsel vm1, v44, v58;
	(pc) =	sbr.rel @p3 .LBB2_21-.Ltmp13, $4  }
0x153: {  	v44 =	vsel vm0, $0x7F61B1E6, v49;
	v62 =	vadd.f32 v26, v34;
	v49 =	vor.u32 s28, v0;
	(xrf1) =	vsort.ascd.msk.f32 $0xffff, v58, v59  }
0x154: {  	v47 =	vadd.f32 v60, v56;
	v48 =	vadd.f32 v53, v54;
	v55, v56, _ =	vpop (xrf1);
	vm1 =	vlt.s32 v49, v35  }
0x155: {  	s24 =	sadd.s32 $0xFFFFFFFF, s24;
	vm5 =	vle.f32 v55, v50;
	v46 =	vsub.f32 v62, v52;
	v52 =	vadd.f32 v57, v63  }
0x156: {  	s26 =	sadd.s32 $0x40, s26;
	p2 =	por $0x1, $0x1;
	s28 =	sadd.s32 $0x10, s28;
	v54, v53, _ =	vpop (xrf1);
	vm4 =	vlt.s32 v49, v20;
	vm0 =	vge.s32 v49, v24;
	vm2 =	vlt.s32 v49, v30  }
.LBB2_20:
0x157: {  	s0 =	sand.u32 $0x70, s28;
	s1 =	sand.u32 $0xFFFFFE00, s26;
	p3 =	seq.s32 s24, $0x1;
	v45 =	vsub.f32 v45, v52;
	vm7 =	vge.s32 v49, v14;
	v52 =	vsel vm5, v55, v50;
	v55, v57, _ =	vpop (xrf1)  }
0x158: {  	s24 =	sadd.s32 $0xFFFFFFFF, s24;
	vm6 =	vge.s32 v49, v11;
	vm8 =	vge.s32 v49, v15;
	v61 =	vsel vm5, v56, v51;
	s0 =	sor.u32 s0, s1;
	v58, v59, _ =	vpop (xrf1)  }
0x159: {  	v26 =	vadd.f32 v26, v13;
	vm5 =	vlt.s32 v49, v12;
	v40 =	vadd.f32 v40, v47;
	v60 =	vld [tilespmem:s0+$0x100];
	v50, v51, _ =	vpop (xrf1)  }
0x15a: {  	vm2 =	vmor vm2, vm7;
	vm1 =	vmor vm1, vm8;
	vm7 =	vle.f32 v58, v54;
	v47 =	vld [tilespmem:s0+$0x0];
	(xrf1) =	vsort.ascd.msk.f32 $0xffff, v52, v61  }
0x15b: {  	v48 =	vsub.f32 v26, v48;
	v46 =	vsel vm1, $0x7F61B1E6, v46;
	v52 =	vld [tilespmem:s0+$0x80];
	(xrf1) =	vsort.dscd.msk.f32 $0xffff, v41, v36;
	v41 =	vsel vm7, v58, v54;
	v54, v56, _ =	vpop (xrf1)  }
0x15c: {  	vm0 =	vmor vm5, vm0;
	v37 =	vsub.f32 v37, v40;
	s0 =	sshra.s32 s26, $0x2;
	vm1 =	vle.f32 v54, v55  }
0x15d: {  	v40 =	vsel vm7, v59, v53;
	v48 =	vsel vm0, $0x7F61B1E6, v48;
	v26 =	vld [tilespmem:s0+$0xA000];
	(xrf1) =	vsort.dscd.msk.f32 $0xffff, v44, v36;
	v36 =	vmov v49  }
0x15e: {  	vm0 =	vmor vm4, vm6;
	v49 =	vsel vm1, v56, v57;
	v53 =	vmul.f32 v60, v23;
	(xrf1) =	vsort.ascd.msk.f32 $0xffff, v41, v40  }
0x15f: {  	v57 =	vmul.f32 v60, v18;
	v41 =	vsel vm2, $0x7F61B1E6, v37;
	v56 =	vmul.f32 v47, v31;
	(xrf1) =	vsort.dscd.msk.f32 $0xffff, v46, v36  }
0x160: {  	v37 =	vsel vm1, v54, v55;
	v58 =	vmul.f32 v47, v25;
	v46 =	vmul.f32 v52, v17;
	v59, v61, _ =	vpop (xrf1)  }
0x161: {  	v44 =	vsel vm0, $0x7F61B1E6, v45;
	v54 =	vmul.f32 v52, v27;
	v55 =	vmul.f32 v52, v32;
	(xrf1) =	vsort.ascd.msk.f32 $0xffff, v37, v49;
	v49, v62, _ =	vpop (xrf1)  }
0x162: {  	v40 =	vmul.f32 v60, v28;
	v63 =	vmul.f32 v47, v16;
	vm0 =	vle.f32 v49, v59  }
0x163: {  	v60 =	vmul.f32 v60, v33;
	v45 =	vadd.f32 v26, v19;
	v37 =	vadd.f32 v26, v29  }
0x164: {  	v52 =	vmul.f32 v52, v22;
	v55 =	vadd.f32 v55, v56;
	v56 =	vsel vm0, v62, v61  }
0x165: {  	v61 =	vadd.f32 v46, v63;
	v46 =	vmul.f32 v47, v21;
	v47 =	vsel vm0, v49, v59  }
.Ltmp14:
0x166: {  	v59 =	vadd.f32 v26, v34;
	v60 =	vadd.f32 v60, v55;
	(xrf1) =	vsort.dscd.msk.f32 $0xffff, v48, v36;
	(pc) =	sbr.rel @!p3 .LBB2_20-.Ltmp14, $4  }
0x167: {  	v49 =	vor.u32 s28, v0;
	v48 =	vadd.f32 v52, v46;
	(xrf1) =	vsort.ascd.msk.f32 $0xffff, v47, v56  }
0x168: {  	vm1 =	vlt.s32 v49, v35;
	v46 =	vsub.f32 v59, v60;
	v47 =	vadd.f32 v54, v58;
	v55, v56, _ =	vpop (xrf1)  }
0x169: {  	v52 =	vadd.f32 v57, v61;
	v48 =	vadd.f32 v53, v48;
	vm5 =	vle.f32 v55, v50;
	v54, v53, _ =	vpop (xrf1)  }
0x16a: {  	s26 =	sadd.s32 $0x40, s26;
	s28 =	sadd.s32 $0x10, s28;
	vm4 =	vlt.s32 v49, v20;
	vm0 =	vge.s32 v49, v24;
	vm2 =	vlt.s32 v49, v30  }
.LBB2_21:
0x16b: {  	v18 =	vsel @p1 vm5, v55, v50;
	v19 =	vsel @p1 vm5, v56, v51  }
0x16c: {  	v16, v17, _ =	vpop @p1 (xrf1);
	(xrf1) =	vsort.ascd.msk.f32 @p1 $0xffff, v18, v19  }
0x16d: {  	v20, v21, _ =	vpop @p2 (xrf1)  }
0x16e: {  	vm6 =	vge.s32 v49, v15;
	v18 =	vpsel p2, v20, v10  }
0x16f: {  	(xrf1) =	vsort.dscd.msk.f32 @p0 $0xffff, v41, v36;
	v21 =	vpsel p2, v21, v9;
	vm5 =	vle.f32 @p1 v18, v54;
	v19, v20, _ =	vpop @p0 (xrf1)  }
0x170: {  	(xrf1) =	vsort.dscd.msk.f32 @p0 $0xffff, v44, v36;
	v18 =	vsel @p1 vm5, v18, v54;
	v15, v22, _ =	vpop @p2 (xrf1);
	v21 =	vsel @p1 vm5, v21, v53  }
0x171: {  	vm1 =	vmor vm1, vm6;
	v15 =	vpsel p2, v15, v10;
	(xrf1) =	vsort.ascd.msk.f32 @p1 $0xffff, v18, v21  }
0x172: {  	v59 =	vsel vm1, $0x7F61B1E6, v46;
	v21 =	vpsel p2, v22, v9;
	vm1 =	vle.f32 @p1 v15, v16  }
0x173: {  	(xrf1) =	vsort.dscd.msk.f32 $0xffff, v59, v49;
	v17 =	vsel @p1 vm1, v21, v17;
	v15 =	vsel @p1 vm1, v15, v16  }
0x174: {  	(xrf1) =	vsort.ascd.msk.f32 @p1 $0xffff, v15, v17  }
0x175: {  	v13 =	vadd.f32 v26, v13;
	_ =	sdelay $0x1  }
0x176: {  	vm14 =	vge.s32 v49, v14;
	vm9 =	vlt.s32 v49, v12;
	v13 =	vsub.f32 v13, v48;
	v14, v16, _ =	vpop @p0 (xrf1)  }
0x177: {  	vm15 =	vge.s32 v49, v11;
	vm0 =	vmor vm9, vm0;
	v12, v17, _ =	vpop @p1 (xrf1)  }
0x178: {  	v11 =	vadd.f32 v40, v47;
	v13 =	vsel vm0, $0x7F61B1E6, v13;
	v12 =	vpsel p1, v12, v10  }
0x179: {  	v20 =	vpsel p0, v20, v38;
	v17 =	vpsel p1, v17, v9;
	vm6 =	vle.f32 @p0 v12, v14;
	v18, v21, _ =	vpop @p1 (xrf1)  }
0x17a: {  	v15 =	vsub.f32 v45, v52;
	v16 =	vsel @p0 vm6, v17, v16;
	v17 =	vpsel p1, v18, v10  }
0x17b: {  	(xrf1) =	vsort.dscd.msk.f32 $0xffff, v13, v49;
	v12 =	vsel @p0 vm6, v12, v14;
	vm1 =	vle.f32 @p0 v17, v19  }
0x17c: {  	(xrf1) =	vsort.ascd.msk.f32 @p0 $0xffff, v12, v16;
	v12 =	vpsel p0, v19, v39;
	v13, v14, _ =	vpop @p0 (xrf1);
	v19 =	vpsel p1, v21, v9;
	vm3 =	vmmov @p0 vm1  }
0x17d: {  	v16, v18, _ =	vpop @p0 (xrf1);
	v12 =	vsel @p0 vm3, v17, v12;
	v17 =	vsel @p0 vm3, v19, v20  }
0x17e: {  	v11 =	vsub.f32 v37, v11;
	v13 =	vpsel p0, v13, v43;
	v21, v22, _ =	vpop @p1 (xrf1);
	(xrf1) =	vsort.ascd.msk.f32 @p0 $0xffff, v12, v17  }
0x17f: {  	vm10 =	vmor vm2, vm14;
	v19 =	vpsel p1, v21, v10  }
0x180: {  	vm11 =	vmor vm4, vm15;
	v11 =	vsel vm10, $0x7F61B1E6, v11;
	v60, v61, _ =	vpop (xrf1);
	vm0 =	vle.f32 @p0 v19, v13  }
0x181: {  	v14 =	vpsel p0, v14, v42;
	v12 =	vsel vm11, $0x7F61B1E6, v15;
	(xrf1) =	vsort.dscd.msk.f32 $0xffff, v11, v49;
	v11 =	vsel @p0 vm0, v19, v13;
	v13, v15, _ =	vpop @p1 (xrf1)  }
0x182: {  	v17 =	vpsel p1, v22, v9;
	(xrf1) =	vsort.dscd.msk.f32 $0xffff, v12, v49;
	v13 =	vpsel p1, v13, v10  }
0x183: {  	v12 =	vsel @p0 vm0, v17, v14;
	v14 =	vpsel p1, v15, v9;
	vm0 =	vle.f32 @p0 v13, v16  }
0x184: {  	(xrf1) =	vsort.ascd.msk.f32 @p0 $0xffff, v11, v12;
	v11 =	vsel @p0 vm0, v14, v18;
	v12 =	vsel @p0 vm0, v13, v16  }
0x185: {  	(xrf1) =	vsort.ascd.msk.f32 @p0 $0xffff, v12, v11;
	_ =	sdelay $0x3  }
0x186: {  	v11, v12, _ =	vpop (xrf1)  }
0x187: {  	v13, v14, _ =	vpop @p0 (xrf1)  }
0x188: {  	v13 =	vpsel p0, v13, v10  }
0x189: {  	vm12 =	vle.f32 v13, v11;
	v15, v16, _ =	vpop @p0 (xrf1)  }
0x18a: {  	v14 =	vpsel p0, v14, v9;
	v11 =	vsel vm12, v13, v11;
	v13 =	vpsel p0, v15, v10  }
0x18b: {  	v12 =	vsel vm12, v14, v12;
	vm13 =	vle.f32 v13, v60  }
0x18c: {  	(xrf1) =	vsort.ascd.msk.f32 $0xffff, v11, v12;
	v11 =	vpsel p0, v16, v9;
	v13 =	vsel vm13, v13, v60  }
0x18d: {  	v62, v63, _ =	vpop (xrf1);
	v11 =	vsel vm13, v11, v61  }
0x18e: {  	v14, v15, _ =	vpop (xrf1)  }
0x18f: {  	v12, v16, _ =	vpop @p0 (xrf1)  }
0x190: {  	v12 =	vpsel p0, v12, v10;
	(xrf1) =	vsort.ascd.msk.f32 $0xffff, v13, v11;
	v11, v13, _ =	vpop @p0 (xrf1)  }
0x191: {  	vm14 =	vle.f32 v12, v62;
	v10 =	vpsel p0, v11, v10;
	v11 =	vpsel p0, v16, v9  }
0x192: {  	v12 =	vsel vm14, v12, v62;
	v11 =	vsel vm14, v11, v63  }
0x193: {  	v9 =	vpsel p0, v13, v9;
	vm15 =	vle.f32 v10, v14;
	(xrf1) =	vsort.ascd.msk.f32 $0xffff, v12, v11  }
0x194: {  	v9 =	vsel vm15, v9, v15;
	v10 =	vsel vm15, v10, v14  }
0x195: {  	(xrf1) =	vsort.ascd.msk.f32 $0xffff, v10, v9;
	_ =	sdelay $0x7  }
0x196: {  	v9, v11, _ =	vpop (xrf1);
	_ =	sdelay $0x1  }
0x197: {  	v10, v9, _ =	vpop (xrf1);
	_ =	sdelay $0x1  }
0x198: {  	v12, v10, _ =	vpop (xrf1);
	_ =	sdelay $0x1  }
0x199: {  	v13, v12, _ =	vpop (xrf1)  }
.LBB2_22:
0x19a: {  	(v2sf) =	vpush v2, $0x4  }
0x19b: {  	(v2sf) =	vpush v2, $0x5  }
0x19c: {  	(v2sf) =	vpush v2, $0x6  }
0x19d: {  	(v2sf) =	vpush v2, $0x7  }
0x19e: {  	(v2sf) =	vpush v3, $0x4  }
0x19f: {  	(v2sf) =	vpush v3, $0x5  }
0x1a0: {  	(v2sf) =	vpush v3, $0x6  }
0x1a1: {  	(v2sf) =	vpush v3, $0x7  }
0x1a2: {  	(v2sf) =	vpush v7, $0x4;
	_ =	sdelay $0x4  }
0x1a3: {  	(v2sf) =	vpush v5, $0x4  }
0x1a4: {  	(v2sf) =	vpush v6, $0x4  }
0x1a5: {  	(v2sf) =	vpush v7, $0x5;
	s0 =	spop (v2sf)  }
0x1a6: {  	(v2sf) =	vpush v5, $0x5;
	s1 =	spop (v2sf)  }
0x1a7: {  	s5 =	spop (v2sf);
	p0 =	slt.s32 s0, s1  }
0x1a8: {  	s6 =	spop (v2sf);
	s1 =	smov.u32 @p0 s0  }
0x1a9: {  	s16 =	spop (v2sf);
	p0 =	slt.s32 s1, s5  }
0x1aa: {  	s17 =	spop (v2sf);
	s5 =	smov.u32 @p0 s1  }
0x1ab: {  	s20 =	spop (v2sf);
	p0 =	slt.s32 s5, s6  }
0x1ac: {  	(v2sf) =	vpush v6, $0x5;
	p1 =	sgt.s32 s16, s17;
	s24 =	spop (v2sf);
	s6 =	smov.u32 @p0 s5  }
0x1ad: {  	(v2sf) =	vpush v7, $0x6;
	s17 =	smov.u32 @p1 s16;
	s29 =	spop (v2sf);
	s26 =	sand.u32 $0xF, s6  }
0x1ae: {  	(v2sf) =	vpush v5, $0x6;
	s5 =	sshra.s32 s6, $0x1F;
	p0 =	slt.s32 s6, $0x1;
	p4 =	sne.s32 s26, $0x0  }
0x1af: {  	(v2sf) =	vpush v6, $0x6;
	p1 =	sgt.s32 s17, s20;
	s5 =	sshrl.u32 s5, $0x1C;
	p0 =	por !p0, !p4  }
0x1b0: {  	(v2sf) =	vpush v7, $0x7;
	s5 =	sadd.s32 s5, s6;
	s6 =	simm.s32 $0x1;
	p0 =	por !p0, !p0  }
0x1b1: {  	(v2sf) =	vpush v5, $0x7;
	s20 =	smov.u32 @p1 s17;
	s5 =	sshra.s32 s5, $0x4;
	s6 =	simm.s32 @!p0 $0x0  }
0x1b2: {  	(v2sf) =	vpush v6, $0x7;
	s2 =	spop (v2sf);
	p0 =	sgt.s32 s20, s24;
	s28 =	ssub.s32 s5, s6  }
0x1b3: {  	s0 =	spop (v2sf);
	s24 =	smov.u32 @p0 s20;
	s26 =	sshll.u32 s28, $0x4  }
0x1b4: {  	s1 =	spop (v2sf);
	s7 =	ssub.s32 s24, s26  }
0x1b5: {  	s30 =	spop (v2sf);
	s5 =	sadd.s32 $0xF, s7  }
0x1b6: {  	s6 =	sor.u32 $0x1, s25;
	s20 =	sor.u32 $0x2, s25;
	s7 =	sand.u32 $0xF, s5  }
0x1b7: {  	s8 =	sshra.s32 s5, $0x1F;
	p6 =	slt.s32 s5, $0x1;
	p5 =	sne.s32 s7, $0x0  }
0x1b8: {  	v14 =	vmov s6;
	s6 =	simm.s32 $0x1;
	s7 =	sshrl.u32 s8, $0x1C;
	p0 =	por !p6, !p5  }
0x1b9: {  	v62 =	vmov s20;
	s20 =	sor.u32 $0x3, s25;
	s5 =	sadd.s32 s7, s5;
	p0 =	por !p0, !p0  }
0x1ba: {  	v13 =	vmov s25;
	s24 =	sshll.u32 s22, $0xB;
	s25 =	sshra.s32 s5, $0x4;
	s6 =	simm.s32 @!p0 $0x0  }
0x1bb: {  	vm6 =	vne.s32 v12, v13;
	s19 =	spop (v2sf);
	s24 =	sand.u32 $0x3FFFF800, s24;
	s25 =	ssub.s32 s25, s6  }
0x1bc: {  	vm15 =	vne.s32 v11, v14;
	s31 =	spop (v2sf);
	[tilespmem:s24+$0xEB00] =	vst.msk vm6, v12;
	p0 =	sgt.s32 s25, $0x0  }
.Ltmp15:
0x1bd: {  	vm0 =	vne.s32 v10, v62;
	s17 =	spop (v2sf);
	[tilespmem:s24+$0xEB80] =	vst.msk vm15, v11;
	v11 =	vimm.s32 $0x0;
	(pc) =	sbr.rel @!p0 .LBB2_32-.Ltmp15, $4  }
0x1be: {  	v63 =	vmov s20;
	s16 =	spop (v2sf);
	v11 =	vsel vm0, $0xFFFFFFFF, v11;
	[tilespmem:s24+$0xEC00] =	vst.msk vm0, v10  }
0x1bf: {  	vm11 =	vne.s32 v9, v63;
	v10 =	vimm.s32 $0x0;
	s5 =	spop (v2sf);
	[tilespmem:$0x1FFB0] =	vst v11  }
0x1c0: {  	v10 =	vsel vm11, $0xFFFFFFFF, v10;
	[tilespmem:s24+$0xEC80] =	vst.msk vm11, v9;
	s20 =	spop (v2sf)  }
0x1c1: {  	v11 =	vimm.s32 $0x0;
	v9 =	vimm.s32 $0x0;
	[tilespmem:$0x1FFC0] =	vst v10;
	v10 =	vimm.s32 $0x0;
	s6 =	spop (v2sf)  }
0x1c2: {  	s7 =	sadd.f32 s29, s29  }
0x1c3: {  	s2 =	sadd.f32 s2, s2  }
0x1c4: {  	s30 =	sadd.f32 s30, s30  }
0x1c5: {  	s0 =	sadd.f32 s0, s0;
	v18 =	vbroadcast v4, $0x4;
	v19 =	vbroadcast v2, $0x4;
	s28 =	sshll.u32 s28, $0x6  }
0x1c6: {  	s1 =	sadd.f32 s1, s1;
	v10 =	vbroadcast v3, $0x4;
	v12 =	vbroadcast v4, $0x5;
	s29 =	sand.u32 $0x70, s26;
	v21 =	vmov s30;
	s30 =	sand.u32 $0xFFFFFE00, s28  }
0x1c7: {  	s19 =	sadd.f32 s19, s19;
	v11 =	vbroadcast v2, $0x5;
	v23 =	vbroadcast v3, $0x5;
	v17 =	vmov s0;
	s0 =	sor.u32 s29, s30  }
0x1c8: {  	s8 =	sadd.f32 s17, s17;
	v28 =	vbroadcast v4, $0x6;
	v29 =	vbroadcast v2, $0x6;
	v35 =	vld [tilespmem:s0+$0x100]  }
0x1c9: {  	s17 =	sadd.f32 s16, s16;
	v13 =	vbroadcast v3, $0x6;
	v33 =	vbroadcast v4, $0x7;
	v37 =	vld [tilespmem:s0+$0x0]  }
0x1ca: {  	v34 =	vbroadcast v2, $0x7;
	v14 =	vbroadcast v3, $0x7;
	v15 =	vmov s7;
	s7 =	sadd.f32 s31, s31;
	s31 =	sshra.s32 s28, $0x2;
	v38 =	vld [tilespmem:s0+$0x80]  }
0x1cb: {  	s5 =	sadd.f32 s5, s5;
	v9 =	vimm.f32 $3.000000010e+38;
	v8 =	vimm.s32 $0x0;
	v16 =	vmov s2;
	v25 =	vld [tilespmem:s31+$0xA000]  }
0x1cc: {  	v20 =	vmov s1;
	v22 =	vmov s19;
	v26 =	vmov s8;
	s19 =	sadd.f32 s20, s20  }
0x1cd: {  	v27 =	vmov s17;
	s20 =	sadd.f32 s6, s6;
	v30 =	vmov s5;
	v24 =	vmov s7  }
0x1ce: {  	v31 =	vmov s19;
	v40 =	vmul.f32 v35, v22;
	v41 =	vmul.f32 v35, v17  }
0x1cf: {  	v32 =	vmov s20;
	v36 =	vmul.f32 v37, v30;
	v42 =	vmul.f32 v38, v16  }
0x1d0: {  	v44 =	vadd.f32 v25, v18;
	v39 =	vmul.f32 v38, v31;
	v43 =	vmul.f32 v37, v24  }
0x1d1: {  	v49 =	vadd.f32 v25, v33;
	v45 =	vmul.f32 v37, v15;
	v46 =	vmul.f32 v35, v32  }
0x1d2: {  	p3 =	seq.s32 s25, $0x1;
	v47 =	vmul.f32 v38, v21;
	v37 =	vmul.f32 v37, v20;
	v39 =	vadd.f32 v39, v36  }
.Ltmp16:
0x1d3: {  	v38 =	vmul.f32 v38, v26;
	v36 =	vadd.f32 v25, v28;
	v42 =	vadd.f32 v42, v45;
	(pc) =	sbr.rel @p3 .LBB2_24-.Ltmp16, $4  }
0x1d4: {  	v37 =	vadd.f32 v47, v37;
	v48 =	vadd.f32 v46, v39;
	v39 =	vmul.f32 v35, v27  }
0x1d5: {  	v35 =	vor.u32 s26, v0;
	v46 =	vadd.f32 v38, v43;
	v51 =	vadd.f32 v41, v42  }
0x1d6: {  	p0 =	por $0x0, $0x0;
	p1 =	por $0x0, $0x0;
	p2 =	por $0x0, $0x0;
	v47 =	vadd.f32 v40, v37;
	vm1 =	vlt.s32 v35, v34;
	vm8 =	vlt.s32 v35, v19  }
0x1d7: {  	s1 =	sadd.s32 $0x40, s28;
	s0 =	sadd.s32 $0xFFFFFFFF, s25;
	s25 =	sadd.s32 $0x10, s26;
	vm0 =	vge.s32 v35, v23;
	vm2 =	vlt.s32 v35, v29;
	v45 =	vsub.f32 v49, v48  }
0x1d8: {  	s2 =	sand.u32 $0x70, s25;
	s5 =	sand.u32 $0xFFFFFE00, s1  }
0x1d9: {  	s2 =	sor.u32 s2, s5  }
0x1da: {  	v37 =	vld [tilespmem:s2+$0x100]  }
0x1db: {  	v41 =	vsub.f32 v44, v51;
	vm3 =	vge.s32 v35, v13;
	v25 =	vadd.f32 v25, v12;
	v38 =	vld [tilespmem:s2+$0x0]  }
0x1dc: {  	vm4 =	vge.s32 v35, v10;
	vm5 =	vge.s32 v35, v14;
	vm7 =	vlt.s32 v35, v11;
	v42 =	vld [tilespmem:s2+$0x80]  }
0x1dd: {  	v39 =	vadd.f32 v39, v46;
	s31 =	sshra.s32 s1, $0x2;
	vm1 =	vmor vm1, vm5;
	v40 =	vsub.f32 v25, v47  }
0x1de: {  	vm2 =	vmor vm2, vm3;
	vm0 =	vmor vm7, vm0;
	v43 =	vsel vm1, $0x7F61B1E6, v45;
	v25 =	vld [tilespmem:s31+$0xA000]  }
0x1df: {  	v36 =	vsub.f32 v36, v39;
	v57 =	vsel vm0, $0x7F61B1E6, v40;
	v56 =	vmul.f32 v37, v22  }
0x1e0: {  	vm0 =	vmor vm8, vm4;
	v48 =	vmul.f32 v37, v17;
	v58 =	vmul.f32 v38, v30  }
0x1e1: {  	v40 =	vsel vm2, $0x7F61B1E6, v36;
	v59 =	vmul.f32 v42, v16;
	v49 =	vmul.f32 v38, v24  }
0x1e2: {  	(xrf1) =	vsort.dscd.msk.f32 $0xffff, v43, v35;
	v43 =	vsel vm0, $0x7F61B1E6, v41;
	v50 =	vmul.f32 v42, v31;
	v60 =	vmul.f32 v42, v26  }
0x1e3: {  	v52 =	vmul.f32 v38, v15;
	v44 =	vadd.f32 v25, v18;
	v36 =	vadd.f32 v25, v28  }
0x1e4: {  	p3 =	seq.s32 s0, $0x1;
	v42 =	vmul.f32 v42, v21;
	v38 =	vmul.f32 v38, v20;
	v62 =	vadd.f32 v25, v33  }
.Ltmp17:
0x1e5: {  	v53 =	vmul.f32 v37, v32;
	v39 =	vadd.f32 v50, v58;
	v63 =	vadd.f32 v59, v52;
	(pc) =	sbr.rel @p3 .LBB2_26-.Ltmp17, $4  }
0x1e6: {  	(xrf1) =	vsort.dscd.msk.f32 $0xffff, v57, v35;
	v38 =	vadd.f32 v42, v38;
	v52 =	vor.u32 s25, v0;
	v46 =	vadd.f32 v60, v49  }
0x1e7: {  	vm1 =	vlt.s32 v52, v34;
	vm8 =	vlt.s32 v52, v19;
	v61 =	vadd.f32 v53, v39  }
0x1e8: {  	s0 =	sadd.s32 $0xFFFFFFFF, s0;
	vm0 =	vge.s32 v52, v23;
	vm2 =	vlt.s32 v52, v29;
	v51 =	vadd.f32 v48, v63  }
0x1e9: {  	s28 =	sadd.s32 $0x10, s25;
	p0 =	por $0x1, $0x1;
	s2 =	sadd.s32 $0x40, s1;
	v39 =	vmul.f32 v37, v27;
	v47 =	vadd.f32 v56, v38;
	v45 =	vsub.f32 v62, v61  }
0x1ea: {  	s1 =	sand.u32 $0x70, s28;
	s5 =	sand.u32 $0xFFFFFE00, s2  }
0x1eb: {  	s1 =	sor.u32 s1, s5  }
0x1ec: {  	v41 =	vld [tilespmem:s1+$0x100]  }
0x1ed: {  	v42 =	vsub.f32 v44, v51;
	vm3 =	vge.s32 v52, v13;
	v48 =	vld [tilespmem:s1+$0x0]  }
0x1ee: {  	vm4 =	vge.s32 v52, v10;
	vm5 =	vge.s32 v52, v14;
	v25 =	vadd.f32 v25, v12;
	v49 =	vld [tilespmem:s1+$0x80]  }
0x1ef: {  	vm7 =	vlt.s32 v52, v11;
	(xrf1) =	vsort.dscd.msk.f32 $0xffff, v40, v35;
	s31 =	sshra.s32 s2, $0x2;
	v37 =	vadd.f32 v39, v46;
	vm2 =	vmor vm2, vm3  }
0x1f0: {  	vm1 =	vmor vm1, vm5;
	vm0 =	vmor vm7, vm0;
	v38 =	vsub.f32 v25, v47;
	v25 =	vld [tilespmem:s31+$0xA000]  }
0x1f1: {  	v60 =	vsel vm1, $0x7F61B1E6, v45;
	v36 =	vsub.f32 v36, v37;
	v47 =	vmul.f32 v41, v22  }
0x1f2: {  	v46 =	vsel vm0, $0x7F61B1E6, v38;
	v50 =	vmul.f32 v41, v17;
	v61 =	vmul.f32 v48, v30  }
0x1f3: {  	(xrf1) =	vsort.dscd.msk.f32 $0xffff, v43, v35;
	vm0 =	vmor vm8, vm4;
	v51 =	vmul.f32 v49, v16;
	v53 =	vmul.f32 v48, v24  }
0x1f4: {  	v40 =	vsel vm2, $0x7F61B1E6, v36;
	v38, v37, _ =	vpop (xrf1);
	(xrf1) =	vsort.dscd.msk.f32 $0xffff, v60, v52;
	v62 =	vmul.f32 v49, v31;
	v56 =	vmul.f32 v48, v15  }
0x1f5: {  	v39 =	vmul.f32 v41, v27;
	v44 =	vadd.f32 v25, v18;
	v41 =	vmul.f32 v41, v32  }
0x1f6: {  	v60 =	vmul.f32 v49, v21;
	v48 =	vmul.f32 v48, v20;
	v35 =	vadd.f32 v62, v61  }
0x1f7: {  	v54 =	vmul.f32 v49, v26;
	v36 =	vadd.f32 v25, v28;
	v51 =	vadd.f32 v51, v56  }
0x1f8: {  	p3 =	seq.s32 s0, $0x1;
	vm7 =	vle.f32 v9, v38;
	v48 =	vadd.f32 v60, v48;
	v63, v55, _ =	vpop (xrf1);
	v41 =	vadd.f32 v41, v35  }
.Ltmp18:
0x1f9: {  	v43 =	vsel vm0, $0x7F61B1E6, v42;
	(xrf1) =	vsort.dscd.msk.f32 $0xffff, v46, v52;
	v46 =	vadd.f32 v54, v53;
	vm1 =	vle.f32 v9, v63;
	(pc) =	sbr.rel @p3 .LBB2_28-.Ltmp18, $4  }
0x1fa: {  	v35 =	vor.u32 s28, v0;
	v51 =	vadd.f32 v50, v51;
	v47 =	vadd.f32 v47, v48  }
0x1fb: {  	v61 =	vsel vm1, v8, v55;
	v62 =	vsel vm1, v9, v63;
	v63 =	vadd.f32 v25, v33  }
0x1fc: {  	s25 =	sadd.s32 $0xFFFFFFFF, s0;
	vm1 =	vlt.s32 v35, v34;
	vm8 =	vlt.s32 v35, v19;
	vm0 =	vge.s32 v35, v23  }
0x1fd: {  	s26 =	sadd.s32 $0x40, s2;
	p1 =	por $0x1, $0x1;
	s28 =	sadd.s32 $0x10, s28;
	vm2 =	vlt.s32 v35, v29;
	(xrf1) =	vsort.ascd.msk.f32 $0xffff, v62, v61;
	v45 =	vsub.f32 v63, v41;
	v42, v41, _ =	vpop (xrf1)  }
0x1fe: {  	s0 =	sand.u32 $0x70, s28;
	s1 =	sand.u32 $0xFFFFFE00, s26;
	v48 =	vsub.f32 v44, v51  }
0x1ff: {  	vm3 =	vge.s32 v35, v13;
	v61 =	vsel vm7, v9, v38;
	v49 =	vsel vm7, v8, v37;
	s0 =	sor.u32 s0, s1  }
0x200: {  	vm4 =	vge.s32 v35, v10;
	vm5 =	vge.s32 v35, v14;
	v25 =	vadd.f32 v25, v12;
	v51 =	vld [tilespmem:s0+$0x100]  }
0x201: {  	vm9 =	vlt.s32 v35, v11;
	v39 =	vadd.f32 v39, v46;
	(xrf1) =	vsort.ascd.msk.f32 $0xffff, v61, v49;
	v46 =	vld [tilespmem:s0+$0x0]  }
0x202: {  	vm2 =	vmor vm2, vm3;
	vm3 =	vle.f32 v9, v42;
	v53 =	vld [tilespmem:s0+$0x80];
	v47 =	vsub.f32 v25, v47  }
0x203: {  	s31 =	sshra.s32 s26, $0x2;
	vm1 =	vmor vm1, vm5;
	(xrf1) =	vsort.dscd.msk.f32 $0xffff, v40, v52;
	v62 =	vsel vm3, v9, v42;
	v36 =	vsub.f32 v36, v39;
	v44, v49, _ =	vpop (xrf1)  }
0x204: {  	v45 =	vsel vm1, $0x7F61B1E6, v45;
	v25 =	vld [tilespmem:s31+$0xA000];
	v63 =	vsel vm3, v8, v41;
	(xrf1) =	vsort.dscd.msk.f32 $0xffff, v43, v52;
	vm1 =	vle.f32 v9, v44  }
0x205: {  	vm0 =	vmor vm9, vm0;
	(xrf1) =	vsort.ascd.msk.f32 $0xffff, v62, v63;
	v43 =	vsel vm1, v8, v49;
	v52 =	vmul.f32 v51, v22  }
0x206: {  	v47 =	vsel vm0, $0x7F61B1E6, v47;
	v49, v50, _ =	vpop (xrf1);
	(xrf1) =	vsort.dscd.msk.f32 $0xffff, v45, v35;
	v56 =	vmul.f32 v51, v17;
	v54 =	vmul.f32 v46, v30  }
0x207: {  	v44 =	vsel vm1, v9, v44;
	v45 =	vmul.f32 v53, v16;
	v55 =	vmul.f32 v46, v24  }
0x208: {  	v40 =	vsel vm2, $0x7F61B1E6, v36;
	v59 =	vmul.f32 v53, v26;
	v60 =	vmul.f32 v53, v31;
	(xrf1) =	vsort.ascd.msk.f32 $0xffff, v44, v43  }
0x209: {  	v62 =	vmul.f32 v46, v15;
	v39 =	vmul.f32 v51, v27;
	v44 =	vadd.f32 v25, v18  }
0x20a: {  	v36 =	vadd.f32 v25, v28;
	v53 =	vmul.f32 v53, v21;
	v46 =	vmul.f32 v46, v20;
	v57, v58, _ =	vpop (xrf1)  }
0x20b: {  	vm0 =	vmor vm8, vm4;
	v51 =	vmul.f32 v51, v32;
	v54 =	vadd.f32 v60, v54;
	(xrf1) =	vsort.dscd.msk.f32 $0xffff, v47, v35;
	v43, v61, _ =	vpop (xrf1)  }
0x20c: {  	p3 =	seq.s32 s25, $0x1;
	v63 =	vadd.f32 v45, v62;
	v53 =	vadd.f32 v53, v46;
	vm1 =	vle.f32 v43, v57  }
.Ltmp19:
0x20d: {  	v51 =	vadd.f32 v51, v54;
	v58 =	vsel vm1, v61, v58;
	v57 =	vsel vm1, v43, v57;
	(pc) =	sbr.rel @p3 .LBB2_31-.Ltmp19, $4  }
0x20e: {  	v43 =	vsel vm0, $0x7F61B1E6, v48;
	v61 =	vadd.f32 v25, v33;
	v48 =	vor.u32 s28, v0;
	(xrf1) =	vsort.ascd.msk.f32 $0xffff, v57, v58  }
0x20f: {  	v46 =	vadd.f32 v59, v55;
	v47 =	vadd.f32 v52, v53;
	v54, v55, _ =	vpop (xrf1);
	vm1 =	vlt.s32 v48, v34  }
0x210: {  	s25 =	sadd.s32 $0xFFFFFFFF, s25;
	vm3 =	vle.f32 v54, v49;
	v45 =	vsub.f32 v61, v51;
	v51 =	vadd.f32 v56, v63  }
0x211: {  	s26 =	sadd.s32 $0x40, s26;
	p2 =	por $0x1, $0x1;
	s28 =	sadd.s32 $0x10, s28;
	v53, v52, _ =	vpop (xrf1);
	vm8 =	vlt.s32 v48, v19;
	vm0 =	vge.s32 v48, v23;
	vm2 =	vlt.s32 v48, v29  }
.LBB2_30:
0x212: {  	s0 =	sand.u32 $0x70, s28;
	s1 =	sand.u32 $0xFFFFFE00, s26;
	p3 =	seq.s32 s25, $0x1;
	v44 =	vsub.f32 v44, v51;
	vm5 =	vge.s32 v48, v13;
	v51 =	vsel vm3, v54, v49;
	v54, v56, _ =	vpop (xrf1)  }
0x213: {  	s25 =	sadd.s32 $0xFFFFFFFF, s25;
	vm4 =	vge.s32 v48, v10;
	vm9 =	vge.s32 v48, v14;
	v60 =	vsel vm3, v55, v50;
	s0 =	sor.u32 s0, s1;
	v57, v58, _ =	vpop (xrf1)  }
0x214: {  	v25 =	vadd.f32 v25, v12;
	vm3 =	vlt.s32 v48, v11;
	v39 =	vadd.f32 v39, v46;
	v59 =	vld [tilespmem:s0+$0x100];
	v49, v50, _ =	vpop (xrf1)  }
0x215: {  	vm2 =	vmor vm2, vm5;
	vm1 =	vmor vm1, vm9;
	vm5 =	vle.f32 v57, v53;
	v46 =	vld [tilespmem:s0+$0x0];
	(xrf1) =	vsort.ascd.msk.f32 $0xffff, v51, v60  }
0x216: {  	v47 =	vsub.f32 v25, v47;
	v45 =	vsel vm1, $0x7F61B1E6, v45;
	v51 =	vld [tilespmem:s0+$0x80];
	(xrf1) =	vsort.dscd.msk.f32 $0xffff, v40, v35;
	v40 =	vsel vm5, v57, v53;
	v53, v55, _ =	vpop (xrf1)  }
0x217: {  	vm0 =	vmor vm3, vm0;
	v36 =	vsub.f32 v36, v39;
	s0 =	sshra.s32 s26, $0x2;
	vm1 =	vle.f32 v53, v54  }
0x218: {  	v39 =	vsel vm5, v58, v52;
	v47 =	vsel vm0, $0x7F61B1E6, v47;
	v25 =	vld [tilespmem:s0+$0xA000];
	(xrf1) =	vsort.dscd.msk.f32 $0xffff, v43, v35;
	v35 =	vmov v48  }
0x219: {  	vm0 =	vmor vm8, vm4;
	v48 =	vsel vm1, v55, v56;
	v52 =	vmul.f32 v59, v22;
	(xrf1) =	vsort.ascd.msk.f32 $0xffff, v40, v39  }
0x21a: {  	v56 =	vmul.f32 v59, v17;
	v40 =	vsel vm2, $0x7F61B1E6, v36;
	v55 =	vmul.f32 v46, v30;
	(xrf1) =	vsort.dscd.msk.f32 $0xffff, v45, v35  }
0x21b: {  	v36 =	vsel vm1, v53, v54;
	v57 =	vmul.f32 v46, v24;
	v45 =	vmul.f32 v51, v16;
	v58, v60, _ =	vpop (xrf1)  }
0x21c: {  	v43 =	vsel vm0, $0x7F61B1E6, v44;
	v53 =	vmul.f32 v51, v26;
	v54 =	vmul.f32 v51, v31;
	(xrf1) =	vsort.ascd.msk.f32 $0xffff, v36, v48;
	v48, v61, _ =	vpop (xrf1)  }
0x21d: {  	v39 =	vmul.f32 v59, v27;
	v62 =	vmul.f32 v46, v15;
	vm0 =	vle.f32 v48, v58  }
0x21e: {  	v59 =	vmul.f32 v59, v32;
	v44 =	vadd.f32 v25, v18;
	v36 =	vadd.f32 v25, v28  }
0x21f: {  	v51 =	vmul.f32 v51, v21;
	v54 =	vadd.f32 v54, v55;
	v55 =	vsel vm0, v61, v60  }
0x220: {  	v60 =	vadd.f32 v45, v62;
	v45 =	vmul.f32 v46, v20;
	v46 =	vsel vm0, v48, v58  }
.Ltmp20:
0x221: {  	v58 =	vadd.f32 v25, v33;
	v59 =	vadd.f32 v59, v54;
	(xrf1) =	vsort.dscd.msk.f32 $0xffff, v47, v35;
	(pc) =	sbr.rel @!p3 .LBB2_30-.Ltmp20, $4  }
0x222: {  	v48 =	vor.u32 s28, v0;
	v47 =	vadd.f32 v51, v45;
	(xrf1) =	vsort.ascd.msk.f32 $0xffff, v46, v55  }
0x223: {  	vm1 =	vlt.s32 v48, v34;
	v45 =	vsub.f32 v58, v59;
	v46 =	vadd.f32 v53, v57;
	v54, v55, _ =	vpop (xrf1)  }
0x224: {  	v51 =	vadd.f32 v56, v60;
	v47 =	vadd.f32 v52, v47;
	vm3 =	vle.f32 v54, v49;
	v53, v52, _ =	vpop (xrf1)  }
0x225: {  	s26 =	sadd.s32 $0x40, s26;
	s28 =	sadd.s32 $0x10, s28;
	vm8 =	vlt.s32 v48, v19;
	vm0 =	vge.s32 v48, v23;
	vm2 =	vlt.s32 v48, v29  }
.LBB2_31:
0x226: {  	v17 =	vsel @p1 vm3, v54, v49;
	v18 =	vsel @p1 vm3, v55, v50  }
0x227: {  	v15, v16, _ =	vpop @p1 (xrf1);
	(xrf1) =	vsort.ascd.msk.f32 @p1 $0xffff, v17, v18  }
0x228: {  	v19, v20, _ =	vpop @p2 (xrf1)  }
0x229: {  	vm4 =	vge.s32 v48, v14;
	v17 =	vpsel p2, v19, v9  }
0x22a: {  	(xrf1) =	vsort.dscd.msk.f32 @p0 $0xffff, v40, v35;
	v20 =	vpsel p2, v20, v8;
	vm3 =	vle.f32 @p1 v17, v53;
	v18, v19, _ =	vpop @p0 (xrf1)  }
0x22b: {  	(xrf1) =	vsort.dscd.msk.f32 @p0 $0xffff, v43, v35;
	v17 =	vsel @p1 vm3, v17, v53;
	v14, v21, _ =	vpop @p2 (xrf1);
	v20 =	vsel @p1 vm3, v20, v52  }
0x22c: {  	vm1 =	vmor vm1, vm4;
	v14 =	vpsel p2, v14, v9;
	(xrf1) =	vsort.ascd.msk.f32 @p1 $0xffff, v17, v20  }
0x22d: {  	v54 =	vsel vm1, $0x7F61B1E6, v45;
	v20 =	vpsel p2, v21, v8;
	vm1 =	vle.f32 @p1 v14, v15  }
0x22e: {  	(xrf1) =	vsort.dscd.msk.f32 $0xffff, v54, v48;
	v16 =	vsel @p1 vm1, v20, v16;
	v14 =	vsel @p1 vm1, v14, v15  }
0x22f: {  	(xrf1) =	vsort.ascd.msk.f32 @p1 $0xffff, v14, v16;
	_ =	sdelay $0x1  }
0x230: {  	v12 =	vadd.f32 v25, v12  }
0x231: {  	vm10 =	vge.s32 v48, v13;
	v13, v15, _ =	vpop @p0 (xrf1)  }
0x232: {  	vm11 =	vge.s32 v48, v10;
	vm4 =	vlt.s32 v48, v11;
	v12 =	vsub.f32 v12, v47;
	v11, v16, _ =	vpop @p1 (xrf1)  }
0x233: {  	v10 =	vadd.f32 v39, v46;
	vm0 =	vmor vm4, vm0;
	v11 =	vpsel p1, v11, v9  }
0x234: {  	v12 =	vsel vm0, $0x7F61B1E6, v12;
	v16 =	vpsel p1, v16, v8;
	vm4 =	vle.f32 @p0 v11, v13;
	v17, v20, _ =	vpop @p1 (xrf1)  }
0x235: {  	v19 =	vpsel p0, v19, v37;
	v15 =	vsel @p0 vm4, v16, v15;
	v16 =	vpsel p1, v17, v9  }
0x236: {  	(xrf1) =	vsort.dscd.msk.f32 $0xffff, v12, v48;
	v11 =	vsel @p0 vm4, v11, v13;
	vm1 =	vle.f32 @p0 v16, v18  }
0x237: {  	(xrf1) =	vsort.ascd.msk.f32 @p0 $0xffff, v11, v15;
	v11 =	vpsel p0, v18, v38;
	v12, v13, _ =	vpop @p0 (xrf1);
	v18 =	vpsel p1, v20, v8;
	vm7 =	vmmov @p0 vm1  }
0x238: {  	v15, v17, _ =	vpop @p0 (xrf1);
	v11 =	vsel @p0 vm7, v16, v11;
	v16 =	vsel @p0 vm7, v18, v19  }
0x239: {  	v10 =	vsub.f32 v36, v10;
	v12 =	vpsel p0, v12, v42;
	v20, v21, _ =	vpop @p1 (xrf1);
	(xrf1) =	vsort.ascd.msk.f32 @p0 $0xffff, v11, v16  }
0x23a: {  	v55 =	vsub.f32 v44, v51;
	vm9 =	vmor vm2, vm10;
	v18 =	vpsel p1, v20, v9  }
0x23b: {  	vm10 =	vmor vm8, vm11;
	v10 =	vsel vm9, $0x7F61B1E6, v10;
	v56, v57, _ =	vpop (xrf1);
	vm0 =	vle.f32 @p0 v18, v12  }
0x23c: {  	v13 =	vpsel p0, v13, v41;
	v11 =	vsel vm10, $0x7F61B1E6, v55;
	(xrf1) =	vsort.dscd.msk.f32 $0xffff, v10, v48;
	v10 =	vsel @p0 vm0, v18, v12;
	v12, v14, _ =	vpop @p1 (xrf1)  }
0x23d: {  	v16 =	vpsel p1, v21, v8;
	(xrf1) =	vsort.dscd.msk.f32 $0xffff, v11, v48;
	v12 =	vpsel p1, v12, v9  }
0x23e: {  	v11 =	vsel @p0 vm0, v16, v13;
	v13 =	vpsel p1, v14, v8;
	vm0 =	vle.f32 @p0 v12, v15  }
0x23f: {  	(xrf1) =	vsort.ascd.msk.f32 @p0 $0xffff, v10, v11;
	v10 =	vsel @p0 vm0, v13, v17;
	v11 =	vsel @p0 vm0, v12, v15  }
0x240: {  	(xrf1) =	vsort.ascd.msk.f32 @p0 $0xffff, v11, v10;
	_ =	sdelay $0x4  }
0x241: {  	v10, v11, _ =	vpop (xrf1)  }
0x242: {  	v12, v13, _ =	vpop @p0 (xrf1)  }
0x243: {  	v12 =	vpsel p0, v12, v9;
	v14, v15, _ =	vpop @p0 (xrf1)  }
0x244: {  	v13 =	vpsel p0, v13, v8;
	vm11 =	vle.f32 v12, v10;
	v60 =	vpsel p0, v14, v9  }
0x245: {  	v11 =	vsel vm11, v13, v11;
	v10 =	vsel vm11, v12, v10;
	vm9 =	vle.f32 v60, v56  }
0x246: {  	(xrf1) =	vsort.ascd.msk.f32 $0xffff, v10, v11;
	v10 =	vpsel p0, v15, v8;
	v12 =	vsel vm9, v60, v56  }
0x247: {  	v58, v59, _ =	vpop (xrf1);
	v10 =	vsel vm9, v10, v57  }
0x248: {  	v61, v62, _ =	vpop (xrf1)  }
0x249: {  	v11, v15, _ =	vpop @p0 (xrf1)  }
0x24a: {  	v11 =	vpsel p0, v11, v9;
	(xrf1) =	vsort.ascd.msk.f32 $0xffff, v12, v10;
	v10, v12, _ =	vpop @p0 (xrf1)  }
0x24b: {  	vm10 =	vle.f32 v11, v58;
	v9 =	vpsel p0, v10, v9;
	v10 =	vpsel p0, v15, v8  }
0x24c: {  	v11 =	vsel vm10, v11, v58;
	v10 =	vsel vm10, v10, v59  }
0x24d: {  	v8 =	vpsel p0, v12, v8;
	vm11 =	vle.f32 v9, v61;
	(xrf1) =	vsort.ascd.msk.f32 $0xffff, v11, v10  }
0x24e: {  	v8 =	vsel vm11, v8, v62;
	v9 =	vsel vm11, v9, v61  }
0x24f: {  	(xrf1) =	vsort.ascd.msk.f32 $0xffff, v9, v8;
	_ =	sdelay $0x9  }
0x250: {  	v8, v11, _ =	vpop (xrf1)  }
0x251: {  	v8, v9, _ =	vpop (xrf1)  }
0x252: {  	v8, v10, _ =	vpop (xrf1);
	_ =	sdelay $0x1  }
0x253: {  	v63, v8, _ =	vpop (xrf1)  }
.LBB2_32:
0x254: {  	(v2sf) =	vpush v2, $0x8  }
0x255: {  	(v2sf) =	vpush v2, $0x9;
	_ =	sdelay $0x1  }
0x256: {  	(v2sf) =	vpush v2, $0xA  }
0x257: {  	(v2sf) =	vpush v2, $0xB  }
0x258: {  	(v2sf) =	vpush v3, $0x8  }
0x259: {  	(v2sf) =	vpush v3, $0x9  }
0x25a: {  	(v2sf) =	vpush v3, $0xA  }
0x25b: {  	(v2sf) =	vpush v3, $0xB;
	_ =	sdelay $0x5  }
0x25c: {  	(v2sf) =	vpush v7, $0x8  }
0x25d: {  	(v2sf) =	vpush v5, $0x8;
	s0 =	spop (v2sf)  }
0x25e: {  	(v2sf) =	vpush v6, $0x8;
	s1 =	spop (v2sf)  }
0x25f: {  	(v2sf) =	vpush v7, $0x9;
	p0 =	slt.s32 s0, s1  }
0x260: {  	s2 =	spop (v2sf);
	s1 =	smov.u32 @p0 s0  }
0x261: {  	s5 =	spop (v2sf);
	p0 =	slt.s32 s1, s2  }
0x262: {  	s6 =	spop (v2sf);
	s2 =	smov.u32 @p0 s1  }
0x263: {  	(v2sf) =	vpush v5, $0x9;
	s7 =	spop (v2sf);
	p0 =	slt.s32 s2, s5  }
0x264: {  	(v2sf) =	vpush v6, $0x9;
	s17 =	spop (v2sf);
	p1 =	sgt.s32 s6, s7;
	s5 =	smov.u32 @p0 s2  }
0x265: {  	(v2sf) =	vpush v7, $0xA;
	s20 =	spop (v2sf);
	s7 =	smov.u32 @p1 s6;
	s26 =	sand.u32 $0xF, s5  }
0x266: {  	(v2sf) =	vpush v5, $0xA;
	s25 =	sshra.s32 s5, $0x1F;
	p0 =	slt.s32 s5, $0x1;
	p4 =	sne.s32 s26, $0x0  }
0x267: {  	(v2sf) =	vpush v6, $0xA;
	p1 =	sgt.s32 s7, s17;
	s6 =	sshrl.u32 s25, $0x1C;
	p0 =	por !p0, !p4  }
0x268: {  	(v2sf) =	vpush v7, $0xB;
	s5 =	sadd.s32 s6, s5;
	s6 =	simm.s32 $0x1;
	p0 =	por !p0, !p0  }
0x269: {  	(v2sf) =	vpush v5, $0xB;
	s17 =	smov.u32 @p1 s7;
	s5 =	sshra.s32 s5, $0x4;
	s6 =	simm.s32 @!p0 $0x0  }
0x26a: {  	(v2sf) =	vpush v6, $0xB;
	p0 =	sgt.s32 s17, s20;
	s28 =	ssub.s32 s5, s6  }
0x26b: {  	s29 =	spop (v2sf);
	s20 =	smov.u32 @p0 s17;
	s25 =	sshll.u32 s28, $0x4  }
0x26c: {  	s30 =	spop (v2sf);
	s8 =	ssub.s32 s20, s25  }
0x26d: {  	s31 =	spop (v2sf);
	s5 =	sor.u32 $0x4, s23;
	s7 =	sadd.s32 $0xF, s8  }
0x26e: {  	s2 =	spop (v2sf);
	s6 =	sadd.s32 s4, s5;
	s8 =	sand.u32 $0xF, s7  }
0x26f: {  	p6 =	slt.s32 s7, $0x1;
	p5 =	sne.s32 s8, $0x0;
	s8 =	sshra.s32 s7, $0x1F  }
0x270: {  	s26 =	sor.u32 $0x2, s6;
	s8 =	sshrl.u32 s8, $0x1C;
	p0 =	por !p6, !p5  }
0x271: {  	v12 =	vmov s6;
	s7 =	sadd.s32 s8, s7;
	p0 =	por !p0, !p0;
	s8 =	simm.s32 $0x1  }
0x272: {  	s0 =	spop (v2sf);
	vm7 =	vne.s32 v8, v12;
	v12 =	vmov s26;
	s26 =	sshra.s32 s7, $0x4;
	s8 =	simm.s32 @!p0 $0x0  }
0x273: {  	s1 =	spop (v2sf);
	s5 =	sshll.u32 s5, $0x7;
	s26 =	ssub.s32 s26, s8  }
0x274: {  	s16 =	spop (v2sf);
	s20 =	sor.u32 $0x1, s6;
	p0 =	sgt.s32 s26, $0x0  }
.Ltmp21:
0x275: {  	s5 =	sand.u32 $0x3FFFFF80, s5;
	s19 =	spop (v2sf);
	v13 =	vmov s20;
	(pc) =	sbr.rel @!p0 .LBB2_42-.Ltmp21, $4  }
0x276: {  	s6 =	sor.u32 $0x3, s6;
	s17 =	spop (v2sf);
	[tilespmem:s5+$0xEB00] =	vst.msk vm7, v8;
	vm8 =	vne.s32 v11, v13  }
0x277: {  	v8 =	vmov s6;
	vm9 =	vne.s32 v10, v12;
	s20 =	spop (v2sf);
	[tilespmem:s24+$0xED80] =	vst.msk vm8, v11  }
0x278: {  	v12 =	vimm.s32 $0x0;
	vm10 =	vne.s32 v9, v8;
	v8 =	vimm.s32 $0x0;
	s5 =	spop (v2sf);
	[tilespmem:s24+$0xEE00] =	vst.msk vm9, v10  }
0x279: {  	v11 =	vimm.s32 $0x0;
	v10 =	vimm.s32 $0x0;
	[tilespmem:s24+$0xEE80] =	vst.msk vm10, v9;
	s6 =	spop (v2sf);
	v9 =	vimm.s32 $0x0  }
0x27a: {  	s7 =	sadd.f32 s29, s29  }
0x27b: {  	s8 =	sadd.f32 s30, s30  }
0x27c: {  	s30 =	sadd.f32 s16, s16  }
0x27d: {  	s0 =	sadd.f32 s0, s0;
	v19 =	vbroadcast v4, $0x8;
	v20 =	vbroadcast v2, $0x8;
	s28 =	sshll.u32 s28, $0x6  }
0x27e: {  	s31 =	sadd.f32 s31, s31;
	v11 =	vbroadcast v3, $0x8;
	v13 =	vbroadcast v4, $0x9;
	s29 =	sand.u32 $0x70, s25;
	v25 =	vmov s30;
	s30 =	sand.u32 $0xFFFFFE00, s28  }
0x27f: {  	s2 =	sadd.f32 s2, s2;
	v12 =	vbroadcast v2, $0x9;
	v24 =	vbroadcast v3, $0x9;
	v22 =	vmov s0;
	s0 =	sor.u32 s29, s30  }
0x280: {  	s1 =	sadd.f32 s1, s1;
	v29 =	vbroadcast v4, $0xA;
	v30 =	vbroadcast v2, $0xA;
	v36 =	vld [tilespmem:s0+$0x100]  }
0x281: {  	v14 =	vbroadcast v3, $0xA;
	v34 =	vbroadcast v4, $0xB;
	v18 =	vmov s31;
	s31 =	sadd.f32 s19, s19;
	v38 =	vld [tilespmem:s0+$0x0]  }
0x282: {  	s16 =	sadd.f32 s17, s17;
	v35 =	vbroadcast v2, $0xB;
	v15 =	vbroadcast v3, $0xB;
	v39 =	vld [tilespmem:s0+$0x80]  }
0x283: {  	s17 =	sadd.f32 s20, s20;
	v10 =	vimm.f32 $3.000000010e+38;
	v9 =	vimm.s32 $0x0;
	v27 =	vmov s31;
	s31 =	sshra.s32 s28, $0x2  }
0x284: {  	v16 =	vmov s7;
	v17 =	vmov s8;
	v23 =	vmov s1;
	s19 =	sadd.f32 s5, s5;
	v26 =	vld [tilespmem:s31+$0xA000]  }
0x285: {  	v21 =	vmov s2;
	v31 =	vmov s17;
	v41 =	vmul.f32 v36, v23  }
0x286: {  	s20 =	sadd.f32 s6, s6;
	v32 =	vmov s19;
	v42 =	vmul.f32 v36, v18;
	v37 =	vmul.f32 v38, v31  }
0x287: {  	v28 =	vmov s16;
	v43 =	vmul.f32 v39, v17;
	v40 =	vmul.f32 v39, v32  }
0x288: {  	v33 =	vmov s20;
	v44 =	vmul.f32 v38, v25;
	v46 =	vmul.f32 v38, v16  }
0x289: {  	v47 =	vmul.f32 v36, v33;
	v48 =	vmul.f32 v39, v22;
	v45 =	vadd.f32 v26, v19  }
0x28a: {  	p3 =	seq.s32 s26, $0x1;
	v38 =	vmul.f32 v38, v21;
	v50 =	vadd.f32 v26, v34;
	v40 =	vadd.f32 v40, v37  }
.Ltmp22:
0x28b: {  	v39 =	vmul.f32 v39, v27;
	v37 =	vadd.f32 v26, v29;
	v43 =	vadd.f32 v43, v46;
	(pc) =	sbr.rel @p3 .LBB2_34-.Ltmp22, $4  }
0x28c: {  	v38 =	vadd.f32 v48, v38;
	v49 =	vadd.f32 v47, v40;
	v40 =	vmul.f32 v36, v28  }
0x28d: {  	v36 =	vor.u32 s25, v0;
	v47 =	vadd.f32 v39, v44;
	v52 =	vadd.f32 v42, v43  }
0x28e: {  	p0 =	por $0x0, $0x0;
	p1 =	por $0x0, $0x0;
	p2 =	por $0x0, $0x0;
	v48 =	vadd.f32 v41, v38;
	vm1 =	vlt.s32 v36, v35;
	vm12 =	vlt.s32 v36, v20  }
0x28f: {  	s1 =	sadd.s32 $0x40, s28;
	s0 =	sadd.s32 $0xFFFFFFFF, s26;
	s25 =	sadd.s32 $0x10, s25;
	vm0 =	vge.s32 v36, v24;
	vm2 =	vlt.s32 v36, v30;
	v46 =	vsub.f32 v50, v49  }
0x290: {  	s2 =	sand.u32 $0x70, s25;
	s5 =	sand.u32 $0xFFFFFE00, s1  }
0x291: {  	s2 =	sor.u32 s2, s5  }
0x292: {  	v38 =	vld [tilespmem:s2+$0x100]  }
0x293: {  	v42 =	vsub.f32 v45, v52;
	vm3 =	vge.s32 v36, v14;
	v26 =	vadd.f32 v26, v13;
	v39 =	vld [tilespmem:s2+$0x0]  }
0x294: {  	vm4 =	vge.s32 v36, v11;
	vm5 =	vge.s32 v36, v15;
	vm11 =	vlt.s32 v36, v12;
	v43 =	vld [tilespmem:s2+$0x80]  }
0x295: {  	v40 =	vadd.f32 v40, v47;
	s31 =	sshra.s32 s1, $0x2;
	vm1 =	vmor vm1, vm5;
	v41 =	vsub.f32 v26, v48  }
0x296: {  	vm2 =	vmor vm2, vm3;
	vm0 =	vmor vm11, vm0;
	v44 =	vsel vm1, $0x7F61B1E6, v46;
	v26 =	vld [tilespmem:s31+$0xA000]  }
0x297: {  	v37 =	vsub.f32 v37, v40;
	v57 =	vsel vm0, $0x7F61B1E6, v41;
	v48 =	vmul.f32 v38, v23  }
0x298: {  	vm0 =	vmor vm12, vm4;
	v49 =	vmul.f32 v38, v18;
	v58 =	vmul.f32 v39, v31  }
0x299: {  	v41 =	vsel vm2, $0x7F61B1E6, v37;
	v59 =	vmul.f32 v43, v17;
	v50 =	vmul.f32 v39, v25  }
0x29a: {  	(xrf1) =	vsort.dscd.msk.f32 $0xffff, v44, v36;
	v44 =	vsel vm0, $0x7F61B1E6, v42;
	v51 =	vmul.f32 v43, v32;
	v60 =	vmul.f32 v43, v27  }
0x29b: {  	v53 =	vmul.f32 v39, v16;
	v45 =	vadd.f32 v26, v19;
	v37 =	vadd.f32 v26, v29  }
0x29c: {  	p3 =	seq.s32 s0, $0x1;
	v43 =	vmul.f32 v43, v22;
	v39 =	vmul.f32 v39, v21;
	v62 =	vadd.f32 v26, v34  }
.Ltmp23:
0x29d: {  	v54 =	vmul.f32 v38, v33;
	v40 =	vadd.f32 v51, v58;
	v63 =	vadd.f32 v59, v53;
	(pc) =	sbr.rel @p3 .LBB2_36-.Ltmp23, $4  }
0x29e: {  	(xrf1) =	vsort.dscd.msk.f32 $0xffff, v57, v36;
	v39 =	vadd.f32 v43, v39;
	v53 =	vor.u32 s25, v0;
	v47 =	vadd.f32 v60, v50  }
0x29f: {  	vm1 =	vlt.s32 v53, v35;
	vm12 =	vlt.s32 v53, v20;
	v61 =	vadd.f32 v54, v40  }
0x2a0: {  	s0 =	sadd.s32 $0xFFFFFFFF, s0;
	vm0 =	vge.s32 v53, v24;
	vm2 =	vlt.s32 v53, v30;
	v52 =	vadd.f32 v49, v63  }
0x2a1: {  	s28 =	sadd.s32 $0x10, s25;
	p0 =	por $0x1, $0x1;
	s2 =	sadd.s32 $0x40, s1;
	v40 =	vmul.f32 v38, v28;
	v48 =	vadd.f32 v48, v39;
	v46 =	vsub.f32 v62, v61  }
0x2a2: {  	s1 =	sand.u32 $0x70, s28;
	s5 =	sand.u32 $0xFFFFFE00, s2  }
0x2a3: {  	s1 =	sor.u32 s1, s5  }
0x2a4: {  	v42 =	vld [tilespmem:s1+$0x100]  }
0x2a5: {  	v43 =	vsub.f32 v45, v52;
	vm3 =	vge.s32 v53, v14;
	v49 =	vld [tilespmem:s1+$0x0]  }
0x2a6: {  	vm4 =	vge.s32 v53, v11;
	vm5 =	vge.s32 v53, v15;
	v26 =	vadd.f32 v26, v13;
	v50 =	vld [tilespmem:s1+$0x80]  }
0x2a7: {  	vm11 =	vlt.s32 v53, v12;
	(xrf1) =	vsort.dscd.msk.f32 $0xffff, v41, v36;
	s31 =	sshra.s32 s2, $0x2;
	v38 =	vadd.f32 v40, v47;
	vm2 =	vmor vm2, vm3  }
0x2a8: {  	vm1 =	vmor vm1, vm5;
	vm0 =	vmor vm11, vm0;
	v39 =	vsub.f32 v26, v48;
	v26 =	vld [tilespmem:s31+$0xA000]  }
0x2a9: {  	v60 =	vsel vm1, $0x7F61B1E6, v46;
	v37 =	vsub.f32 v37, v38;
	v48 =	vmul.f32 v42, v23  }
0x2aa: {  	v47 =	vsel vm0, $0x7F61B1E6, v39;
	v51 =	vmul.f32 v42, v18;
	v61 =	vmul.f32 v49, v31  }
0x2ab: {  	(xrf1) =	vsort.dscd.msk.f32 $0xffff, v44, v36;
	vm0 =	vmor vm12, vm4;
	v52 =	vmul.f32 v50, v17;
	v54 =	vmul.f32 v49, v25  }
0x2ac: {  	v41 =	vsel vm2, $0x7F61B1E6, v37;
	v39, v38, _ =	vpop (xrf1);
	(xrf1) =	vsort.dscd.msk.f32 $0xffff, v60, v53;
	v62 =	vmul.f32 v50, v32;
	v57 =	vmul.f32 v49, v16  }
0x2ad: {  	v40 =	vmul.f32 v42, v28;
	v45 =	vadd.f32 v26, v19;
	v42 =	vmul.f32 v42, v33  }
0x2ae: {  	v60 =	vmul.f32 v50, v22;
	v49 =	vmul.f32 v49, v21;
	v36 =	vadd.f32 v62, v61  }
0x2af: {  	v55 =	vmul.f32 v50, v27;
	v37 =	vadd.f32 v26, v29;
	v52 =	vadd.f32 v52, v57  }
0x2b0: {  	p3 =	seq.s32 s0, $0x1;
	vm11 =	vle.f32 v10, v39;
	v49 =	vadd.f32 v60, v49;
	v63, v56, _ =	vpop (xrf1);
	v42 =	vadd.f32 v42, v36  }
.Ltmp24:
0x2b1: {  	v44 =	vsel vm0, $0x7F61B1E6, v43;
	(xrf1) =	vsort.dscd.msk.f32 $0xffff, v47, v53;
	v47 =	vadd.f32 v55, v54;
	vm1 =	vle.f32 v10, v63;
	(pc) =	sbr.rel @p3 .LBB2_38-.Ltmp24, $4  }
0x2b2: {  	v36 =	vor.u32 s28, v0;
	v52 =	vadd.f32 v51, v52;
	v48 =	vadd.f32 v48, v49  }
0x2b3: {  	v61 =	vsel vm1, v9, v56;
	v62 =	vsel vm1, v10, v63;
	v63 =	vadd.f32 v26, v34  }
0x2b4: {  	s25 =	sadd.s32 $0xFFFFFFFF, s0;
	vm1 =	vlt.s32 v36, v35;
	vm12 =	vlt.s32 v36, v20;
	vm0 =	vge.s32 v36, v24  }
0x2b5: {  	s26 =	sadd.s32 $0x40, s2;
	p1 =	por $0x1, $0x1;
	s28 =	sadd.s32 $0x10, s28;
	vm2 =	vlt.s32 v36, v30;
	(xrf1) =	vsort.ascd.msk.f32 $0xffff, v62, v61;
	v46 =	vsub.f32 v63, v42;
	v43, v42, _ =	vpop (xrf1)  }
0x2b6: {  	s0 =	sand.u32 $0x70, s28;
	s1 =	sand.u32 $0xFFFFFE00, s26;
	v49 =	vsub.f32 v45, v52  }
0x2b7: {  	vm3 =	vge.s32 v36, v14;
	v61 =	vsel vm11, v10, v39;
	v50 =	vsel vm11, v9, v38;
	s0 =	sor.u32 s0, s1  }
0x2b8: {  	vm4 =	vge.s32 v36, v11;
	vm5 =	vge.s32 v36, v15;
	v26 =	vadd.f32 v26, v13;
	v52 =	vld [tilespmem:s0+$0x100]  }
0x2b9: {  	vm13 =	vlt.s32 v36, v12;
	v40 =	vadd.f32 v40, v47;
	(xrf1) =	vsort.ascd.msk.f32 $0xffff, v61, v50;
	v47 =	vld [tilespmem:s0+$0x0]  }
0x2ba: {  	vm2 =	vmor vm2, vm3;
	vm3 =	vle.f32 v10, v43;
	v54 =	vld [tilespmem:s0+$0x80];
	v48 =	vsub.f32 v26, v48  }
0x2bb: {  	s31 =	sshra.s32 s26, $0x2;
	vm1 =	vmor vm1, vm5;
	(xrf1) =	vsort.dscd.msk.f32 $0xffff, v41, v53;
	v62 =	vsel vm3, v10, v43;
	v37 =	vsub.f32 v37, v40;
	v45, v50, _ =	vpop (xrf1)  }
0x2bc: {  	v46 =	vsel vm1, $0x7F61B1E6, v46;
	v26 =	vld [tilespmem:s31+$0xA000];
	v63 =	vsel vm3, v9, v42;
	(xrf1) =	vsort.dscd.msk.f32 $0xffff, v44, v53;
	vm1 =	vle.f32 v10, v45  }
0x2bd: {  	vm0 =	vmor vm13, vm0;
	(xrf1) =	vsort.ascd.msk.f32 $0xffff, v62, v63;
	v44 =	vsel vm1, v9, v50;
	v53 =	vmul.f32 v52, v23  }
0x2be: {  	v48 =	vsel vm0, $0x7F61B1E6, v48;
	v50, v51, _ =	vpop (xrf1);
	(xrf1) =	vsort.dscd.msk.f32 $0xffff, v46, v36;
	v57 =	vmul.f32 v52, v18;
	v55 =	vmul.f32 v47, v31  }
0x2bf: {  	v45 =	vsel vm1, v10, v45;
	v46 =	vmul.f32 v54, v17;
	v56 =	vmul.f32 v47, v25  }
0x2c0: {  	v41 =	vsel vm2, $0x7F61B1E6, v37;
	v60 =	vmul.f32 v54, v27;
	v61 =	vmul.f32 v54, v32;
	(xrf1) =	vsort.ascd.msk.f32 $0xffff, v45, v44  }
0x2c1: {  	v63 =	vmul.f32 v47, v16;
	v40 =	vmul.f32 v52, v28;
	v45 =	vadd.f32 v26, v19  }
0x2c2: {  	v37 =	vadd.f32 v26, v29;
	v54 =	vmul.f32 v54, v22;
	v47 =	vmul.f32 v47, v21;
	v58, v59, _ =	vpop (xrf1)  }
0x2c3: {  	vm0 =	vmor vm12, vm4;
	v52 =	vmul.f32 v52, v33;
	v55 =	vadd.f32 v61, v55;
	(xrf1) =	vsort.dscd.msk.f32 $0xffff, v48, v36;
	v44, v62, _ =	vpop (xrf1)  }
0x2c4: {  	p3 =	seq.s32 s25, $0x1;
	v63 =	vadd.f32 v46, v63;
	v54 =	vadd.f32 v54, v47;
	vm1 =	vle.f32 v44, v58  }
.Ltmp25:
0x2c5: {  	v52 =	vadd.f32 v52, v55;
	v59 =	vsel vm1, v62, v59;
	v58 =	vsel vm1, v44, v58;
	(pc) =	sbr.rel @p3 .LBB2_41-.Ltmp25, $4  }
0x2c6: {  	v44 =	vsel vm0, $0x7F61B1E6, v49;
	v62 =	vadd.f32 v26, v34;
	v49 =	vor.u32 s28, v0;
	(xrf1) =	vsort.ascd.msk.f32 $0xffff, v58, v59  }
0x2c7: {  	v47 =	vadd.f32 v60, v56;
	v48 =	vadd.f32 v53, v54;
	v55, v56, _ =	vpop (xrf1);
	vm1 =	vlt.s32 v49, v35  }
0x2c8: {  	s25 =	sadd.s32 $0xFFFFFFFF, s25;
	vm3 =	vle.f32 v55, v50;
	v46 =	vsub.f32 v62, v52;
	v52 =	vadd.f32 v57, v63  }
0x2c9: {  	s26 =	sadd.s32 $0x40, s26;
	p2 =	por $0x1, $0x1;
	s28 =	sadd.s32 $0x10, s28;
	v54, v53, _ =	vpop (xrf1);
	vm12 =	vlt.s32 v49, v20;
	vm0 =	vge.s32 v49, v24;
	vm2 =	vlt.s32 v49, v30  }
.LBB2_40:
0x2ca: {  	s0 =	sand.u32 $0x70, s28;
	s1 =	sand.u32 $0xFFFFFE00, s26;
	p3 =	seq.s32 s25, $0x1;
	v45 =	vsub.f32 v45, v52;
	vm5 =	vge.s32 v49, v14;
	v52 =	vsel vm3, v55, v50;
	v55, v57, _ =	vpop (xrf1)  }
0x2cb: {  	s25 =	sadd.s32 $0xFFFFFFFF, s25;
	vm4 =	vge.s32 v49, v11;
	vm13 =	vge.s32 v49, v15;
	v61 =	vsel vm3, v56, v51;
	s0 =	sor.u32 s0, s1;
	v58, v59, _ =	vpop (xrf1)  }
0x2cc: {  	v26 =	vadd.f32 v26, v13;
	vm3 =	vlt.s32 v49, v12;
	v40 =	vadd.f32 v40, v47;
	v60 =	vld [tilespmem:s0+$0x100];
	v50, v51, _ =	vpop (xrf1)  }
0x2cd: {  	vm2 =	vmor vm2, vm5;
	vm1 =	vmor vm1, vm13;
	vm5 =	vle.f32 v58, v54;
	v47 =	vld [tilespmem:s0+$0x0];
	(xrf1) =	vsort.ascd.msk.f32 $0xffff, v52, v61  }
0x2ce: {  	v48 =	vsub.f32 v26, v48;
	v46 =	vsel vm1, $0x7F61B1E6, v46;
	v52 =	vld [tilespmem:s0+$0x80];
	(xrf1) =	vsort.dscd.msk.f32 $0xffff, v41, v36;
	v41 =	vsel vm5, v58, v54;
	v54, v56, _ =	vpop (xrf1)  }
0x2cf: {  	vm0 =	vmor vm3, vm0;
	v37 =	vsub.f32 v37, v40;
	s0 =	sshra.s32 s26, $0x2;
	vm1 =	vle.f32 v54, v55  }
0x2d0: {  	v40 =	vsel vm5, v59, v53;
	v48 =	vsel vm0, $0x7F61B1E6, v48;
	v26 =	vld [tilespmem:s0+$0xA000];
	(xrf1) =	vsort.dscd.msk.f32 $0xffff, v44, v36;
	v36 =	vmov v49  }
0x2d1: {  	vm0 =	vmor vm12, vm4;
	v49 =	vsel vm1, v56, v57;
	v53 =	vmul.f32 v60, v23;
	(xrf1) =	vsort.ascd.msk.f32 $0xffff, v41, v40  }
0x2d2: {  	v57 =	vmul.f32 v60, v18;
	v41 =	vsel vm2, $0x7F61B1E6, v37;
	v56 =	vmul.f32 v47, v31;
	(xrf1) =	vsort.dscd.msk.f32 $0xffff, v46, v36  }
0x2d3: {  	v37 =	vsel vm1, v54, v55;
	v58 =	vmul.f32 v47, v25;
	v46 =	vmul.f32 v52, v17;
	v59, v61, _ =	vpop (xrf1)  }
0x2d4: {  	v44 =	vsel vm0, $0x7F61B1E6, v45;
	v54 =	vmul.f32 v52, v27;
	v55 =	vmul.f32 v52, v32;
	(xrf1) =	vsort.ascd.msk.f32 $0xffff, v37, v49;
	v49, v62, _ =	vpop (xrf1)  }
0x2d5: {  	v40 =	vmul.f32 v60, v28;
	v63 =	vmul.f32 v47, v16;
	vm0 =	vle.f32 v49, v59  }
0x2d6: {  	v60 =	vmul.f32 v60, v33;
	v45 =	vadd.f32 v26, v19;
	v37 =	vadd.f32 v26, v29  }
0x2d7: {  	v52 =	vmul.f32 v52, v22;
	v55 =	vadd.f32 v55, v56;
	v56 =	vsel vm0, v62, v61  }
0x2d8: {  	v61 =	vadd.f32 v46, v63;
	v46 =	vmul.f32 v47, v21;
	v47 =	vsel vm0, v49, v59  }
.Ltmp26:
0x2d9: {  	v59 =	vadd.f32 v26, v34;
	v60 =	vadd.f32 v60, v55;
	(xrf1) =	vsort.dscd.msk.f32 $0xffff, v48, v36;
	(pc) =	sbr.rel @!p3 .LBB2_40-.Ltmp26, $4  }
0x2da: {  	v49 =	vor.u32 s28, v0;
	v48 =	vadd.f32 v52, v46;
	(xrf1) =	vsort.ascd.msk.f32 $0xffff, v47, v56  }
0x2db: {  	vm1 =	vlt.s32 v49, v35;
	v46 =	vsub.f32 v59, v60;
	v47 =	vadd.f32 v54, v58;
	v55, v56, _ =	vpop (xrf1)  }
0x2dc: {  	v52 =	vadd.f32 v57, v61;
	v48 =	vadd.f32 v53, v48;
	vm3 =	vle.f32 v55, v50;
	v54, v53, _ =	vpop (xrf1)  }
0x2dd: {  	s26 =	sadd.s32 $0x40, s26;
	s28 =	sadd.s32 $0x10, s28;
	vm12 =	vlt.s32 v49, v20;
	vm0 =	vge.s32 v49, v24;
	vm2 =	vlt.s32 v49, v30  }
.LBB2_41:
0x2de: {  	v18 =	vsel @p1 vm3, v55, v50;
	v19 =	vsel @p1 vm3, v56, v51  }
0x2df: {  	v16, v17, _ =	vpop @p1 (xrf1);
	(xrf1) =	vsort.ascd.msk.f32 @p1 $0xffff, v18, v19  }
0x2e0: {  	v20, v21, _ =	vpop @p2 (xrf1)  }
0x2e1: {  	vm4 =	vge.s32 v49, v15;
	v18 =	vpsel p2, v20, v10  }
0x2e2: {  	(xrf1) =	vsort.dscd.msk.f32 @p0 $0xffff, v41, v36;
	v21 =	vpsel p2, v21, v9;
	vm3 =	vle.f32 @p1 v18, v54;
	v19, v20, _ =	vpop @p0 (xrf1)  }
0x2e3: {  	(xrf1) =	vsort.dscd.msk.f32 @p0 $0xffff, v44, v36;
	v18 =	vsel @p1 vm3, v18, v54;
	v15, v22, _ =	vpop @p2 (xrf1);
	v21 =	vsel @p1 vm3, v21, v53  }
0x2e4: {  	vm1 =	vmor vm1, vm4;
	v15 =	vpsel p2, v15, v10;
	(xrf1) =	vsort.ascd.msk.f32 @p1 $0xffff, v18, v21  }
0x2e5: {  	v59 =	vsel vm1, $0x7F61B1E6, v46;
	v21 =	vpsel p2, v22, v9;
	vm1 =	vle.f32 @p1 v15, v16  }
0x2e6: {  	(xrf1) =	vsort.dscd.msk.f32 $0xffff, v59, v49;
	v17 =	vsel @p1 vm1, v21, v17;
	v15 =	vsel @p1 vm1, v15, v16  }
0x2e7: {  	(xrf1) =	vsort.ascd.msk.f32 @p1 $0xffff, v15, v17  }
0x2e8: {  	v13 =	vadd.f32 v26, v13;
	_ =	sdelay $0x1  }
0x2e9: {  	vm4 =	vlt.s32 v49, v12;
	v13 =	vsub.f32 v13, v48;
	vm1 =	vge.s32 v49, v14;
	v14, v16, _ =	vpop @p0 (xrf1)  }
0x2ea: {  	vm0 =	vmor vm4, vm0;
	vm3 =	vge.s32 v49, v11;
	v12, v17, _ =	vpop @p1 (xrf1)  }
0x2eb: {  	v11 =	vadd.f32 v40, v47;
	v13 =	vsel vm0, $0x7F61B1E6, v13;
	v12 =	vpsel p1, v12, v10  }
0x2ec: {  	v20 =	vpsel p0, v20, v38;
	v17 =	vpsel p1, v17, v9;
	vm4 =	vle.f32 @p0 v12, v14;
	v18, v21, _ =	vpop @p1 (xrf1)  }
0x2ed: {  	v15 =	vsub.f32 v45, v52;
	v16 =	vsel @p0 vm4, v17, v16;
	v17 =	vpsel p1, v18, v10  }
0x2ee: {  	vm0 =	vmor vm2, vm1;
	(xrf1) =	vsort.dscd.msk.f32 $0xffff, v13, v49;
	v12 =	vsel @p0 vm4, v12, v14;
	vm1 =	vle.f32 @p0 v17, v19  }
0x2ef: {  	(xrf1) =	vsort.ascd.msk.f32 @p0 $0xffff, v12, v16;
	v12 =	vpsel p0, v19, v39;
	v13, v14, _ =	vpop @p0 (xrf1);
	v19 =	vpsel p1, v21, v9;
	vm11 =	vmmov @p0 vm1  }
0x2f0: {  	v16, v18, _ =	vpop @p0 (xrf1);
	v12 =	vsel @p0 vm11, v17, v12;
	v17 =	vsel @p0 vm11, v19, v20  }
0x2f1: {  	v11 =	vsub.f32 v37, v11;
	v13 =	vpsel p0, v13, v43;
	v21, v22, _ =	vpop @p1 (xrf1);
	(xrf1) =	vsort.ascd.msk.f32 @p0 $0xffff, v12, v17  }
0x2f2: {  	v19 =	vpsel p1, v21, v10  }
0x2f3: {  	vm2 =	vmor vm12, vm3;
	v11 =	vsel vm0, $0x7F61B1E6, v11;
	v60, v61, _ =	vpop (xrf1);
	vm0 =	vle.f32 @p0 v19, v13  }
0x2f4: {  	v14 =	vpsel p0, v14, v42;
	v12 =	vsel vm2, $0x7F61B1E6, v15;
	(xrf1) =	vsort.dscd.msk.f32 $0xffff, v11, v49;
	v11 =	vsel @p0 vm0, v19, v13;
	v13, v15, _ =	vpop @p1 (xrf1)  }
0x2f5: {  	v17 =	vpsel p1, v22, v9;
	(xrf1) =	vsort.dscd.msk.f32 $0xffff, v12, v49;
	v13 =	vpsel p1, v13, v10  }
0x2f6: {  	v12 =	vsel @p0 vm0, v17, v14;
	v14 =	vpsel p1, v15, v9;
	vm0 =	vle.f32 @p0 v13, v16  }
0x2f7: {  	(xrf1) =	vsort.ascd.msk.f32 @p0 $0xffff, v11, v12;
	v11 =	vsel @p0 vm0, v14, v18;
	v12 =	vsel @p0 vm0, v13, v16  }
0x2f8: {  	(xrf1) =	vsort.ascd.msk.f32 @p0 $0xffff, v12, v11;
	_ =	sdelay $0x3  }
0x2f9: {  	v11, v12, _ =	vpop (xrf1)  }
0x2fa: {  	v13, v14, _ =	vpop @p0 (xrf1)  }
0x2fb: {  	v13 =	vpsel p0, v13, v10  }
0x2fc: {  	vm0 =	vle.f32 v13, v11;
	v15, v16, _ =	vpop @p0 (xrf1)  }
0x2fd: {  	v14 =	vpsel p0, v14, v9;
	v11 =	vsel vm0, v13, v11;
	v13 =	vpsel p0, v15, v10  }
0x2fe: {  	v12 =	vsel vm0, v14, v12;
	vm0 =	vle.f32 v13, v60  }
0x2ff: {  	(xrf1) =	vsort.ascd.msk.f32 $0xffff, v11, v12;
	v11 =	vpsel p0, v16, v9;
	v13 =	vsel vm0, v13, v60  }
0x300: {  	v62, v63, _ =	vpop (xrf1);
	v11 =	vsel vm0, v11, v61  }
0x301: {  	v14, v15, _ =	vpop (xrf1)  }
0x302: {  	v12, v16, _ =	vpop @p0 (xrf1)  }
0x303: {  	v12 =	vpsel p0, v12, v10;
	(xrf1) =	vsort.ascd.msk.f32 $0xffff, v13, v11;
	v11, v13, _ =	vpop @p0 (xrf1)  }
0x304: {  	vm0 =	vle.f32 v12, v62;
	v10 =	vpsel p0, v11, v10;
	v11 =	vpsel p0, v16, v9  }
0x305: {  	v12 =	vsel vm0, v12, v62;
	v11 =	vsel vm0, v11, v63  }
0x306: {  	v9 =	vpsel p0, v13, v9;
	vm1 =	vle.f32 v10, v14;
	(xrf1) =	vsort.ascd.msk.f32 $0xffff, v12, v11  }
0x307: {  	v9 =	vsel vm1, v9, v15;
	v10 =	vsel vm1, v10, v14  }
0x308: {  	(xrf1) =	vsort.ascd.msk.f32 $0xffff, v10, v9;
	_ =	sdelay $0x7  }
0x309: {  	v9, v11, _ =	vpop (xrf1);
	_ =	sdelay $0x1  }
0x30a: {  	v10, v9, _ =	vpop (xrf1);
	_ =	sdelay $0x1  }
0x30b: {  	v12, v10, _ =	vpop (xrf1);
	_ =	sdelay $0x1  }
0x30c: {  	v13, v12, _ =	vpop (xrf1)  }
.LBB2_42:
0x30d: {  	(v2sf) =	vpush v2, $0xC  }
0x30e: {  	(v2sf) =	vpush v2, $0xD;
	_ =	sdelay $0x1  }
0x30f: {  	(v2sf) =	vpush v2, $0xE  }
0x310: {  	(v2sf) =	vpush v2, $0xF  }
0x311: {  	(v2sf) =	vpush v3, $0xC  }
0x312: {  	(v2sf) =	vpush v3, $0xD  }
0x313: {  	(v2sf) =	vpush v3, $0xE  }
0x314: {  	(v2sf) =	vpush v3, $0xF;
	_ =	sdelay $0x5  }
0x315: {  	(v2sf) =	vpush v7, $0xC  }
0x316: {  	(v2sf) =	vpush v5, $0xC;
	s0 =	spop (v2sf)  }
0x317: {  	(v2sf) =	vpush v6, $0xC;
	s1 =	spop (v2sf)  }
0x318: {  	(v2sf) =	vpush v7, $0xD;
	p0 =	slt.s32 s0, s1  }
0x319: {  	s2 =	spop (v2sf);
	s1 =	smov.u32 @p0 s0  }
0x31a: {  	s5 =	spop (v2sf);
	p0 =	slt.s32 s1, s2  }
0x31b: {  	s6 =	spop (v2sf);
	s2 =	smov.u32 @p0 s1  }
0x31c: {  	(v2sf) =	vpush v5, $0xD;
	s7 =	spop (v2sf);
	p0 =	slt.s32 s2, s5  }
0x31d: {  	(v2sf) =	vpush v6, $0xD;
	s8 =	spop (v2sf);
	p1 =	sgt.s32 s6, s7;
	s5 =	smov.u32 @p0 s2  }
0x31e: {  	(v2sf) =	vpush v7, $0xE;
	s17 =	spop (v2sf);
	s7 =	smov.u32 @p1 s6;
	s25 =	sand.u32 $0xF, s5  }
0x31f: {  	(v2sf) =	vpush v5, $0xE;
	s20 =	sshra.s32 s5, $0x1F;
	p0 =	slt.s32 s5, $0x1;
	p4 =	sne.s32 s25, $0x0  }
0x320: {  	(v2sf) =	vpush v6, $0xE;
	p1 =	sgt.s32 s7, s8;
	s6 =	sshrl.u32 s20, $0x1C;
	p0 =	por !p0, !p4  }
0x321: {  	(v2sf) =	vpush v7, $0xF;
	s5 =	sadd.s32 s6, s5;
	s6 =	simm.s32 $0x1;
	p0 =	por !p0, !p0  }
0x322: {  	(v2sf) =	vpush v5, $0xF;
	s8 =	smov.u32 @p1 s7;
	s5 =	sshra.s32 s5, $0x4;
	s6 =	simm.s32 @!p0 $0x0  }
0x323: {  	(v2sf) =	vpush v6, $0xF;
	p0 =	sgt.s32 s8, s17;
	s28 =	ssub.s32 s5, s6  }
0x324: {  	s29 =	spop (v2sf);
	s17 =	smov.u32 @p0 s8;
	s25 =	sshll.u32 s28, $0x4  }
0x325: {  	s30 =	spop (v2sf);
	s26 =	ssub.s32 s17, s25  }
0x326: {  	s31 =	spop (v2sf);
	s5 =	sor.u32 $0x8, s23;
	s7 =	sadd.s32 $0xF, s26  }
0x327: {  	s2 =	spop (v2sf);
	s6 =	sadd.s32 s4, s5;
	s26 =	sand.u32 $0xF, s7  }
0x328: {  	p6 =	slt.s32 s7, $0x1;
	p5 =	sne.s32 s26, $0x0;
	s26 =	sshra.s32 s7, $0x1F  }
0x329: {  	s8 =	sor.u32 $0x1, s6;
	s26 =	sshrl.u32 s26, $0x1C;
	p0 =	por !p6, !p5  }
0x32a: {  	v6 =	vmov s8;
	s8 =	simm.s32 $0x1;
	s7 =	sadd.s32 s26, s7;
	p0 =	por !p0, !p0  }
0x32b: {  	s0 =	spop (v2sf);
	s7 =	sshra.s32 s7, $0x4;
	s8 =	simm.s32 @!p0 $0x0  }
0x32c: {  	s1 =	spop (v2sf);
	s5 =	sshll.u32 s5, $0x7;
	s26 =	ssub.s32 s7, s8  }
0x32d: {  	s16 =	spop (v2sf);
	s20 =	sor.u32 $0x2, s6;
	v5 =	vmov s6;
	p0 =	sgt.s32 s26, $0x0  }
.Ltmp27:
0x32e: {  	s5 =	sand.u32 $0x3FFFFF80, s5;
	s19 =	spop (v2sf);
	vm11 =	vne.s32 v12, v5;
	(pc) =	sbr.rel @!p0 .LBB2_54-.Ltmp27, $4  }
0x32f: {  	s6 =	sor.u32 $0x3, s6;
	v5 =	vmov s20;
	s17 =	spop (v2sf);
	[tilespmem:s5+$0xEB00] =	vst.msk vm11, v12;
	vm12 =	vne.s32 v11, v6  }
0x330: {  	v6 =	vmov s6;
	vm14 =	vne.s32 v10, v5;
	s5 =	spop (v2sf);
	[tilespmem:s24+$0xEF80] =	vst.msk vm12, v11  }
0x331: {  	vm13 =	vne.s32 v9, v6;
	s20 =	spop (v2sf);
	[tilespmem:s24+$0xF000] =	vst.msk vm14, v10  }
0x332: {  	v7 =	vimm.s32 $0x0;
	v5 =	vimm.s32 $0x0;
	v6 =	vimm.s32 $0x0;
	[tilespmem:s24+$0xF080] =	vst.msk vm13, v9;
	s6 =	spop (v2sf)  }
0x333: {  	s7 =	sadd.f32 s29, s29  }
0x334: {  	s8 =	sadd.f32 s30, s30;
	v19 =	vimm.s32 $0x0  }
0x335: {  	s30 =	sadd.f32 s16, s16;
	v12 =	vbroadcast v4, $0xC;
	v19 =	vsel vm15, $0xFFFFFFFF, v19  }
0x336: {  	s0 =	sadd.f32 s0, s0;
	v13 =	vbroadcast v2, $0xC;
	v5 =	vbroadcast v3, $0xC;
	s28 =	sshll.u32 s28, $0x6;
	[tilespmem:$0x1FF90] =	vst v19;
	v19 =	vimm.s32 $0x0  }
0x337: {  	s31 =	sadd.f32 s31, s31;
	v7 =	vbroadcast v4, $0xD;
	s29 =	sand.u32 $0x70, s25;
	v18 =	vmov s30;
	s30 =	sand.u32 $0xFFFFFE00, s28;
	v19 =	vsel vm6, $0xFFFFFFFF, v19  }
0x338: {  	s2 =	sadd.f32 s2, s2;
	v6 =	vbroadcast v2, $0xD;
	v17 =	vbroadcast v3, $0xD;
	v15 =	vmov s0;
	s0 =	sor.u32 s29, s30;
	[tilespmem:$0x1FFA0] =	vst v19  }
0x339: {  	s1 =	sadd.f32 s1, s1;
	v22 =	vbroadcast v4, $0xE;
	v23 =	vbroadcast v2, $0xE;
	v29 =	vld [tilespmem:s0+$0x100]  }
0x33a: {  	v8 =	vbroadcast v3, $0xE;
	v27 =	vbroadcast v4, $0xF;
	v11 =	vmov s31;
	s31 =	sadd.f32 s19, s19;
	v31 =	vld [tilespmem:s0+$0x0]  }
0x33b: {  	s16 =	sadd.f32 s17, s17;
	v28 =	vbroadcast v2, $0xF;
	v4 =	vbroadcast v3, $0xF;
	v32 =	vld [tilespmem:s0+$0x80]  }
0x33c: {  	s17 =	sadd.f32 s5, s5;
	v3 =	vimm.f32 $3.000000010e+38;
	v2 =	vimm.s32 $0x0;
	v20 =	vmov s31;
	s31 =	sshra.s32 s28, $0x2  }
0x33d: {  	v9 =	vmov s7;
	v10 =	vmov s8;
	v16 =	vmov s1;
	s19 =	sadd.f32 s20, s20;
	v19 =	vld [tilespmem:s31+$0xA000]  }
0x33e: {  	v14 =	vmov s2;
	v24 =	vmov s17;
	v34 =	vmul.f32 v29, v16  }
0x33f: {  	s20 =	sadd.f32 s6, s6;
	v25 =	vmov s19;
	v35 =	vmul.f32 v29, v11;
	v30 =	vmul.f32 v31, v24  }
0x340: {  	v21 =	vmov s16;
	v36 =	vmul.f32 v32, v10;
	v33 =	vmul.f32 v32, v25  }
0x341: {  	v26 =	vmov s20;
	v37 =	vmul.f32 v31, v18;
	v39 =	vmul.f32 v31, v9  }
0x342: {  	v38 =	vadd.f32 v19, v12;
	v40 =	vmul.f32 v29, v26;
	v41 =	vmul.f32 v32, v15  }
0x343: {  	p3 =	seq.s32 s26, $0x1;
	v31 =	vmul.f32 v31, v14;
	v43 =	vadd.f32 v19, v27;
	v33 =	vadd.f32 v33, v30  }
.Ltmp28:
0x344: {  	v32 =	vmul.f32 v32, v20;
	v30 =	vadd.f32 v19, v22;
	v36 =	vadd.f32 v36, v39;
	(pc) =	sbr.rel @p3 .LBB2_44-.Ltmp28, $4  }
0x345: {  	v31 =	vadd.f32 v41, v31;
	v42 =	vadd.f32 v40, v33;
	v33 =	vmul.f32 v29, v21  }
0x346: {  	v29 =	vor.u32 s25, v0;
	v40 =	vadd.f32 v32, v37;
	v45 =	vadd.f32 v35, v36  }
0x347: {  	p0 =	por $0x0, $0x0;
	p1 =	por $0x0, $0x0;
	p2 =	por $0x0, $0x0;
	v41 =	vadd.f32 v34, v31;
	vm2 =	vlt.s32 v29, v28;
	vm0 =	vlt.s32 v29, v13  }
0x348: {  	s1 =	sadd.s32 $0x40, s28;
	s0 =	sadd.s32 $0xFFFFFFFF, s26;
	s25 =	sadd.s32 $0x10, s25;
	vm1 =	vge.s32 v29, v17;
	vm3 =	vlt.s32 v29, v23;
	v39 =	vsub.f32 v43, v42  }
0x349: {  	s2 =	sand.u32 $0x70, s25;
	s5 =	sand.u32 $0xFFFFFE00, s1  }
0x34a: {  	s2 =	sor.u32 s2, s5  }
0x34b: {  	v31 =	vld [tilespmem:s2+$0x100]  }
0x34c: {  	v32 =	vld [tilespmem:s2+$0x0]  }
0x34d: {  	v35 =	vsub.f32 v38, v45;
	vm4 =	vge.s32 v29, v8;
	vm5 =	vge.s32 v29, v5;
	v36 =	vld [tilespmem:s2+$0x80]  }
0x34e: {  	vm15 =	vge.s32 v29, v4;
	v19 =	vadd.f32 v19, v7;
	vm6 =	vlt.s32 v29, v6  }
0x34f: {  	v33 =	vadd.f32 v33, v40;
	s31 =	sshra.s32 s1, $0x2;
	vm3 =	vmor vm3, vm4;
	vm2 =	vmor vm2, vm15  }
0x350: {  	vm1 =	vmor vm6, vm1;
	vm0 =	vmor vm0, vm5;
	v34 =	vsub.f32 v19, v41;
	v19 =	vld [tilespmem:s31+$0xA000]  }
0x351: {  	v37 =	vsel vm2, $0x7F61B1E6, v39;
	v30 =	vsub.f32 v30, v33;
	v57 =	vmul.f32 v31, v16  }
0x352: {  	(xrf1) =	vsort.dscd.msk.f32 $0xffff, v37, v29;
	v37 =	vsel vm0, $0x7F61B1E6, v35;
	v59 =	vmul.f32 v32, v24;
	v60 =	vmul.f32 v36, v10  }
0x353: {  	v58 =	vsel vm1, $0x7F61B1E6, v34;
	v43 =	vmul.f32 v32, v18;
	v44 =	vmul.f32 v36, v25  }
0x354: {  	v34 =	vsel vm3, $0x7F61B1E6, v30;
	v61 =	vmul.f32 v36, v20;
	v46 =	vmul.f32 v32, v9  }
0x355: {  	v38 =	vadd.f32 v19, v12;
	v36 =	vmul.f32 v36, v15;
	v32 =	vmul.f32 v32, v14  }
0x356: {  	p3 =	seq.s32 s0, $0x1;
	v47 =	vmul.f32 v31, v26;
	v30 =	vadd.f32 v19, v22;
	v33 =	vadd.f32 v44, v59  }
.Ltmp29:
0x357: {  	v42 =	vmul.f32 v31, v11;
	v63 =	vadd.f32 v19, v27;
	v32 =	vadd.f32 v36, v32;
	(pc) =	sbr.rel @p3 .LBB2_46-.Ltmp29, $4  }
0x358: {  	v40 =	vadd.f32 v61, v43;
	v62 =	vadd.f32 v47, v33;
	v33 =	vmul.f32 v31, v21  }
0x359: {  	(xrf1) =	vsort.dscd.msk.f32 $0xffff, v58, v29;
	v31 =	vadd.f32 v60, v46;
	v46 =	vor.u32 s25, v0;
	v41 =	vadd.f32 v57, v32  }
0x35a: {  	s0 =	sadd.s32 $0xFFFFFFFF, s0;
	vm2 =	vlt.s32 v46, v28;
	vm0 =	vlt.s32 v46, v13;
	vm1 =	vge.s32 v46, v17  }
0x35b: {  	s28 =	sadd.s32 $0x10, s25;
	p0 =	por $0x1, $0x1;
	s2 =	sadd.s32 $0x40, s1;
	vm3 =	vlt.s32 v46, v23;
	v39 =	vsub.f32 v63, v62;
	v45 =	vadd.f32 v42, v31  }
0x35c: {  	s1 =	sand.u32 $0x70, s28;
	s5 =	sand.u32 $0xFFFFFE00, s2  }
0x35d: {  	s1 =	sor.u32 s1, s5  }
0x35e: {  	v35 =	vld [tilespmem:s1+$0x100]  }
0x35f: {  	vm4 =	vge.s32 v46, v8;
	vm5 =	vge.s32 v46, v5;
	v42 =	vld [tilespmem:s1+$0x0]  }
0x360: {  	vm6 =	vge.s32 v46, v4;
	v19 =	vadd.f32 v19, v7;
	vm15 =	vlt.s32 v46, v6;
	v43 =	vld [tilespmem:s1+$0x80]  }
0x361: {  	v31 =	vadd.f32 v33, v40;
	(xrf1) =	vsort.dscd.msk.f32 $0xffff, v34, v29;
	s31 =	sshra.s32 s2, $0x2;
	v36 =	vsub.f32 v38, v45;
	vm3 =	vmor vm3, vm4  }
0x362: {  	vm2 =	vmor vm2, vm6;
	vm1 =	vmor vm15, vm1;
	v32 =	vsub.f32 v19, v41;
	v19 =	vld [tilespmem:s31+$0xA000]  }
0x363: {  	(xrf1) =	vsort.dscd.msk.f32 $0xffff, v37, v29;
	vm0 =	vmor vm0, vm5;
	v54 =	vsel vm2, $0x7F61B1E6, v39;
	v55 =	vmul.f32 v35, v16  }
0x364: {  	v30 =	vsub.f32 v30, v31;
	v44 =	vmul.f32 v35, v11;
	v56 =	vmul.f32 v42, v24  }
0x365: {  	v57 =	vsel vm1, $0x7F61B1E6, v32;
	v58 =	vmul.f32 v43, v10;
	v47 =	vmul.f32 v42, v18  }
0x366: {  	v34 =	vsel vm3, $0x7F61B1E6, v30;
	v32, v31, _ =	vpop (xrf1);
	(xrf1) =	vsort.dscd.msk.f32 $0xffff, v54, v46;
	v29 =	vmul.f32 v43, v25;
	v50 =	vmul.f32 v42, v9  }
0x367: {  	v33 =	vmul.f32 v35, v21;
	v38 =	vadd.f32 v19, v12;
	v35 =	vmul.f32 v35, v26  }
0x368: {  	v60 =	vmul.f32 v43, v15;
	v42 =	vmul.f32 v42, v14;
	v29 =	vadd.f32 v29, v56  }
0x369: {  	v48 =	vmul.f32 v43, v20;
	v30 =	vadd.f32 v19, v22;
	v45 =	vadd.f32 v58, v50  }
0x36a: {  	p3 =	seq.s32 s0, $0x1;
	v37 =	vsel vm0, $0x7F61B1E6, v36;
	v42 =	vadd.f32 v60, v42;
	v35 =	vadd.f32 v35, v29  }
.Ltmp30:
0x36b: {  	v63 =	vadd.f32 v19, v27;
	vm4 =	vle.f32 v3, v32;
	v40 =	vadd.f32 v48, v47;
	(pc) =	sbr.rel @p3 .LBB2_48-.Ltmp30, $4  }
0x36c: {  	v59, v49, _ =	vpop (xrf1);
	(xrf1) =	vsort.dscd.msk.f32 $0xffff, v57, v46;
	v29 =	vor.u32 s28, v0;
	v45 =	vadd.f32 v44, v45;
	v41 =	vadd.f32 v55, v42  }
0x36d: {  	vm1 =	vle.f32 v3, v59;
	vm2 =	vlt.s32 v29, v28;
	vm0 =	vlt.s32 v29, v13  }
0x36e: {  	s25 =	sadd.s32 $0xFFFFFFFF, s0;
	vm3 =	vlt.s32 v29, v23;
	v61 =	vsel vm1, v2, v49;
	v62 =	vsel vm1, v3, v59  }
0x36f: {  	s26 =	sadd.s32 $0x40, s2;
	p1 =	por $0x1, $0x1;
	s28 =	sadd.s32 $0x10, s28;
	v39 =	vsub.f32 v63, v35;
	vm1 =	vge.s32 v29, v17;
	(xrf1) =	vsort.ascd.msk.f32 $0xffff, v62, v61;
	v36, v35, _ =	vpop (xrf1)  }
0x370: {  	v42 =	vimm.s32 $0x0;
	vm5 =	vge.s32 v29, v8;
	v59 =	vsel vm4, v3, v32  }
0x371: {  	vm6 =	vge.s32 v29, v5;
	vm15 =	vge.s32 v29, v4;
	v43 =	vsel vm4, v2, v31  }
0x372: {  	s0 =	sand.u32 $0x70, s28;
	s1 =	sand.u32 $0xFFFFFE00, s26;
	v19 =	vadd.f32 v19, v7;
	v33 =	vadd.f32 v33, v40;
	v42 =	vsel vm14, $0xFFFFFFFF, v42  }
0x373: {  	vm14 =	vmmov vm13;
	vm13 =	vmmov vm12;
	vm12 =	vmmov vm10;
	s0 =	sor.u32 s0, s1;
	[tilespmem:$0x1FF80] =	vst v42  }
0x374: {  	vm10 =	vmmov vm9;
	vm9 =	vmmov vm8;
	v42 =	vsub.f32 v38, v45;
	v45 =	vld [tilespmem:s0+$0x100]  }
0x375: {  	vm8 =	vmmov vm7;
	vm7 =	vlt.s32 v29, v6;
	vm3 =	vmor vm3, vm5;
	v40 =	vld [tilespmem:s0+$0x0]  }
0x376: {  	(xrf1) =	vsort.ascd.msk.f32 $0xffff, v59, v43;
	vm2 =	vmor vm2, vm15;
	vm5 =	vle.f32 v3, v36;
	vm0 =	vmor vm0, vm6;
	v47 =	vld [tilespmem:s0+$0x80]  }
0x377: {  	v41 =	vsub.f32 v19, v41;
	v39 =	vsel vm2, $0x7F61B1E6, v39;
	(xrf1) =	vsort.dscd.msk.f32 $0xffff, v34, v46;
	v60 =	vsel vm5, v3, v36;
	v38, v43, _ =	vpop (xrf1)  }
0x378: {  	s31 =	sshra.s32 s26, $0x2;
	vm1 =	vmor vm7, vm1;
	v61 =	vsel vm5, v2, v35;
	(xrf1) =	vsort.dscd.msk.f32 $0xffff, v37, v46;
	vm2 =	vle.f32 v3, v38  }
0x379: {  	v30 =	vsub.f32 v30, v33;
	v19 =	vld [tilespmem:s31+$0xA000];
	v41 =	vsel vm1, $0x7F61B1E6, v41;
	(xrf1) =	vsort.ascd.msk.f32 $0xffff, v60, v61;
	v62 =	vsel vm2, v2, v43  }
0x37a: {  	v37 =	vsel vm0, $0x7F61B1E6, v42;
	v43, v44, _ =	vpop (xrf1);
	(xrf1) =	vsort.dscd.msk.f32 $0xffff, v39, v29;
	v46 =	vmul.f32 v45, v16;
	v50 =	vmul.f32 v45, v11  }
0x37b: {  	v60 =	vsel vm2, v3, v38;
	v48 =	vmul.f32 v40, v24;
	v63 =	vmul.f32 v47, v10  }
0x37c: {  	v42 =	vor.u32 s28, v0;
	(xrf1) =	vsort.ascd.msk.f32 $0xffff, v60, v62;
	v49 =	vmul.f32 v40, v18;
	v53 =	vmul.f32 v47, v20  }
0x37d: {  	vm0 =	vlt.s32 v42, v13;
	v54 =	vmul.f32 v47, v25;
	v56 =	vmul.f32 v40, v9  }
0x37e: {  	v33 =	vmul.f32 v45, v21;
	v38 =	vadd.f32 v19, v12;
	v45 =	vmul.f32 v45, v26;
	v51, v52, _ =	vpop (xrf1)  }
0x37f: {  	v47 =	vmul.f32 v47, v15;
	v40 =	vmul.f32 v40, v14;
	v62 =	vadd.f32 v19, v27;
	v61, v55, _ =	vpop (xrf1)  }
0x380: {  	p3 =	seq.s32 s25, $0x1;
	v48 =	vadd.f32 v54, v48;
	(xrf1) =	vsort.dscd.msk.f32 $0xffff, v41, v29;
	vm1 =	vle.f32 v61, v51  }
.Ltmp31:
0x381: {  	v47 =	vadd.f32 v47, v40;
	v52 =	vsel vm1, v55, v52;
	v51 =	vsel vm1, v61, v51;
	(pc) =	sbr.rel @p3 .LBB2_50-.Ltmp31, $4  }
0x382: {  	v34 =	vsel vm3, $0x7F61B1E6, v30;
	v63 =	vadd.f32 v63, v56;
	v45 =	vadd.f32 v45, v48;
	(xrf1) =	vsort.ascd.msk.f32 $0xffff, v51, v52  }
0x383: {  	vm3 =	vlt.s32 v42, v23;
	v30 =	vadd.f32 v19, v22;
	v40 =	vadd.f32 v53, v49  }
0x384: {  	s25 =	sadd.s32 $0xFFFFFFFF, s25;
	vm2 =	vlt.s32 v42, v28;
	v39 =	vsub.f32 v62, v45;
	v45 =	vadd.f32 v50, v63;
	v48, v49, _ =	vpop (xrf1)  }
0x385: {  	s26 =	sadd.s32 $0x40, s26;
	p2 =	por $0x1, $0x1;
	s28 =	sadd.s32 $0x10, s28;
	v41 =	vadd.f32 v46, v47;
	vm1 =	vge.s32 v42, v17;
	vm15 =	vle.f32 v48, v43;
	v47, v46, _ =	vpop (xrf1)  }
.LBB2_51:
0x386: {  	s0 =	sand.u32 $0x70, s28;
	s1 =	sand.u32 $0xFFFFFE00, s26;
	p3 =	seq.s32 s25, $0x1;
	v38 =	vsub.f32 v38, v45;
	vm6 =	vge.s32 v42, v8;
	v45 =	vsel vm15, v48, v43;
	v48, v50, _ =	vpop (xrf1)  }
0x387: {  	s25 =	sadd.s32 $0xFFFFFFFF, s25;
	vm5 =	vge.s32 v42, v5;
	vm7 =	vge.s32 v42, v4;
	v54 =	vsel vm15, v49, v44;
	s0 =	sor.u32 s0, s1;
	v51, v52, _ =	vpop (xrf1)  }
0x388: {  	v19 =	vadd.f32 v19, v7;
	vm15 =	vlt.s32 v42, v6;
	v33 =	vadd.f32 v33, v40;
	v53 =	vld [tilespmem:s0+$0x100];
	v43, v44, _ =	vpop (xrf1)  }
0x389: {  	vm3 =	vmor vm3, vm6;
	vm2 =	vmor vm2, vm7;
	vm6 =	vle.f32 v51, v47;
	v40 =	vld [tilespmem:s0+$0x0];
	(xrf1) =	vsort.ascd.msk.f32 $0xffff, v45, v54  }
0x38a: {  	v41 =	vsub.f32 v19, v41;
	v39 =	vsel vm2, $0x7F61B1E6, v39;
	v45 =	vld [tilespmem:s0+$0x80];
	(xrf1) =	vsort.dscd.msk.f32 $0xffff, v34, v29;
	v34 =	vsel vm6, v51, v47;
	v47, v49, _ =	vpop (xrf1)  }
0x38b: {  	vm1 =	vmor vm15, vm1;
	v30 =	vsub.f32 v30, v33;
	s0 =	sshra.s32 s26, $0x2;
	vm2 =	vle.f32 v47, v48  }
0x38c: {  	v33 =	vsel vm6, v52, v46;
	v41 =	vsel vm1, $0x7F61B1E6, v41;
	v19 =	vld [tilespmem:s0+$0xA000];
	(xrf1) =	vsort.dscd.msk.f32 $0xffff, v37, v29;
	v29 =	vmov v42  }
0x38d: {  	vm0 =	vmor vm0, vm5;
	v42 =	vsel vm2, v49, v50;
	v46 =	vmul.f32 v53, v16;
	(xrf1) =	vsort.ascd.msk.f32 $0xffff, v34, v33  }
0x38e: {  	v50 =	vmul.f32 v53, v11;
	v34 =	vsel vm3, $0x7F61B1E6, v30;
	v49 =	vmul.f32 v40, v24;
	(xrf1) =	vsort.dscd.msk.f32 $0xffff, v39, v29  }
0x38f: {  	v30 =	vsel vm2, v47, v48;
	v51 =	vmul.f32 v40, v18;
	v39 =	vmul.f32 v45, v10;
	v52, v54, _ =	vpop (xrf1)  }
0x390: {  	v37 =	vsel vm0, $0x7F61B1E6, v38;
	v47 =	vmul.f32 v45, v20;
	v48 =	vmul.f32 v45, v25;
	(xrf1) =	vsort.ascd.msk.f32 $0xffff, v30, v42;
	v42, v55, _ =	vpop (xrf1)  }
0x391: {  	v33 =	vmul.f32 v53, v21;
	v56 =	vmul.f32 v40, v9;
	vm0 =	vle.f32 v42, v52  }
0x392: {  	v53 =	vmul.f32 v53, v26;
	v38 =	vadd.f32 v19, v12;
	v30 =	vadd.f32 v19, v22  }
0x393: {  	v45 =	vmul.f32 v45, v15;
	v48 =	vadd.f32 v48, v49;
	v49 =	vsel vm0, v55, v54  }
0x394: {  	v54 =	vadd.f32 v39, v56;
	v39 =	vmul.f32 v40, v14;
	v40 =	vsel vm0, v42, v52  }
.Ltmp32:
0x395: {  	v52 =	vadd.f32 v19, v27;
	v53 =	vadd.f32 v53, v48;
	(xrf1) =	vsort.dscd.msk.f32 $0xffff, v41, v29;
	(pc) =	sbr.rel @!p3 .LBB2_51-.Ltmp32, $4  }
0x396: {  	v42 =	vor.u32 s28, v0;
	v41 =	vadd.f32 v45, v39;
	(xrf1) =	vsort.ascd.msk.f32 $0xffff, v40, v49  }
0x397: {  	vm2 =	vlt.s32 v42, v28;
	v39 =	vsub.f32 v52, v53;
	v40 =	vadd.f32 v47, v51;
	v48, v49, _ =	vpop (xrf1)  }
0x398: {  	v45 =	vadd.f32 v50, v54;
	v41 =	vadd.f32 v46, v41;
	vm15 =	vle.f32 v48, v43;
	v47, v46, _ =	vpop (xrf1)  }
0x399: {  	s26 =	sadd.s32 $0x40, s26;
	s28 =	sadd.s32 $0x10, s28;
	vm0 =	vlt.s32 v42, v13;
	vm1 =	vge.s32 v42, v17;
	vm3 =	vlt.s32 v42, v23  }
0x39a: {  	v9 =	vld [tilespmem:$0x1FF80]  }
.Ltmp33:
0x39b: {  	_ = 	snop;
	(pc) =	sbr.rel .LBB2_53-.Ltmp33, $4  }
0x39c: {  	_ = 	snop  }
0x39d: {  	vm7 =	vmmov vm8  }
0x39e: {  	vm8 =	vmmov vm9;
	vm9 =	vmmov vm10;
	vm10 =	vmmov vm12  }
0x39f: {  	vm12 =	vmmov vm13;
	vm13 =	vmmov vm14;
	vm14 =	vnez.u8 v9  }
.LBB2_14:
.Ltmp34:
0x3a0: {  	(pc) =	sbr.rel .LBB2_21-.Ltmp34, $2  }
0x3a1: {  	_ =	sdelay $0x2  }
0x3a2: {  	v49 =	vmov v36;
	v55 =	vimm.f32 $3.000000010e+38;
	v56 =	vimm.s32 $0x0  }
.LBB2_24:
.Ltmp35:
0x3a3: {  	(pc) =	sbr.rel .LBB2_31-.Ltmp35, $2  }
0x3a4: {  	_ =	sdelay $0x2  }
0x3a5: {  	v48 =	vmov v35;
	v54 =	vimm.f32 $3.000000010e+38;
	v55 =	vimm.s32 $0x0  }
.LBB2_34:
.Ltmp36:
0x3a6: {  	(pc) =	sbr.rel .LBB2_41-.Ltmp36, $2  }
0x3a7: {  	_ =	sdelay $0x2  }
0x3a8: {  	v49 =	vmov v36;
	v55 =	vimm.f32 $3.000000010e+38;
	v56 =	vimm.s32 $0x0  }
.LBB2_16:
.Ltmp37:
0x3a9: {  	(pc) =	sbr.rel .LBB2_21-.Ltmp37, $2  }
0x3aa: {  	_ =	sdelay $0x2  }
0x3ab: {  	v49 =	vmov v53;
	v55 =	vimm.f32 $3.000000010e+38;
	v56 =	vimm.s32 $0x0  }
.LBB2_26:
.Ltmp38:
0x3ac: {  	(pc) =	sbr.rel .LBB2_31-.Ltmp38, $2  }
0x3ad: {  	_ =	sdelay $0x2  }
0x3ae: {  	v48 =	vmov v52;
	v54 =	vimm.f32 $3.000000010e+38;
	v55 =	vimm.s32 $0x0  }
.LBB2_36:
.Ltmp39:
0x3af: {  	(pc) =	sbr.rel .LBB2_41-.Ltmp39, $2  }
0x3b0: {  	_ =	sdelay $0x2  }
0x3b1: {  	v49 =	vmov v53;
	v55 =	vimm.f32 $3.000000010e+38;
	v56 =	vimm.s32 $0x0  }
.LBB2_46:
.Ltmp40:
0x3b2: {  	(pc) =	sbr.rel .LBB2_53-.Ltmp40, $2  }
0x3b3: {  	_ =	sdelay $0x2  }
0x3b4: {  	v42 =	vmov v46;
	v48 =	vimm.f32 $3.000000010e+38;
	v49 =	vimm.s32 $0x0  }
.LBB2_18:
.Ltmp41:
0x3b5: {  	(pc) =	sbr.rel .LBB2_21-.Ltmp41, $3  }
0x3b6: {  	_ =	sdelay $0x1  }
0x3b7: {  	v49 =	vmovc v36;
	vm5 =	vmmov vm3;
	v55 =	vimm.f32 $3.000000010e+38;
	v50 =	vmov v39  }
0x3b8: {  	v56 =	vimm.s32 $0x0;
	v51 =	vmovc v38;
	v54 =	vmovc v43;
	v36 =	vmov v53;
	v53 =	vmov v42  }
.LBB2_28:
.Ltmp42:
0x3b9: {  	(pc) =	sbr.rel .LBB2_31-.Ltmp42, $3  }
0x3ba: {  	_ =	sdelay $0x1  }
0x3bb: {  	v48 =	vmovc v35;
	vm3 =	vmmov vm7;
	v54 =	vimm.f32 $3.000000010e+38;
	v49 =	vmov v38  }
0x3bc: {  	v55 =	vimm.s32 $0x0;
	v50 =	vmovc v37;
	v53 =	vmovc v42;
	v35 =	vmov v52;
	v52 =	vmov v41  }
.LBB2_38:
.Ltmp43:
0x3bd: {  	(pc) =	sbr.rel .LBB2_41-.Ltmp43, $3  }
0x3be: {  	_ =	sdelay $0x1  }
0x3bf: {  	v49 =	vmovc v36;
	vm3 =	vmmov vm11;
	v55 =	vimm.f32 $3.000000010e+38;
	v50 =	vmov v39  }
0x3c0: {  	v56 =	vimm.s32 $0x0;
	v51 =	vmovc v38;
	v54 =	vmovc v43;
	v36 =	vmov v53;
	v53 =	vmov v42  }
.LBB2_48:
.Ltmp44:
0x3c1: {  	(pc) =	sbr.rel .LBB2_53-.Ltmp44, $3  }
0x3c2: {  	_ =	sdelay $0x1  }
0x3c3: {  	v42 =	vmovc v29;
	vm15 =	vmmov vm4;
	v48 =	vimm.f32 $3.000000010e+38;
	v43 =	vmov v32  }
0x3c4: {  	v49 =	vimm.s32 $0x0;
	v44 =	vmovc v31;
	v47 =	vmovc v36;
	v29 =	vmov v46;
	v46 =	vmov v35  }
.LBB2_50:
0x3c5: {  	v9 =	vld [tilespmem:$0x1FF80]  }
.Ltmp45:
0x3c6: {  	_ = 	snop;
	(pc) =	sbr.rel .LBB2_53-.Ltmp45, $4  }
0x3c7: {  	_ = 	snop  }
0x3c8: {  	vm7 =	vmmov vm8  }
0x3c9: {  	vm8 =	vmmov vm9;
	vm9 =	vmmov vm10;
	vm10 =	vmmov vm12  }
0x3ca: {  	vm12 =	vmmov vm13;
	vm13 =	vmmov vm14;
	vm14 =	vnez.u8 v9  }
.LBB2_56:
0x3cb: {  	_ =	sfence.sel $0x180000  }
0x3cc: {  	[bflag:$0x0] =	sbarrier.arrive $0xFFFF  }
0x3cd: {  	_ =	strace $0x90000047  }
0x3ce: {  	s0 =	stileid.u32;
	[bflag:$0x2] =	sbarrier.arrive $0xFFFF  }
0x3cf: {  	p0 =	sne.s32 s0, $0x0;
	s0 =	rddreg [dreg:$0x5]  }
0x3d0: {  	s0 =	sadd.s32 @!p0 $0x100000, s0  }
0x3d1: {  	[sflag:s0] =	ssyncadd.tile.s32 @!p0 $0x1;
	_ =	shalt  }
.Lfunc_end2:
_tile_overlayer_lowered:
.L_overlay_start_2:
0x3d2: {  	(tag) =	ssettag $0x2  }
0x3d3: {  	s0 =	rddreg [dreg:$0x0];
	s2 =	stileid.u32  }
0x3d4: {  	s1 =	rddreg [dreg:$0x1];
	p0 =	sne.s32 s2, $0x0  }
0x3d5: {  	s3 =	rddreg [dreg:$0x2];
	[bflag:$0x3] =	sbarrier.arrive $0xFFFF;
	s2 =	simm.s32 @!p0 $0x1C01  }
0x3d6: {  	[timem:s3], [sflag:s2] =	dma.local @!p0 [hbm:s0], s1  }
0x3d7: {  	s0 =	simm.s32 @!p0 $0x1  }
0x3d8: {  	_ =	swait.ge @!p0 [sflag:s0], s1  }
0x3d9: {  	s1 =	ssub.s32 @!p0 $0x0, s1;
	[sflag:s0] =	ssyncset.done @!p0 $0x0  }
0x3da: {  	[sflag:s0] =	ssyncadd.s32 @!p0 s1  }
0x3db: {  	[bflag:$0x3] =	sbarrier.arrive $0xFFFF  }
0x3dc: {  	_ =	shalt  }

</sc_bundles>
